<compile_context>
chip_gen: v7x
topology: tpu7x:2x2x1
jax: 0.10.2.dev20260603
libtpu: 0.0.44.dev20260713+nightly
codegen_flags: <defaults>
</compile_context>

<pallas_src>
import jax
import jax.numpy as jnp
from jax import lax
from jax.experimental import pallas as pl
from jax.experimental.pallas import tpu as pltpu
from jax.experimental.pallas import tpu_sc as plsc

TOP_K = 2
NUM_EXPERTS = 8
DIM = 768
ALPHA = 0.001
BSZ = 4
SEQ = 8192

TOKENS = BSZ * SEQ
LANES = 16
NCORES = 2
NSUB = 16
NW = NCORES * NSUB
TPW = TOKENS // NW
GROUPS = TPW // LANES
NACC = 2 * NUM_EXPERTS
NEG_INF = float("-inf")

BLOCK_T = 2048
GRID = TOKENS // BLOCK_T

AUX_SCALE = ALPHA * NUM_EXPERTS / (SEQ * TOP_K) / SEQ / BSZ


def _scores_body(x_ref, w_ref, s_ref):
    x = x_ref[...]
    w = w_ref[...]
    logits = lax.dot_general(
        w, x, (((1,), (1,)), ((), ())),
        preferred_element_type=jnp.float32)
    m = jnp.max(logits, axis=0, keepdims=True)
    ex = jnp.exp(logits - m)
    s_ref[...] = ex / jnp.sum(ex, axis=0, keepdims=True)


def _tc_scores(hs, weight):
    return pl.pallas_call(
        _scores_body,
        grid=(GRID,),
        in_specs=[
            pl.BlockSpec((BLOCK_T, DIM), lambda i: (i, 0)),
            pl.BlockSpec((NUM_EXPERTS, DIM), lambda i: (0, 0)),
        ],
        out_specs=pl.BlockSpec((NUM_EXPERTS, BLOCK_T), lambda i: (0, i)),
        out_shape=jax.ShapeDtypeStruct((NUM_EXPERTS, TOKENS), jnp.float32),
    )(hs, weight)


def _routing_body(scores_hbm, it_hbm, wt_hbm, aux_hbm,
                  scores_v, i1_v, i2_v, w1_v, w2_v, acc_v, red_v, out16_v,
                  shared, dma_sem):
    cid = lax.axis_index("c")
    sid = lax.axis_index("s")
    wid = cid * NSUB + sid
    base = wid * TPW

    copies = [
        pltpu.async_copy(scores_hbm.at[e, pl.ds(base, TPW)],
                         scores_v.at[pl.ds(e * TPW, TPW)], dma_sem)
        for e in range(NUM_EXPERTS)
    ]
    for c in copies:
        c.wait()

    lane = lax.iota(jnp.int32, LANES)
    zf = jnp.zeros((LANES,), jnp.float32)

    def group(g, acc):
        cnt, ssum = acc
        off = g * LANES
        p = [scores_v[pl.ds(e * TPW + off, LANES)] for e in range(NUM_EXPERTS)]

        m1 = p[0]
        i1 = jnp.zeros((LANES,), jnp.int32)
        m2 = jnp.full((LANES,), NEG_INF, jnp.float32)
        i2 = jnp.zeros((LANES,), jnp.int32)
        for e in range(1, NUM_EXPERTS):
            pe = p[e]
            ei = jnp.full((LANES,), e, jnp.int32)
            gt1 = pe > m1
            gt2 = pe > m2
            i2 = jnp.where(gt1, i1, jnp.where(gt2, ei, i2))
            m2 = jnp.where(gt1, m1, jnp.where(gt2, pe, m2))
            i1 = jnp.where(gt1, ei, i1)
            m1 = jnp.where(gt1, pe, m1)

        r = 1.0 / (m1 + m2 + 1e-20)
        sl = pl.ds(off, LANES)
        i1_v[sl] = i1
        i2_v[sl] = i2
        w1_v[sl] = m1 * r
        w2_v[sl] = m2 * r

        cnt = [cnt[e]
               + jnp.where(i1 == e, 1.0, zf)
               + jnp.where(i2 == e, 1.0, zf)
               for e in range(NUM_EXPERTS)]
        ssum = [ssum[e] + p[e] for e in range(NUM_EXPERTS)]
        return (cnt, ssum)

    init = ([zf] * NUM_EXPERTS, [zf] * NUM_EXPERTS)
    cnt, ssum = lax.fori_loop(0, GROUPS, group, init)

    pltpu.sync_copy(i1_v, it_hbm.at[0, pl.ds(base, TPW)])
    pltpu.sync_copy(i2_v, it_hbm.at[1, pl.ds(base, TPW)])
    pltpu.sync_copy(w1_v, wt_hbm.at[0, pl.ds(base, TPW)])
    pltpu.sync_copy(w2_v, wt_hbm.at[1, pl.ds(base, TPW)])

    for e in range(NUM_EXPERTS):
        acc_v[e, :] = cnt[e]
        acc_v[NUM_EXPERTS + e, :] = ssum[e]
    pltpu.sync_copy(acc_v, shared.at[sid])
    plsc.subcore_barrier()

    @pl.when(sid == 0)
    def _reduce():
        pltpu.sync_copy(shared, red_v)
        aux = jnp.float32(0.0)
        for b in range(2):
            tot = []
            for a in range(NACC):
                v = red_v[8 * b, a, :]
                for w in range(8 * b + 1, 8 * b + 8):
                    v = v + red_v[w, a, :]
                tot.append(jnp.sum(v))
            term = tot[0] * tot[NUM_EXPERTS]
            for e in range(1, NUM_EXPERTS):
                term = term + tot[e] * tot[NUM_EXPERTS + e]
            aux = aux + term
        out16_v[...] = jnp.where(lane == 0, aux * AUX_SCALE, zf)
        pltpu.sync_copy(out16_v, aux_hbm.at[pl.ds(cid * LANES, LANES)])


_sc_routing = pl.kernel(
    _routing_body,
    out_type=(
        jax.ShapeDtypeStruct((TOP_K, TOKENS), jnp.int32),
        jax.ShapeDtypeStruct((TOP_K, TOKENS), jnp.float32),
        jax.ShapeDtypeStruct((NCORES * LANES,), jnp.float32),
    ),
    mesh=plsc.VectorSubcoreMesh(core_axis_name="c", subcore_axis_name="s"),
    compiler_params=pltpu.CompilerParams(needs_layout_passes=False),
    scratch_types=[
        pltpu.VMEM((NUM_EXPERTS * TPW,), jnp.float32),
        pltpu.VMEM((TPW,), jnp.int32),
        pltpu.VMEM((TPW,), jnp.int32),
        pltpu.VMEM((TPW,), jnp.float32),
        pltpu.VMEM((TPW,), jnp.float32),
        pltpu.VMEM((NACC, LANES), jnp.float32),
        pltpu.VMEM((NSUB, NACC, LANES), jnp.float32),
        pltpu.VMEM((LANES,), jnp.float32),
        pltpu.VMEM_SHARED((NSUB, NACC, LANES), jnp.float32),
        pltpu.SemaphoreType.DMA,
    ],
)


FMT_GRID = 4
FMT_T = TOKENS // FMT_GRID
FMT_BR = FMT_T // 128


def _format_body(it_ref, wt_ref, aux_ref, io_ref, wo_ref, ao_ref):
    io_ref[...] = jnp.transpose(it_ref[...])
    wo_ref[...] = jnp.transpose(wt_ref[...])

    @pl.when(pl.program_id(0) == 0)
    def _aux():
        ao_ref[...] = jnp.sum(aux_ref[...], axis=1, keepdims=True)


def _tc_format(it, wt, aux2):
    return pl.pallas_call(
        _format_body,
        grid=(FMT_GRID,),
        in_specs=[
            pl.BlockSpec((TOP_K, FMT_T), lambda i: (0, i)),
            pl.BlockSpec((TOP_K, FMT_T), lambda i: (0, i)),
            pl.BlockSpec((1, NCORES * LANES), lambda i: (0, 0)),
        ],
        out_specs=(
            pl.BlockSpec((FMT_T, TOP_K), lambda i: (i, 0)),
            pl.BlockSpec((FMT_T, TOP_K), lambda i: (i, 0)),
            pl.BlockSpec((1, 1), lambda i: (0, 0)),
        ),
        out_shape=(
            jax.ShapeDtypeStruct((TOKENS, TOP_K), jnp.int32),
            jax.ShapeDtypeStruct((TOKENS, TOP_K), jnp.float32),
            jax.ShapeDtypeStruct((1, 1), jnp.float32),
        ),
    )(it, wt, aux2)


@jax.jit
def kernel(hidden_states, weight):
    hs = hidden_states.reshape(TOKENS, DIM)
    scores = _tc_scores(hs, weight)
    it, wt, aux2 = _sc_routing(scores)
    topk_idx, topk_w, aux = _tc_format(it, wt,
                                       aux2.reshape(1, NCORES * LANES))
    return (topk_idx, topk_w, aux[0, 0])

# --- scband reference (transcript-rebuilt; emitter-appended) ---
"""Pipeline reference for scband-mo-egate-1108101562792 (READ-ONLY COPY).

The authoritative reference and input builder live on the scoring server;
editing this copy changes nothing except your own understanding.
"""

import jax, jax.numpy as jnp
import numpy as np

TOP_K = 2
NUM_EXPERTS = 8
DIM = 768
ALPHA = 0.001
BSZ = 4
SEQ = 8192


def setup_inputs(seed: int = 0) -> dict:
    key = jax.random.key(seed)
    k1, k2 = jax.random.split(key)
    hidden_states = jax.random.normal(k1, (BSZ, SEQ, DIM), dtype=jnp.float32)
    # kaiming_uniform_(a=sqrt(5)) on (E, dim) -> bound = 1/sqrt(dim)
    bound = 1.0 / np.sqrt(DIM)
    weight = jax.random.uniform(k2, (NUM_EXPERTS, DIM), dtype=jnp.float32, minval=-bound, maxval=bound)
    return {"hidden_states": hidden_states, "weight": weight}


def reference(hidden_states, weight):
    bsz, seq_len, h = hidden_states.shape
    hs = hidden_states.reshape(-1, h)
    logits = hs @ weight.T
    scores = jax.nn.softmax(logits, axis=-1)
    topk_weight, topk_idx = jax.lax.top_k(scores, TOP_K)
    # norm_topk_prob (top_k > 1)
    denominator = topk_weight.sum(axis=-1, keepdims=True) + 1e-20
    topk_weight = topk_weight / denominator
    # training aux loss (seq_aux=True)
    topk_idx_for_aux = topk_idx.reshape(bsz, -1)
    scores_for_seq_aux = scores.reshape(bsz, seq_len, -1)
    rows = jnp.arange(bsz)[:, None]
    ce = jnp.zeros((bsz, NUM_EXPERTS), dtype=jnp.float32)
    ce = ce.at[rows, topk_idx_for_aux].add(1.0)
    ce = ce / (seq_len * TOP_K / NUM_EXPERTS)
    aux_loss = (ce * scores_for_seq_aux.mean(axis=1)).sum(axis=1).mean() * ALPHA
    return (topk_idx, topk_weight, aux_loss)

if __name__ == "__main__":
    import jax
    _d = setup_inputs()
    print(jax.jit(kernel)(*tuple(_d.values())))

</pallas_src>

<mosaic_0001>
#map = affine_map<(d0, d1) -> (0, 0)>
#map1 = affine_map<(d0, d1) -> (0)>
module attributes {stable_mosaic.version = 14 : i64} {
  func.func @_routing_body(%arg0: i32, %arg1: i32, %arg2: memref<8x32768xf32, #tpu.memory_space<hbm>>, %arg3: memref<2x32768xi32, #tpu.memory_space<hbm>>, %arg4: memref<2x32768xf32, #tpu.memory_space<hbm>>, %arg5: memref<32xf32, #tpu.memory_space<hbm>>, %arg6: memref<8192xf32, #tpu.memory_space<vmem>>, %arg7: memref<1024xi32, #tpu.memory_space<vmem>>, %arg8: memref<1024xi32, #tpu.memory_space<vmem>>, %arg9: memref<1024xf32, #tpu.memory_space<vmem>>, %arg10: memref<1024xf32, #tpu.memory_space<vmem>>, %arg11: memref<16x16xf32, #tpu.memory_space<vmem>>, %arg12: memref<16x16x16xf32, #tpu.memory_space<vmem>>, %arg13: memref<16xf32, #tpu.memory_space<vmem>>, %arg14: memref<16x16x16xf32, #tpu.memory_space<vmem_shared>>, %arg15: memref<!tpu.dma_semaphore, #tpu.memory_space<semaphore_mem>>) attributes {dimension_semantics = [#tpu.dimension_semantics<core_parallel>, #tpu.dimension_semantics<subcore_parallel>], iteration_bounds = array<i64: 2, 16>, scalar_prefetch = 0 : i64, scratch_operands = 10 : i64, tpu.core_type = #tpu.core_type<sc_vector_subcore>, window_params = [{transform_indices = #map}, {transform_indices = #map}, {transform_indices = #map}, {transform_indices = #map1}]} {
    %mul3A = arith.constant 16 : i32
    %mul3A_0 = arith.muli %arg0, %mul3A : i32
    %add3A = arith.addi %mul3A_0, %arg1 : i32
    %mul3A_1 = arith.constant 1024 : i32
    %mul3A_2 = arith.muli %add3A, %mul3A_1 : i32
    %dma_start3A = arith.constant 0 : i32
    %dma_start3A_3 = arith.constant 0 : i32
    %dma_start3A_4 = tpu.memref_slice %arg6[%dma_start3A_3] : memref<8192xf32, #tpu.memory_space<vmem>> -> memref<1024xf32, #tpu.memory_space<vmem>>
    %dma_start3A_5 = tpu.memref_slice %arg2[%dma_start3A, %mul3A_2] : memref<8x32768xf32, #tpu.memory_space<hbm>> -> memref<1x1024xf32, #tpu.memory_space<hbm>>
    %dma_start3A_6 = tpu.memref_squeeze %dma_start3A_5 : memref<1x1024xf32, #tpu.memory_space<hbm>> -> memref<1024xf32, #tpu.memory_space<hbm>>
    %dma_start3A_7 = arith.constant 0 : i32
    %dma_start3A_8 = tpu.memref_slice %arg6[%dma_start3A_7] : memref<8192xf32, #tpu.memory_space<vmem>> -> memref<1024xf32, #tpu.memory_space<vmem>>
    %dma_start3A_9 = tpu.memref_slice %arg2[%dma_start3A, %mul3A_2] : memref<8x32768xf32, #tpu.memory_space<hbm>> -> memref<1x1024xf32, #tpu.memory_space<hbm>>
    %dma_start3A_10 = tpu.memref_squeeze %dma_start3A_9 : memref<1x1024xf32, #tpu.memory_space<hbm>> -> memref<1024xf32, #tpu.memory_space<hbm>>
    tpu.enqueue_dma source(%dma_start3A_10 : memref<1024xf32, #tpu.memory_space<hbm>>) target(%dma_start3A_8 : memref<1024xf32, #tpu.memory_space<vmem>>) target_semaphore(%arg15 : memref<!tpu.dma_semaphore, #tpu.memory_space<semaphore_mem>>)
    %dma_start3A_11 = arith.constant 1 : i32
    %dma_start3A_12 = arith.constant 1024 : i32
    %dma_start3A_13 = tpu.memref_slice %arg6[%dma_start3A_12] : memref<8192xf32, #tpu.memory_space<vmem>> -> memref<1024xf32, #tpu.memory_space<vmem>>
    %dma_start3A_14 = tpu.memref_slice %arg2[%dma_start3A_11, %mul3A_2] : memref<8x32768xf32, #tpu.memory_space<hbm>> -> memref<1x1024xf32, #tpu.memory_space<hbm>>
    %dma_start3A_15 = tpu.memref_squeeze %dma_start3A_14 : memref<1x1024xf32, #tpu.memory_space<hbm>> -> memref<1024xf32, #tpu.memory_space<hbm>>
    %dma_start3A_16 = arith.constant 1024 : i32
    %dma_start3A_17 = tpu.memref_slice %arg6[%dma_start3A_16] : memref<8192xf32, #tpu.memory_space<vmem>> -> memref<1024xf32, #tpu.memory_space<vmem>>
    %dma_start3A_18 = tpu.memref_slice %arg2[%dma_start3A_11, %mul3A_2] : memref<8x32768xf32, #tpu.memory_space<hbm>> -> memref<1x1024xf32, #tpu.memory_space<hbm>>
    %dma_start3A_19 = tpu.memref_squeeze %dma_start3A_18 : memref<1x1024xf32, #tpu.memory_space<hbm>> -> memref<1024xf32, #tpu.memory_space<hbm>>
    tpu.enqueue_dma source(%dma_start3A_19 : memref<1024xf32, #tpu.memory_space<hbm>>) target(%dma_start3A_17 : memref<1024xf32, #tpu.memory_space<vmem>>) target_semaphore(%arg15 : memref<!tpu.dma_semaphore, #tpu.memory_space<semaphore_mem>>)
    %dma_start3A_20 = arith.constant 2 : i32
    %dma_start3A_21 = arith.constant 2048 : i32
    %dma_start3A_22 = tpu.memref_slice %arg6[%dma_start3A_21] : memref<8192xf32, #tpu.memory_space<vmem>> -> memref<1024xf32, #tpu.memory_space<vmem>>
    %dma_start3A_23 = tpu.memref_slice %arg2[%dma_start3A_20, %mul3A_2] : memref<8x32768xf32, #tpu.memory_space<hbm>> -> memref<1x1024xf32, #tpu.memory_space<hbm>>
    %dma_start3A_24 = tpu.memref_squeeze %dma_start3A_23 : memref<1x1024xf32, #tpu.memory_space<hbm>> -> memref<1024xf32, #tpu.memory_space<hbm>>
    %dma_start3A_25 = arith.constant 2048 : i32
    %dma_start3A_26 = tpu.memref_slice %arg6[%dma_start3A_25] : memref<8192xf32, #tpu.memory_space<vmem>> -> memref<1024xf32, #tpu.memory_space<vmem>>
    %dma_start3A_27 = tpu.memref_slice %arg2[%dma_start3A_20, %mul3A_2] : memref<8x32768xf32, #tpu.memory_space<hbm>> -> memref<1x1024xf32, #tpu.memory_space<hbm>>
    %dma_start3A_28 = tpu.memref_squeeze %dma_start3A_27 : memref<1x1024xf32, #tpu.memory_space<hbm>> -> memref<1024xf32, #tpu.memory_space<hbm>>
    tpu.enqueue_dma source(%dma_start3A_28 : memref<1024xf32, #tpu.memory_space<hbm>>) target(%dma_start3A_26 : memref<1024xf32, #tpu.memory_space<vmem>>) target_semaphore(%arg15 : memref<!tpu.dma_semaphore, #tpu.memory_space<semaphore_mem>>)
    %dma_start3A_29 = arith.constant 3 : i32
    %dma_start3A_30 = arith.constant 3072 : i32
    %dma_start3A_31 = tpu.memref_slice %arg6[%dma_start3A_30] : memref<8192xf32, #tpu.memory_space<vmem>> -> memref<1024xf32, #tpu.memory_space<vmem>>
    %dma_start3A_32 = tpu.memref_slice %arg2[%dma_start3A_29, %mul3A_2] : memref<8x32768xf32, #tpu.memory_space<hbm>> -> memref<1x1024xf32, #tpu.memory_space<hbm>>
    %dma_start3A_33 = tpu.memref_squeeze %dma_start3A_32 : memref<1x1024xf32, #tpu.memory_space<hbm>> -> memref<1024xf32, #tpu.memory_space<hbm>>
    %dma_start3A_34 = arith.constant 3072 : i32
    %dma_start3A_35 = tpu.memref_slice %arg6[%dma_start3A_34] : memref<8192xf32, #tpu.memory_space<vmem>> -> memref<1024xf32, #tpu.memory_space<vmem>>
    %dma_start3A_36 = tpu.memref_slice %arg2[%dma_start3A_29, %mul3A_2] : memref<8x32768xf32, #tpu.memory_space<hbm>> -> memref<1x1024xf32, #tpu.memory_space<hbm>>
    %dma_start3A_37 = tpu.memref_squeeze %dma_start3A_36 : memref<1x1024xf32, #tpu.memory_space<hbm>> -> memref<1024xf32, #tpu.memory_space<hbm>>
    tpu.enqueue_dma source(%dma_start3A_37 : memref<1024xf32, #tpu.memory_space<hbm>>) target(%dma_start3A_35 : memref<1024xf32, #tpu.memory_space<vmem>>) target_semaphore(%arg15 : memref<!tpu.dma_semaphore, #tpu.memory_space<semaphore_mem>>)
    %dma_start3A_38 = arith.constant 4 : i32
    %dma_start3A_39 = arith.constant 4096 : i32
    %dma_start3A_40 = tpu.memref_slice %arg6[%dma_start3A_39] : memref<8192xf32, #tpu.memory_space<vmem>> -> memref<1024xf32, #tpu.memory_space<vmem>>
    %dma_start3A_41 = tpu.memref_slice %arg2[%dma_start3A_38, %mul3A_2] : memref<8x32768xf32, #tpu.memory_space<hbm>> -> memref<1x1024xf32, #tpu.memory_space<hbm>>
    %dma_start3A_42 = tpu.memref_squeeze %dma_start3A_41 : memref<1x1024xf32, #tpu.memory_space<hbm>> -> memref<1024xf32, #tpu.memory_space<hbm>>
    %dma_start3A_43 = arith.constant 4096 : i32
    %dma_start3A_44 = tpu.memref_slice %arg6[%dma_start3A_43] : memref<8192xf32, #tpu.memory_space<vmem>> -> memref<1024xf32, #tpu.memory_space<vmem>>
    %dma_start3A_45 = tpu.memref_slice %arg2[%dma_start3A_38, %mul3A_2] : memref<8x32768xf32, #tpu.memory_space<hbm>> -> memref<1x1024xf32, #tpu.memory_space<hbm>>
    %dma_start3A_46 = tpu.memref_squeeze %dma_start3A_45 : memref<1x1024xf32, #tpu.memory_space<hbm>> -> memref<1024xf32, #tpu.memory_space<hbm>>
    tpu.enqueue_dma source(%dma_start3A_46 : memref<1024xf32, #tpu.memory_space<hbm>>) target(%dma_start3A_44 : memref<1024xf32, #tpu.memory_space<vmem>>) target_semaphore(%arg15 : memref<!tpu.dma_semaphore, #tpu.memory_space<semaphore_mem>>)
    %dma_start3A_47 = arith.constant 5 : i32
    %dma_start3A_48 = arith.constant 5120 : i32
    %dma_start3A_49 = tpu.memref_slice %arg6[%dma_start3A_48] : memref<8192xf32, #tpu.memory_space<vmem>> -> memref<1024xf32, #tpu.memory_space<vmem>>
    %dma_start3A_50 = tpu.memref_slice %arg2[%dma_start3A_47, %mul3A_2] : memref<8x32768xf32, #tpu.memory_space<hbm>> -> memref<1x1024xf32, #tpu.memory_space<hbm>>
    %dma_start3A_51 = tpu.memref_squeeze %dma_start3A_50 : memref<1x1024xf32, #tpu.memory_space<hbm>> -> memref<1024xf32, #tpu.memory_space<hbm>>
    %dma_start3A_52 = arith.constant 5120 : i32
    %dma_start3A_53 = tpu.memref_slice %arg6[%dma_start3A_52] : memref<8192xf32, #tpu.memory_space<vmem>> -> memref<1024xf32, #tpu.memory_space<vmem>>
    %dma_start3A_54 = tpu.memref_slice %arg2[%dma_start3A_47, %mul3A_2] : memref<8x32768xf32, #tpu.memory_space<hbm>> -> memref<1x1024xf32, #tpu.memory_space<hbm>>
    %dma_start3A_55 = tpu.memref_squeeze %dma_start3A_54 : memref<1x1024xf32, #tpu.memory_space<hbm>> -> memref<1024xf32, #tpu.memory_space<hbm>>
    tpu.enqueue_dma source(%dma_start3A_55 : memref<1024xf32, #tpu.memory_space<hbm>>) target(%dma_start3A_53 : memref<1024xf32, #tpu.memory_space<vmem>>) target_semaphore(%arg15 : memref<!tpu.dma_semaphore, #tpu.memory_space<semaphore_mem>>)
    %dma_start3A_56 = arith.constant 6 : i32
    %dma_start3A_57 = arith.constant 6144 : i32
    %dma_start3A_58 = tpu.memref_slice %arg6[%dma_start3A_57] : memref<8192xf32, #tpu.memory_space<vmem>> -> memref<1024xf32, #tpu.memory_space<vmem>>
    %dma_start3A_59 = tpu.memref_slice %arg2[%dma_start3A_56, %mul3A_2] : memref<8x32768xf32, #tpu.memory_space<hbm>> -> memref<1x1024xf32, #tpu.memory_space<hbm>>
    %dma_start3A_60 = tpu.memref_squeeze %dma_start3A_59 : memref<1x1024xf32, #tpu.memory_space<hbm>> -> memref<1024xf32, #tpu.memory_space<hbm>>
    %dma_start3A_61 = arith.constant 6144 : i32
    %dma_start3A_62 = tpu.memref_slice %arg6[%dma_start3A_61] : memref<8192xf32, #tpu.memory_space<vmem>> -> memref<1024xf32, #tpu.memory_space<vmem>>
    %dma_start3A_63 = tpu.memref_slice %arg2[%dma_start3A_56, %mul3A_2] : memref<8x32768xf32, #tpu.memory_space<hbm>> -> memref<1x1024xf32, #tpu.memory_space<hbm>>
    %dma_start3A_64 = tpu.memref_squeeze %dma_start3A_63 : memref<1x1024xf32, #tpu.memory_space<hbm>> -> memref<1024xf32, #tpu.memory_space<hbm>>
    tpu.enqueue_dma source(%dma_start3A_64 : memref<1024xf32, #tpu.memory_space<hbm>>) target(%dma_start3A_62 : memref<1024xf32, #tpu.memory_space<vmem>>) target_semaphore(%arg15 : memref<!tpu.dma_semaphore, #tpu.memory_space<semaphore_mem>>)
    %dma_start3A_65 = arith.constant 7 : i32
    %dma_start3A_66 = arith.constant 7168 : i32
    %dma_start3A_67 = tpu.memref_slice %arg6[%dma_start3A_66] : memref<8192xf32, #tpu.memory_space<vmem>> -> memref<1024xf32, #tpu.memory_space<vmem>>
    %dma_start3A_68 = tpu.memref_slice %arg2[%dma_start3A_65, %mul3A_2] : memref<8x32768xf32, #tpu.memory_space<hbm>> -> memref<1x1024xf32, #tpu.memory_space<hbm>>
    %dma_start3A_69 = tpu.memref_squeeze %dma_start3A_68 : memref<1x1024xf32, #tpu.memory_space<hbm>> -> memref<1024xf32, #tpu.memory_space<hbm>>
    %dma_start3A_70 = arith.constant 7168 : i32
    %dma_start3A_71 = tpu.memref_slice %arg6[%dma_start3A_70] : memref<8192xf32, #tpu.memory_space<vmem>> -> memref<1024xf32, #tpu.memory_space<vmem>>
    %dma_start3A_72 = tpu.memref_slice %arg2[%dma_start3A_65, %mul3A_2] : memref<8x32768xf32, #tpu.memory_space<hbm>> -> memref<1x1024xf32, #tpu.memory_space<hbm>>
    %dma_start3A_73 = tpu.memref_squeeze %dma_start3A_72 : memref<1x1024xf32, #tpu.memory_space<hbm>> -> memref<1024xf32, #tpu.memory_space<hbm>>
    tpu.enqueue_dma source(%dma_start3A_73 : memref<1024xf32, #tpu.memory_space<hbm>>) target(%dma_start3A_71 : memref<1024xf32, #tpu.memory_space<vmem>>) target_semaphore(%arg15 : memref<!tpu.dma_semaphore, #tpu.memory_space<semaphore_mem>>)
    %dma_wait3A = arith.constant 0 : i32
    %dma_wait3A_74 = arith.constant 0 : i32
    %dma_wait3A_75 = tpu.memref_slice %arg6[%dma_wait3A_74] : memref<8192xf32, #tpu.memory_space<vmem>> -> memref<1024xf32, #tpu.memory_space<vmem>>
    %dma_wait3A_76 = tpu.memref_slice %arg2[%dma_wait3A, %mul3A_2] : memref<8x32768xf32, #tpu.memory_space<hbm>> -> memref<1x1024xf32, #tpu.memory_space<hbm>>
    %dma_wait3A_77 = tpu.memref_squeeze %dma_wait3A_76 : memref<1x1024xf32, #tpu.memory_space<hbm>> -> memref<1024xf32, #tpu.memory_space<hbm>>
    %dma_wait3A_78 = arith.constant 0 : i32
    %dma_wait3A_79 = tpu.memref_slice %arg6[%dma_wait3A_78] : memref<8192xf32, #tpu.memory_space<vmem>> -> memref<1024xf32, #tpu.memory_space<vmem>>
    %dma_wait3A_80 = tpu.memref_slice %arg2[%dma_wait3A, %mul3A_2] : memref<8x32768xf32, #tpu.memory_space<hbm>> -> memref<1x1024xf32, #tpu.memory_space<hbm>>
    %dma_wait3A_81 = tpu.memref_squeeze %dma_wait3A_80 : memref<1x1024xf32, #tpu.memory_space<hbm>> -> memref<1024xf32, #tpu.memory_space<hbm>>
    tpu.wait_dma2 semaphore(%arg15 : memref<!tpu.dma_semaphore, #tpu.memory_space<semaphore_mem>>) src(%dma_wait3A_81 : memref<1024xf32, #tpu.memory_space<hbm>>) dst(%dma_wait3A_79 : memref<1024xf32, #tpu.memory_space<vmem>>)
    %dma_wait3A_82 = arith.constant 1 : i32
    %dma_wait3A_83 = arith.constant 1024 : i32
    %dma_wait3A_84 = tpu.memref_slice %arg6[%dma_wait3A_83] : memref<8192xf32, #tpu.memory_space<vmem>> -> memref<1024xf32, #tpu.memory_space<vmem>>
    %dma_wait3A_85 = tpu.memref_slice %arg2[%dma_wait3A_82, %mul3A_2] : memref<8x32768xf32, #tpu.memory_space<hbm>> -> memref<1x1024xf32, #tpu.memory_space<hbm>>
    %dma_wait3A_86 = tpu.memref_squeeze %dma_wait3A_85 : memref<1x1024xf32, #tpu.memory_space<hbm>> -> memref<1024xf32, #tpu.memory_space<hbm>>
    %dma_wait3A_87 = arith.constant 1024 : i32
    %dma_wait3A_88 = tpu.memref_slice %arg6[%dma_wait3A_87] : memref<8192xf32, #tpu.memory_space<vmem>> -> memref<1024xf32, #tpu.memory_space<vmem>>
    %dma_wait3A_89 = tpu.memref_slice %arg2[%dma_wait3A_82, %mul3A_2] : memref<8x32768xf32, #tpu.memory_space<hbm>> -> memref<1x1024xf32, #tpu.memory_space<hbm>>
    %dma_wait3A_90 = tpu.memref_squeeze %dma_wait3A_89 : memref<1x1024xf32, #tpu.memory_space<hbm>> -> memref<1024xf32, #tpu.memory_space<hbm>>
    tpu.wait_dma2 semaphore(%arg15 : memref<!tpu.dma_semaphore, #tpu.memory_space<semaphore_mem>>) src(%dma_wait3A_90 : memref<1024xf32, #tpu.memory_space<hbm>>) dst(%dma_wait3A_88 : memref<1024xf32, #tpu.memory_space<vmem>>)
    %dma_wait3A_91 = arith.constant 2 : i32
    %dma_wait3A_92 = arith.constant 2048 : i32
    %dma_wait3A_93 = tpu.memref_slice %arg6[%dma_wait3A_92] : memref<8192xf32, #tpu.memory_space<vmem>> -> memref<1024xf32, #tpu.memory_space<vmem>>
    %dma_wait3A_94 = tpu.memref_slice %arg2[%dma_wait3A_91, %mul3A_2] : memref<8x32768xf32, #tpu.memory_space<hbm>> -> memref<1x1024xf32, #tpu.memory_space<hbm>>
    %dma_wait3A_95 = tpu.memref_squeeze %dma_wait3A_94 : memref<1x1024xf32, #tpu.memory_space<hbm>> -> memref<1024xf32, #tpu.memory_space<hbm>>
    %dma_wait3A_96 = arith.constant 2048 : i32
    %dma_wait3A_97 = tpu.memref_slice %arg6[%dma_wait3A_96] : memref<8192xf32, #tpu.memory_space<vmem>> -> memref<1024xf32, #tpu.memory_space<vmem>>
    %dma_wait3A_98 = tpu.memref_slice %arg2[%dma_wait3A_91, %mul3A_2] : memref<8x32768xf32, #tpu.memory_space<hbm>> -> memref<1x1024xf32, #tpu.memory_space<hbm>>
    %dma_wait3A_99 = tpu.memref_squeeze %dma_wait3A_98 : memref<1x1024xf32, #tpu.memory_space<hbm>> -> memref<1024xf32, #tpu.memory_space<hbm>>
    tpu.wait_dma2 semaphore(%arg15 : memref<!tpu.dma_semaphore, #tpu.memory_space<semaphore_mem>>) src(%dma_wait3A_99 : memref<1024xf32, #tpu.memory_space<hbm>>) dst(%dma_wait3A_97 : memref<1024xf32, #tpu.memory_space<vmem>>)
    %dma_wait3A_100 = arith.constant 3 : i32
    %dma_wait3A_101 = arith.constant 3072 : i32
    %dma_wait3A_102 = tpu.memref_slice %arg6[%dma_wait3A_101] : memref<8192xf32, #tpu.memory_space<vmem>> -> memref<1024xf32, #tpu.memory_space<vmem>>
    %dma_wait3A_103 = tpu.memref_slice %arg2[%dma_wait3A_100, %mul3A_2] : memref<8x32768xf32, #tpu.memory_space<hbm>> -> memref<1x1024xf32, #tpu.memory_space<hbm>>
    %dma_wait3A_104 = tpu.memref_squeeze %dma_wait3A_103 : memref<1x1024xf32, #tpu.memory_space<hbm>> -> memref<1024xf32, #tpu.memory_space<hbm>>
    %dma_wait3A_105 = arith.constant 3072 : i32
    %dma_wait3A_106 = tpu.memref_slice %arg6[%dma_wait3A_105] : memref<8192xf32, #tpu.memory_space<vmem>> -> memref<1024xf32, #tpu.memory_space<vmem>>
    %dma_wait3A_107 = tpu.memref_slice %arg2[%dma_wait3A_100, %mul3A_2] : memref<8x32768xf32, #tpu.memory_space<hbm>> -> memref<1x1024xf32, #tpu.memory_space<hbm>>
    %dma_wait3A_108 = tpu.memref_squeeze %dma_wait3A_107 : memref<1x1024xf32, #tpu.memory_space<hbm>> -> memref<1024xf32, #tpu.memory_space<hbm>>
    tpu.wait_dma2 semaphore(%arg15 : memref<!tpu.dma_semaphore, #tpu.memory_space<semaphore_mem>>) src(%dma_wait3A_108 : memref<1024xf32, #tpu.memory_space<hbm>>) dst(%dma_wait3A_106 : memref<1024xf32, #tpu.memory_space<vmem>>)
    %dma_wait3A_109 = arith.constant 4 : i32
    %dma_wait3A_110 = arith.constant 4096 : i32
    %dma_wait3A_111 = tpu.memref_slice %arg6[%dma_wait3A_110] : memref<8192xf32, #tpu.memory_space<vmem>> -> memref<1024xf32, #tpu.memory_space<vmem>>
    %dma_wait3A_112 = tpu.memref_slice %arg2[%dma_wait3A_109, %mul3A_2] : memref<8x32768xf32, #tpu.memory_space<hbm>> -> memref<1x1024xf32, #tpu.memory_space<hbm>>
    %dma_wait3A_113 = tpu.memref_squeeze %dma_wait3A_112 : memref<1x1024xf32, #tpu.memory_space<hbm>> -> memref<1024xf32, #tpu.memory_space<hbm>>
    %dma_wait3A_114 = arith.constant 4096 : i32
    %dma_wait3A_115 = tpu.memref_slice %arg6[%dma_wait3A_114] : memref<8192xf32, #tpu.memory_space<vmem>> -> memref<1024xf32, #tpu.memory_space<vmem>>
    %dma_wait3A_116 = tpu.memref_slice %arg2[%dma_wait3A_109, %mul3A_2] : memref<8x32768xf32, #tpu.memory_space<hbm>> -> memref<1x1024xf32, #tpu.memory_space<hbm>>
    %dma_wait3A_117 = tpu.memref_squeeze %dma_wait3A_116 : memref<1x1024xf32, #tpu.memory_space<hbm>> -> memref<1024xf32, #tpu.memory_space<hbm>>
    tpu.wait_dma2 semaphore(%arg15 : memref<!tpu.dma_semaphore, #tpu.memory_space<semaphore_mem>>) src(%dma_wait3A_117 : memref<1024xf32, #tpu.memory_space<hbm>>) dst(%dma_wait3A_115 : memref<1024xf32, #tpu.memory_space<vmem>>)
    %dma_wait3A_118 = arith.constant 5 : i32
    %dma_wait3A_119 = arith.constant 5120 : i32
    %dma_wait3A_120 = tpu.memref_slice %arg6[%dma_wait3A_119] : memref<8192xf32, #tpu.memory_space<vmem>> -> memref<1024xf32, #tpu.memory_space<vmem>>
    %dma_wait3A_121 = tpu.memref_slice %arg2[%dma_wait3A_118, %mul3A_2] : memref<8x32768xf32, #tpu.memory_space<hbm>> -> memref<1x1024xf32, #tpu.memory_space<hbm>>
    %dma_wait3A_122 = tpu.memref_squeeze %dma_wait3A_121 : memref<1x1024xf32, #tpu.memory_space<hbm>> -> memref<1024xf32, #tpu.memory_space<hbm>>
    %dma_wait3A_123 = arith.constant 5120 : i32
    %dma_wait3A_124 = tpu.memref_slice %arg6[%dma_wait3A_123] : memref<8192xf32, #tpu.memory_space<vmem>> -> memref<1024xf32, #tpu.memory_space<vmem>>
    %dma_wait3A_125 = tpu.memref_slice %arg2[%dma_wait3A_118, %mul3A_2] : memref<8x32768xf32, #tpu.memory_space<hbm>> -> memref<1x1024xf32, #tpu.memory_space<hbm>>
    %dma_wait3A_126 = tpu.memref_squeeze %dma_wait3A_125 : memref<1x1024xf32, #tpu.memory_space<hbm>> -> memref<1024xf32, #tpu.memory_space<hbm>>
    tpu.wait_dma2 semaphore(%arg15 : memref<!tpu.dma_semaphore, #tpu.memory_space<semaphore_mem>>) src(%dma_wait3A_126 : memref<1024xf32, #tpu.memory_space<hbm>>) dst(%dma_wait3A_124 : memref<1024xf32, #tpu.memory_space<vmem>>)
    %dma_wait3A_127 = arith.constant 6 : i32
    %dma_wait3A_128 = arith.constant 6144 : i32
    %dma_wait3A_129 = tpu.memref_slice %arg6[%dma_wait3A_128] : memref<8192xf32, #tpu.memory_space<vmem>> -> memref<1024xf32, #tpu.memory_space<vmem>>
    %dma_wait3A_130 = tpu.memref_slice %arg2[%dma_wait3A_127, %mul3A_2] : memref<8x32768xf32, #tpu.memory_space<hbm>> -> memref<1x1024xf32, #tpu.memory_space<hbm>>
    %dma_wait3A_131 = tpu.memref_squeeze %dma_wait3A_130 : memref<1x1024xf32, #tpu.memory_space<hbm>> -> memref<1024xf32, #tpu.memory_space<hbm>>
    %dma_wait3A_132 = arith.constant 6144 : i32
    %dma_wait3A_133 = tpu.memref_slice %arg6[%dma_wait3A_132] : memref<8192xf32, #tpu.memory_space<vmem>> -> memref<1024xf32, #tpu.memory_space<vmem>>
    %dma_wait3A_134 = tpu.memref_slice %arg2[%dma_wait3A_127, %mul3A_2] : memref<8x32768xf32, #tpu.memory_space<hbm>> -> memref<1x1024xf32, #tpu.memory_space<hbm>>
    %dma_wait3A_135 = tpu.memref_squeeze %dma_wait3A_134 : memref<1x1024xf32, #tpu.memory_space<hbm>> -> memref<1024xf32, #tpu.memory_space<hbm>>
    tpu.wait_dma2 semaphore(%arg15 : memref<!tpu.dma_semaphore, #tpu.memory_space<semaphore_mem>>) src(%dma_wait3A_135 : memref<1024xf32, #tpu.memory_space<hbm>>) dst(%dma_wait3A_133 : memref<1024xf32, #tpu.memory_space<vmem>>)
    %dma_wait3A_136 = arith.constant 7 : i32
    %dma_wait3A_137 = arith.constant 7168 : i32
    %dma_wait3A_138 = tpu.memref_slice %arg6[%dma_wait3A_137] : memref<8192xf32, #tpu.memory_space<vmem>> -> memref<1024xf32, #tpu.memory_space<vmem>>
    %dma_wait3A_139 = tpu.memref_slice %arg2[%dma_wait3A_136, %mul3A_2] : memref<8x32768xf32, #tpu.memory_space<hbm>> -> memref<1x1024xf32, #tpu.memory_space<hbm>>
    %dma_wait3A_140 = tpu.memref_squeeze %dma_wait3A_139 : memref<1x1024xf32, #tpu.memory_space<hbm>> -> memref<1024xf32, #tpu.memory_space<hbm>>
    %dma_wait3A_141 = arith.constant 7168 : i32
    %dma_wait3A_142 = tpu.memref_slice %arg6[%dma_wait3A_141] : memref<8192xf32, #tpu.memory_space<vmem>> -> memref<1024xf32, #tpu.memory_space<vmem>>
    %dma_wait3A_143 = tpu.memref_slice %arg2[%dma_wait3A_136, %mul3A_2] : memref<8x32768xf32, #tpu.memory_space<hbm>> -> memref<1x1024xf32, #tpu.memory_space<hbm>>
    %dma_wait3A_144 = tpu.memref_squeeze %dma_wait3A_143 : memref<1x1024xf32, #tpu.memory_space<hbm>> -> memref<1024xf32, #tpu.memory_space<hbm>>
    tpu.wait_dma2 semaphore(%arg15 : memref<!tpu.dma_semaphore, #tpu.memory_space<semaphore_mem>>) src(%dma_wait3A_144 : memref<1024xf32, #tpu.memory_space<hbm>>) dst(%dma_wait3A_142 : memref<1024xf32, #tpu.memory_space<vmem>>)
    %iota3A = tpu.iota {dimensions = array<i32: 0>} : vector<16xi32>
    %broadcast_in_dim3A = arith.constant 0.000000e+00 : f32
    %broadcast_in_dim3A_145 = vector.broadcast %broadcast_in_dim3A : f32 to vector<16xf32>
    %scan3A = arith.constant 0 : i32
    %scan3A_146 = arith.constant 64 : i32
    %scan3A_147 = arith.addi %scan3A, %scan3A_146 : i32
    %scan3A_148 = arith.constant 1 : i32
    %scan3A_149:16 = scf.for %scan3A_219 = %scan3A to %scan3A_147 step %scan3A_148 iter_args(%scan3A_220 = %broadcast_in_dim3A_145, %scan3A_221 = %broadcast_in_dim3A_145, %scan3A_222 = %broadcast_in_dim3A_145, %scan3A_223 = %broadcast_in_dim3A_145, %scan3A_224 = %broadcast_in_dim3A_145, %scan3A_225 = %broadcast_in_dim3A_145, %scan3A_226 = %broadcast_in_dim3A_145, %scan3A_227 = %broadcast_in_dim3A_145, %scan3A_228 = %broadcast_in_dim3A_145, %scan3A_229 = %broadcast_in_dim3A_145, %scan3A_230 = %broadcast_in_dim3A_145, %scan3A_231 = %broadcast_in_dim3A_145, %scan3A_232 = %broadcast_in_dim3A_145, %scan3A_233 = %broadcast_in_dim3A_145, %scan3A_234 = %broadcast_in_dim3A_145, %scan3A_235 = %broadcast_in_dim3A_145) -> (vector<16xf32>, vector<16xf32>, vector<16xf32>, vector<16xf32>, vector<16xf32>, vector<16xf32>, vector<16xf32>, vector<16xf32>, vector<16xf32>, vector<16xf32>, vector<16xf32>, vector<16xf32>, vector<16xf32>, vector<16xf32>, vector<16xf32>, vector<16xf32>)  : i32 {
      %mul3A_236 = arith.constant 16 : i32
      %mul3A_237 = arith.muli %scan3A_219, %mul3A_236 : i32
      %add3A_238 = arith.constant 0 : i32
      %add3A_239 = arith.addi %add3A_238, %mul3A_237 : i32
      %get3A = arith.index_cast %add3A_239 : i32 to index
      %get3A_240 = tpu.vector_load %arg6[%get3A] {strides = array<i32>} : memref<8192xf32, #tpu.memory_space<vmem>>, vector<16xf32>,
      %add3A_241 = arith.constant 1024 : i32
      %add3A_242 = arith.addi %add3A_241, %mul3A_237 : i32
      %get3A_243 = arith.index_cast %add3A_242 : i32 to index
      %get3A_244 = tpu.vector_load %arg6[%get3A_243] {strides = array<i32>} : memref<8192xf32, #tpu.memory_space<vmem>>, vector<16xf32>,
      %add3A_245 = arith.constant 2048 : i32
      %add3A_246 = arith.addi %add3A_245, %mul3A_237 : i32
      %get3A_247 = arith.index_cast %add3A_246 : i32 to index
      %get3A_248 = tpu.vector_load %arg6[%get3A_247] {strides = array<i32>} : memref<8192xf32, #tpu.memory_space<vmem>>, vector<16xf32>,
      %add3A_249 = arith.constant 3072 : i32
      %add3A_250 = arith.addi %add3A_249, %mul3A_237 : i32
      %get3A_251 = arith.index_cast %add3A_250 : i32 to index
      %get3A_252 = tpu.vector_load %arg6[%get3A_251] {strides = array<i32>} : memref<8192xf32, #tpu.memory_space<vmem>>, vector<16xf32>,
      %add3A_253 = arith.constant 4096 : i32
      %add3A_254 = arith.addi %add3A_253, %mul3A_237 : i32
      %get3A_255 = arith.index_cast %add3A_254 : i32 to index
      %get3A_256 = tpu.vector_load %arg6[%get3A_255] {strides = array<i32>} : memref<8192xf32, #tpu.memory_space<vmem>>, vector<16xf32>,
      %add3A_257 = arith.constant 5120 : i32
      %add3A_258 = arith.addi %add3A_257, %mul3A_237 : i32
      %get3A_259 = arith.index_cast %add3A_258 : i32 to index
      %get3A_260 = tpu.vector_load %arg6[%get3A_259] {strides = array<i32>} : memref<8192xf32, #tpu.memory_space<vmem>>, vector<16xf32>,
      %add3A_261 = arith.constant 6144 : i32
      %add3A_262 = arith.addi %add3A_261, %mul3A_237 : i32
      %get3A_263 = arith.index_cast %add3A_262 : i32 to index
      %get3A_264 = tpu.vector_load %arg6[%get3A_263] {strides = array<i32>} : memref<8192xf32, #tpu.memory_space<vmem>>, vector<16xf32>,
      %add3A_265 = arith.constant 7168 : i32
      %add3A_266 = arith.addi %add3A_265, %mul3A_237 : i32
      %get3A_267 = arith.index_cast %add3A_266 : i32 to index
      %get3A_268 = tpu.vector_load %arg6[%get3A_267] {strides = array<i32>} : memref<8192xf32, #tpu.memory_space<vmem>>, vector<16xf32>,
      %broadcast_in_dim3A_269 = arith.constant 0 : i32
      %broadcast_in_dim3A_270 = vector.broadcast %broadcast_in_dim3A_269 : i32 to vector<16xi32>
      %broadcast_in_dim3A_271 = arith.constant 0xFF800000 : f32
      %broadcast_in_dim3A_272 = vector.broadcast %broadcast_in_dim3A_271 : f32 to vector<16xf32>
      %broadcast_in_dim3A_273 = arith.constant 0 : i32
      %broadcast_in_dim3A_274 = vector.broadcast %broadcast_in_dim3A_273 : i32 to vector<16xi32>
      %broadcast_in_dim3A_275 = arith.constant 1 : i32
      %broadcast_in_dim3A_276 = vector.broadcast %broadcast_in_dim3A_275 : i32 to vector<16xi32>
      %gt3A = arith.cmpf ogt, %get3A_244, %get3A_240 : vector<16xf32>
      %gt3A_277 = arith.cmpf ogt, %get3A_244, %broadcast_in_dim3A_272 : vector<16xf32>
      %select_n3A = arith.select %gt3A_277, %broadcast_in_dim3A_276, %broadcast_in_dim3A_274 : vector<16xi1>, vector<16xi32>
      %select_n3A_278 = arith.select %gt3A, %broadcast_in_dim3A_270, %select_n3A : vector<16xi1>, vector<16xi32>
      %select_n3A_279 = arith.select %gt3A_277, %get3A_244, %broadcast_in_dim3A_272 : vector<16xi1>, vector<16xf32>
      %select_n3A_280 = arith.select %gt3A, %get3A_240, %select_n3A_279 : vector<16xi1>, vector<16xf32>
      %select_n3A_281 = arith.select %gt3A, %broadcast_in_dim3A_276, %broadcast_in_dim3A_270 : vector<16xi1>, vector<16xi32>
      %select_n3A_282 = arith.select %gt3A, %get3A_244, %get3A_240 : vector<16xi1>, vector<16xf32>
      %broadcast_in_dim3A_283 = arith.constant 2 : i32
      %broadcast_in_dim3A_284 = vector.broadcast %broadcast_in_dim3A_283 : i32 to vector<16xi32>
      %gt3A_285 = arith.cmpf ogt, %get3A_248, %select_n3A_282 : vector<16xf32>
      %gt3A_286 = arith.cmpf ogt, %get3A_248, %select_n3A_280 : vector<16xf32>
      %select_n3A_287 = arith.select %gt3A_286, %broadcast_in_dim3A_284, %select_n3A_278 : vector<16xi1>, vector<16xi32>
      %select_n3A_288 = arith.select %gt3A_285, %select_n3A_281, %select_n3A_287 : vector<16xi1>, vector<16xi32>
      %select_n3A_289 = arith.select %gt3A_286, %get3A_248, %select_n3A_280 : vector<16xi1>, vector<16xf32>
      %select_n3A_290 = arith.select %gt3A_285, %select_n3A_282, %select_n3A_289 : vector<16xi1>, vector<16xf32>
      %select_n3A_291 = arith.select %gt3A_285, %broadcast_in_dim3A_284, %select_n3A_281 : vector<16xi1>, vector<16xi32>
      %select_n3A_292 = arith.select %gt3A_285, %get3A_248, %select_n3A_282 : vector<16xi1>, vector<16xf32>
      %broadcast_in_dim3A_293 = arith.constant 3 : i32
      %broadcast_in_dim3A_294 = vector.broadcast %broadcast_in_dim3A_293 : i32 to vector<16xi32>
      %gt3A_295 = arith.cmpf ogt, %get3A_252, %select_n3A_292 : vector<16xf32>
      %gt3A_296 = arith.cmpf ogt, %get3A_252, %select_n3A_290 : vector<16xf32>
      %select_n3A_297 = arith.select %gt3A_296, %broadcast_in_dim3A_294, %select_n3A_288 : vector<16xi1>, vector<16xi32>
      %select_n3A_298 = arith.select %gt3A_295, %select_n3A_291, %select_n3A_297 : vector<16xi1>, vector<16xi32>
      %select_n3A_299 = arith.select %gt3A_296, %get3A_252, %select_n3A_290 : vector<16xi1>, vector<16xf32>
      %select_n3A_300 = arith.select %gt3A_295, %select_n3A_292, %select_n3A_299 : vector<16xi1>, vector<16xf32>
      %select_n3A_301 = arith.select %gt3A_295, %broadcast_in_dim3A_294, %select_n3A_291 : vector<16xi1>, vector<16xi32>
      %select_n3A_302 = arith.select %gt3A_295, %get3A_252, %select_n3A_292 : vector<16xi1>, vector<16xf32>
      %broadcast_in_dim3A_303 = arith.constant 4 : i32
      %broadcast_in_dim3A_304 = vector.broadcast %broadcast_in_dim3A_303 : i32 to vector<16xi32>
      %gt3A_305 = arith.cmpf ogt, %get3A_256, %select_n3A_302 : vector<16xf32>
      %gt3A_306 = arith.cmpf ogt, %get3A_256, %select_n3A_300 : vector<16xf32>
      %select_n3A_307 = arith.select %gt3A_306, %broadcast_in_dim3A_304, %select_n3A_298 : vector<16xi1>, vector<16xi32>
      %select_n3A_308 = arith.select %gt3A_305, %select_n3A_301, %select_n3A_307 : vector<16xi1>, vector<16xi32>
      %select_n3A_309 = arith.select %gt3A_306, %get3A_256, %select_n3A_300 : vector<16xi1>, vector<16xf32>
      %select_n3A_310 = arith.select %gt3A_305, %select_n3A_302, %select_n3A_309 : vector<16xi1>, vector<16xf32>
      %select_n3A_311 = arith.select %gt3A_305, %broadcast_in_dim3A_304, %select_n3A_301 : vector<16xi1>, vector<16xi32>
      %select_n3A_312 = arith.select %gt3A_305, %get3A_256, %select_n3A_302 : vector<16xi1>, vector<16xf32>
      %broadcast_in_dim3A_313 = arith.constant 5 : i32
      %broadcast_in_dim3A_314 = vector.broadcast %broadcast_in_dim3A_313 : i32 to vector<16xi32>
      %gt3A_315 = arith.cmpf ogt, %get3A_260, %select_n3A_312 : vector<16xf32>
      %gt3A_316 = arith.cmpf ogt, %get3A_260, %select_n3A_310 : vector<16xf32>
      %select_n3A_317 = arith.select %gt3A_316, %broadcast_in_dim3A_314, %select_n3A_308 : vector<16xi1>, vector<16xi32>
      %select_n3A_318 = arith.select %gt3A_315, %select_n3A_311, %select_n3A_317 : vector<16xi1>, vector<16xi32>
      %select_n3A_319 = arith.select %gt3A_316, %get3A_260, %select_n3A_310 : vector<16xi1>, vector<16xf32>
      %select_n3A_320 = arith.select %gt3A_315, %select_n3A_312, %select_n3A_319 : vector<16xi1>, vector<16xf32>
      %select_n3A_321 = arith.select %gt3A_315, %broadcast_in_dim3A_314, %select_n3A_311 : vector<16xi1>, vector<16xi32>
      %select_n3A_322 = arith.select %gt3A_315, %get3A_260, %select_n3A_312 : vector<16xi1>, vector<16xf32>
      %broadcast_in_dim3A_323 = arith.constant 6 : i32
      %broadcast_in_dim3A_324 = vector.broadcast %broadcast_in_dim3A_323 : i32 to vector<16xi32>
      %gt3A_325 = arith.cmpf ogt, %get3A_264, %select_n3A_322 : vector<16xf32>
      %gt3A_326 = arith.cmpf ogt, %get3A_264, %select_n3A_320 : vector<16xf32>
      %select_n3A_327 = arith.select %gt3A_326, %broadcast_in_dim3A_324, %select_n3A_318 : vector<16xi1>, vector<16xi32>
      %select_n3A_328 = arith.select %gt3A_325, %select_n3A_321, %select_n3A_327 : vector<16xi1>, vector<16xi32>
      %select_n3A_329 = arith.select %gt3A_326, %get3A_264, %select_n3A_320 : vector<16xi1>, vector<16xf32>
      %select_n3A_330 = arith.select %gt3A_325, %select_n3A_322, %select_n3A_329 : vector<16xi1>, vector<16xf32>
      %select_n3A_331 = arith.select %gt3A_325, %broadcast_in_dim3A_324, %select_n3A_321 : vector<16xi1>, vector<16xi32>
      %select_n3A_332 = arith.select %gt3A_325, %get3A_264, %select_n3A_322 : vector<16xi1>, vector<16xf32>
      %broadcast_in_dim3A_333 = arith.constant 7 : i32
      %broadcast_in_dim3A_334 = vector.broadcast %broadcast_in_dim3A_333 : i32 to vector<16xi32>
      %gt3A_335 = arith.cmpf ogt, %get3A_268, %select_n3A_332 : vector<16xf32>
      %gt3A_336 = arith.cmpf ogt, %get3A_268, %select_n3A_330 : vector<16xf32>
      %select_n3A_337 = arith.select %gt3A_336, %broadcast_in_dim3A_334, %select_n3A_328 : vector<16xi1>, vector<16xi32>
      %select_n3A_338 = arith.select %gt3A_335, %select_n3A_331, %select_n3A_337 : vector<16xi1>, vector<16xi32>
      %select_n3A_339 = arith.select %gt3A_336, %get3A_268, %select_n3A_330 : vector<16xi1>, vector<16xf32>
      %select_n3A_340 = arith.select %gt3A_335, %select_n3A_332, %select_n3A_339 : vector<16xi1>, vector<16xf32>
      %select_n3A_341 = arith.select %gt3A_335, %broadcast_in_dim3A_334, %select_n3A_331 : vector<16xi1>, vector<16xi32>
      %select_n3A_342 = arith.select %gt3A_335, %get3A_268, %select_n3A_332 : vector<16xi1>, vector<16xf32>
      %add3A_343 = arith.addf %select_n3A_342, %select_n3A_340 : vector<16xf32>
      %add3A_344 = arith.constant 9.99999968E-21 : f32
      %add3A_345 = vector.broadcast %add3A_344 : f32 to vector<16xf32>
      %add3A_346 = arith.addf %add3A_343, %add3A_345 : vector<16xf32>
      %div3A = arith.constant 1.000000e+00 : f32
      %div3A_347 = vector.broadcast %div3A : f32 to vector<16xf32>
      %div3A_348 = arith.divf %div3A_347, %add3A_346 : vector<16xf32>
      %swap3A_349 = arith.index_cast %mul3A_237 : i32 to index
      %swap3A_350 = tpu.vector_load %arg7[%swap3A_349] {strides = array<i32>} : memref<1024xi32, #tpu.memory_space<vmem>>, vector<16xi32>,
      tpu.vector_store %arg7[%swap3A_349], %select_n3A_341 {strides = array<i32>} : memref<1024xi32, #tpu.memory_space<vmem>>, vector<16xi32>,
      %swap3A_351 = arith.index_cast %mul3A_237 : i32 to index
      %swap3A_352 = tpu.vector_load %arg8[%swap3A_351] {strides = array<i32>} : memref<1024xi32, #tpu.memory_space<vmem>>, vector<16xi32>,
      tpu.vector_store %arg8[%swap3A_351], %select_n3A_338 {strides = array<i32>} : memref<1024xi32, #tpu.memory_space<vmem>>, vector<16xi32>,
      %mul3A_353 = arith.mulf %select_n3A_342, %div3A_348 : vector<16xf32>
      %swap3A_354 = arith.index_cast %mul3A_237 : i32 to index
      %swap3A_355 = tpu.vector_load %arg9[%swap3A_354] {strides = array<i32>} : memref<1024xf32, #tpu.memory_space<vmem>>, vector<16xf32>,
      tpu.vector_store %arg9[%swap3A_354], %mul3A_353 {strides = array<i32>} : memref<1024xf32, #tpu.memory_space<vmem>>, vector<16xf32>,
      %mul3A_356 = arith.mulf %select_n3A_340, %div3A_348 : vector<16xf32>
      %swap3A_357 = arith.index_cast %mul3A_237 : i32 to index
      %swap3A_358 = tpu.vector_load %arg10[%swap3A_357] {strides = array<i32>} : memref<1024xf32, #tpu.memory_space<vmem>>, vector<16xf32>,
      tpu.vector_store %arg10[%swap3A_357], %mul3A_356 {strides = array<i32>} : memref<1024xf32, #tpu.memory_space<vmem>>, vector<16xf32>,
      %eq3A_359 = arith.constant 0 : i32
      %eq3A_360 = vector.broadcast %eq3A_359 : i32 to vector<16xi32>
      %eq3A_361 = arith.cmpi eq, %select_n3A_341, %eq3A_360 : vector<16xi32>
      %jit3A = arith.constant 1.000000e+00 : f32
      %broadcast_in_dim3A_362 = vector.broadcast %jit3A : f32 to vector<16xf32>
      %select_n3A_363 = arith.select %eq3A_361, %broadcast_in_dim3A_362, %broadcast_in_dim3A_145 : vector<16xi1>, vector<16xf32>
      %add3A_364 = arith.addf %scan3A_220, %select_n3A_363 : vector<16xf32>
      %eq3A_365 = arith.constant 0 : i32
      %eq3A_366 = vector.broadcast %eq3A_365 : i32 to vector<16xi32>
      %eq3A_367 = arith.cmpi eq, %select_n3A_338, %eq3A_366 : vector<16xi32>
      %jit3A_368 = arith.constant 1.000000e+00 : f32
      %broadcast_in_dim3A_369 = vector.broadcast %jit3A_368 : f32 to vector<16xf32>
      %select_n3A_370 = arith.select %eq3A_367, %broadcast_in_dim3A_369, %broadcast_in_dim3A_145 : vector<16xi1>, vector<16xf32>
      %add3A_371 = arith.addf %add3A_364, %select_n3A_370 : vector<16xf32>
      %eq3A_372 = arith.constant 1 : i32
      %eq3A_373 = vector.broadcast %eq3A_372 : i32 to vector<16xi32>
      %eq3A_374 = arith.cmpi eq, %select_n3A_341, %eq3A_373 : vector<16xi32>
      %jit3A_375 = arith.constant 1.000000e+00 : f32
      %broadcast_in_dim3A_376 = vector.broadcast %jit3A_375 : f32 to vector<16xf32>
      %select_n3A_377 = arith.select %eq3A_374, %broadcast_in_dim3A_376, %broadcast_in_dim3A_145 : vector<16xi1>, vector<16xf32>
      %add3A_378 = arith.addf %scan3A_221, %select_n3A_377 : vector<16xf32>
      %eq3A_379 = arith.constant 1 : i32
      %eq3A_380 = vector.broadcast %eq3A_379 : i32 to vector<16xi32>
      %eq3A_381 = arith.cmpi eq, %select_n3A_338, %eq3A_380 : vector<16xi32>
      %jit3A_382 = arith.constant 1.000000e+00 : f32
      %broadcast_in_dim3A_383 = vector.broadcast %jit3A_382 : f32 to vector<16xf32>
      %select_n3A_384 = arith.select %eq3A_381, %broadcast_in_dim3A_383, %broadcast_in_dim3A_145 : vector<16xi1>, vector<16xf32>
      %add3A_385 = arith.addf %add3A_378, %select_n3A_384 : vector<16xf32>
      %eq3A_386 = arith.constant 2 : i32
      %eq3A_387 = vector.broadcast %eq3A_386 : i32 to vector<16xi32>
      %eq3A_388 = arith.cmpi eq, %select_n3A_341, %eq3A_387 : vector<16xi32>
      %jit3A_389 = arith.constant 1.000000e+00 : f32
      %broadcast_in_dim3A_390 = vector.broadcast %jit3A_389 : f32 to vector<16xf32>
      %select_n3A_391 = arith.select %eq3A_388, %broadcast_in_dim3A_390, %broadcast_in_dim3A_145 : vector<16xi1>, vector<16xf32>
      %add3A_392 = arith.addf %scan3A_222, %select_n3A_391 : vector<16xf32>
      %eq3A_393 = arith.constant 2 : i32
      %eq3A_394 = vector.broadcast %eq3A_393 : i32 to vector<16xi32>
      %eq3A_395 = arith.cmpi eq, %select_n3A_338, %eq3A_394 : vector<16xi32>
      %jit3A_396 = arith.constant 1.000000e+00 : f32
      %broadcast_in_dim3A_397 = vector.broadcast %jit3A_396 : f32 to vector<16xf32>
      %select_n3A_398 = arith.select %eq3A_395, %broadcast_in_dim3A_397, %broadcast_in_dim3A_145 : vector<16xi1>, vector<16xf32>
      %add3A_399 = arith.addf %add3A_392, %select_n3A_398 : vector<16xf32>
      %eq3A_400 = arith.constant 3 : i32
      %eq3A_401 = vector.broadcast %eq3A_400 : i32 to vector<16xi32>
      %eq3A_402 = arith.cmpi eq, %select_n3A_341, %eq3A_401 : vector<16xi32>
      %jit3A_403 = arith.constant 1.000000e+00 : f32
      %broadcast_in_dim3A_404 = vector.broadcast %jit3A_403 : f32 to vector<16xf32>
      %select_n3A_405 = arith.select %eq3A_402, %broadcast_in_dim3A_404, %broadcast_in_dim3A_145 : vector<16xi1>, vector<16xf32>
      %add3A_406 = arith.addf %scan3A_223, %select_n3A_405 : vector<16xf32>
      %eq3A_407 = arith.constant 3 : i32
      %eq3A_408 = vector.broadcast %eq3A_407 : i32 to vector<16xi32>
      %eq3A_409 = arith.cmpi eq, %select_n3A_338, %eq3A_408 : vector<16xi32>
      %jit3A_410 = arith.constant 1.000000e+00 : f32
      %broadcast_in_dim3A_411 = vector.broadcast %jit3A_410 : f32 to vector<16xf32>
      %select_n3A_412 = arith.select %eq3A_409, %broadcast_in_dim3A_411, %broadcast_in_dim3A_145 : vector<16xi1>, vector<16xf32>
      %add3A_413 = arith.addf %add3A_406, %select_n3A_412 : vector<16xf32>
      %eq3A_414 = arith.constant 4 : i32
      %eq3A_415 = vector.broadcast %eq3A_414 : i32 to vector<16xi32>
      %eq3A_416 = arith.cmpi eq, %select_n3A_341, %eq3A_415 : vector<16xi32>
      %jit3A_417 = arith.constant 1.000000e+00 : f32
      %broadcast_in_dim3A_418 = vector.broadcast %jit3A_417 : f32 to vector<16xf32>
      %select_n3A_419 = arith.select %eq3A_416, %broadcast_in_dim3A_418, %broadcast_in_dim3A_145 : vector<16xi1>, vector<16xf32>
      %add3A_420 = arith.addf %scan3A_224, %select_n3A_419 : vector<16xf32>
      %eq3A_421 = arith.constant 4 : i32
      %eq3A_422 = vector.broadcast %eq3A_421 : i32 to vector<16xi32>
      %eq3A_423 = arith.cmpi eq, %select_n3A_338, %eq3A_422 : vector<16xi32>
      %jit3A_424 = arith.constant 1.000000e+00 : f32
      %broadcast_in_dim3A_425 = vector.broadcast %jit3A_424 : f32 to vector<16xf32>
      %select_n3A_426 = arith.select %eq3A_423, %broadcast_in_dim3A_425, %broadcast_in_dim3A_145 : vector<16xi1>, vector<16xf32>
      %add3A_427 = arith.addf %add3A_420, %select_n3A_426 : vector<16xf32>
      %eq3A_428 = arith.constant 5 : i32
      %eq3A_429 = vector.broadcast %eq3A_428 : i32 to vector<16xi32>
      %eq3A_430 = arith.cmpi eq, %select_n3A_341, %eq3A_429 : vector<16xi32>
      %jit3A_431 = arith.constant 1.000000e+00 : f32
      %broadcast_in_dim3A_432 = vector.broadcast %jit3A_431 : f32 to vector<16xf32>
      %select_n3A_433 = arith.select %eq3A_430, %broadcast_in_dim3A_432, %broadcast_in_dim3A_145 : vector<16xi1>, vector<16xf32>
      %add3A_434 = arith.addf %scan3A_225, %select_n3A_433 : vector<16xf32>
      %eq3A_435 = arith.constant 5 : i32
      %eq3A_436 = vector.broadcast %eq3A_435 : i32 to vector<16xi32>
      %eq3A_437 = arith.cmpi eq, %select_n3A_338, %eq3A_436 : vector<16xi32>
      %jit3A_438 = arith.constant 1.000000e+00 : f32
      %broadcast_in_dim3A_439 = vector.broadcast %jit3A_438 : f32 to vector<16xf32>
      %select_n3A_440 = arith.select %eq3A_437, %broadcast_in_dim3A_439, %broadcast_in_dim3A_145 : vector<16xi1>, vector<16xf32>
      %add3A_441 = arith.addf %add3A_434, %select_n3A_440 : vector<16xf32>
      %eq3A_442 = arith.constant 6 : i32
      %eq3A_443 = vector.broadcast %eq3A_442 : i32 to vector<16xi32>
      %eq3A_444 = arith.cmpi eq, %select_n3A_341, %eq3A_443 : vector<16xi32>
      %jit3A_445 = arith.constant 1.000000e+00 : f32
      %broadcast_in_dim3A_446 = vector.broadcast %jit3A_445 : f32 to vector<16xf32>
      %select_n3A_447 = arith.select %eq3A_444, %broadcast_in_dim3A_446, %broadcast_in_dim3A_145 : vector<16xi1>, vector<16xf32>
      %add3A_448 = arith.addf %scan3A_226, %select_n3A_447 : vector<16xf32>
      %eq3A_449 = arith.constant 6 : i32
      %eq3A_450 = vector.broadcast %eq3A_449 : i32 to vector<16xi32>
      %eq3A_451 = arith.cmpi eq, %select_n3A_338, %eq3A_450 : vector<16xi32>
      %jit3A_452 = arith.constant 1.000000e+00 : f32
      %broadcast_in_dim3A_453 = vector.broadcast %jit3A_452 : f32 to vector<16xf32>
      %select_n3A_454 = arith.select %eq3A_451, %broadcast_in_dim3A_453, %broadcast_in_dim3A_145 : vector<16xi1>, vector<16xf32>
      %add3A_455 = arith.addf %add3A_448, %select_n3A_454 : vector<16xf32>
      %eq3A_456 = arith.constant 7 : i32
      %eq3A_457 = vector.broadcast %eq3A_456 : i32 to vector<16xi32>
      %eq3A_458 = arith.cmpi eq, %select_n3A_341, %eq3A_457 : vector<16xi32>
      %jit3A_459 = arith.constant 1.000000e+00 : f32
      %broadcast_in_dim3A_460 = vector.broadcast %jit3A_459 : f32 to vector<16xf32>
      %select_n3A_461 = arith.select %eq3A_458, %broadcast_in_dim3A_460, %broadcast_in_dim3A_145 : vector<16xi1>, vector<16xf32>
      %add3A_462 = arith.addf %scan3A_227, %select_n3A_461 : vector<16xf32>
      %eq3A_463 = arith.constant 7 : i32
      %eq3A_464 = vector.broadcast %eq3A_463 : i32 to vector<16xi32>
      %eq3A_465 = arith.cmpi eq, %select_n3A_338, %eq3A_464 : vector<16xi32>
      %jit3A_466 = arith.constant 1.000000e+00 : f32
      %broadcast_in_dim3A_467 = vector.broadcast %jit3A_466 : f32 to vector<16xf32>
      %select_n3A_468 = arith.select %eq3A_465, %broadcast_in_dim3A_467, %broadcast_in_dim3A_145 : vector<16xi1>, vector<16xf32>
      %add3A_469 = arith.addf %add3A_462, %select_n3A_468 : vector<16xf32>
      %add3A_470 = arith.addf %scan3A_228, %get3A_240 : vector<16xf32>
      %add3A_471 = arith.addf %scan3A_229, %get3A_244 : vector<16xf32>
      %add3A_472 = arith.addf %scan3A_230, %get3A_248 : vector<16xf32>
      %add3A_473 = arith.addf %scan3A_231, %get3A_252 : vector<16xf32>
      %add3A_474 = arith.addf %scan3A_232, %get3A_256 : vector<16xf32>
      %add3A_475 = arith.addf %scan3A_233, %get3A_260 : vector<16xf32>
      %add3A_476 = arith.addf %scan3A_234, %get3A_264 : vector<16xf32>
      %add3A_477 = arith.addf %scan3A_235, %get3A_268 : vector<16xf32>
      scf.yield %add3A_371, %add3A_385, %add3A_399, %add3A_413, %add3A_427, %add3A_441, %add3A_455, %add3A_469, %add3A_470, %add3A_471, %add3A_472, %add3A_473, %add3A_474, %add3A_475, %add3A_476, %add3A_477 : vector<16xf32>, vector<16xf32>, vector<16xf32>, vector<16xf32>, vector<16xf32>, vector<16xf32>, vector<16xf32>, vector<16xf32>, vector<16xf32>, vector<16xf32>, vector<16xf32>, vector<16xf32>, vector<16xf32>, vector<16xf32>, vector<16xf32>, vector<16xf32>
    }
    %scan3A_150 = arith.constant 64 : i32
    %run_scoped3A = arith.constant 0 : i32
    "tpu.region"() ({
      %run_scoped3A_219 = tpu.sem_alloc : memref<!tpu.dma_semaphore, #tpu.memory_space<semaphore_mem>>
      %dma_start3A_220 = tpu.memref_slice %arg3[%run_scoped3A, %mul3A_2] : memref<2x32768xi32, #tpu.memory_space<hbm>> -> memref<1x1024xi32, #tpu.memory_space<hbm>>
      %dma_start3A_221 = tpu.memref_squeeze %dma_start3A_220 : memref<1x1024xi32, #tpu.memory_space<hbm>> -> memref<1024xi32, #tpu.memory_space<hbm>>
      %dma_start3A_222 = tpu.memref_slice %arg3[%run_scoped3A, %mul3A_2] : memref<2x32768xi32, #tpu.memory_space<hbm>> -> memref<1x1024xi32, #tpu.memory_space<hbm>>
      %dma_start3A_223 = tpu.memref_squeeze %dma_start3A_222 : memref<1x1024xi32, #tpu.memory_space<hbm>> -> memref<1024xi32, #tpu.memory_space<hbm>>
      tpu.enqueue_dma source(%arg7 : memref<1024xi32, #tpu.memory_space<vmem>>) target(%dma_start3A_223 : memref<1024xi32, #tpu.memory_space<hbm>>) target_semaphore(%run_scoped3A_219 : memref<!tpu.dma_semaphore, #tpu.memory_space<semaphore_mem>>)
      %dma_wait3A_224 = tpu.memref_slice %arg3[%run_scoped3A, %mul3A_2] : memref<2x32768xi32, #tpu.memory_space<hbm>> -> memref<1x1024xi32, #tpu.memory_space<hbm>>
      %dma_wait3A_225 = tpu.memref_squeeze %dma_wait3A_224 : memref<1x1024xi32, #tpu.memory_space<hbm>> -> memref<1024xi32, #tpu.memory_space<hbm>>
      %dma_wait3A_226 = tpu.memref_slice %arg3[%run_scoped3A, %mul3A_2] : memref<2x32768xi32, #tpu.memory_space<hbm>> -> memref<1x1024xi32, #tpu.memory_space<hbm>>
      %dma_wait3A_227 = tpu.memref_squeeze %dma_wait3A_226 : memref<1x1024xi32, #tpu.memory_space<hbm>> -> memref<1024xi32, #tpu.memory_space<hbm>>
      tpu.wait_dma2 semaphore(%run_scoped3A_219 : memref<!tpu.dma_semaphore, #tpu.memory_space<semaphore_mem>>) src(%arg7 : memref<1024xi32, #tpu.memory_space<vmem>>) dst(%dma_wait3A_227 : memref<1024xi32, #tpu.memory_space<hbm>>)
      tpu.yield
    }) : () -> ()
    %run_scoped3A_151 = arith.constant 1 : i32
    "tpu.region"() ({
      %run_scoped3A_219 = tpu.sem_alloc : memref<!tpu.dma_semaphore, #tpu.memory_space<semaphore_mem>>
      %dma_start3A_220 = tpu.memref_slice %arg3[%run_scoped3A_151, %mul3A_2] : memref<2x32768xi32, #tpu.memory_space<hbm>> -> memref<1x1024xi32, #tpu.memory_space<hbm>>
      %dma_start3A_221 = tpu.memref_squeeze %dma_start3A_220 : memref<1x1024xi32, #tpu.memory_space<hbm>> -> memref<1024xi32, #tpu.memory_space<hbm>>
      %dma_start3A_222 = tpu.memref_slice %arg3[%run_scoped3A_151, %mul3A_2] : memref<2x32768xi32, #tpu.memory_space<hbm>> -> memref<1x1024xi32, #tpu.memory_space<hbm>>
      %dma_start3A_223 = tpu.memref_squeeze %dma_start3A_222 : memref<1x1024xi32, #tpu.memory_space<hbm>> -> memref<1024xi32, #tpu.memory_space<hbm>>
      tpu.enqueue_dma source(%arg8 : memref<1024xi32, #tpu.memory_space<vmem>>) target(%dma_start3A_223 : memref<1024xi32, #tpu.memory_space<hbm>>) target_semaphore(%run_scoped3A_219 : memref<!tpu.dma_semaphore, #tpu.memory_space<semaphore_mem>>)
      %dma_wait3A_224 = tpu.memref_slice %arg3[%run_scoped3A_151, %mul3A_2] : memref<2x32768xi32, #tpu.memory_space<hbm>> -> memref<1x1024xi32, #tpu.memory_space<hbm>>
      %dma_wait3A_225 = tpu.memref_squeeze %dma_wait3A_224 : memref<1x1024xi32, #tpu.memory_space<hbm>> -> memref<1024xi32, #tpu.memory_space<hbm>>
      %dma_wait3A_226 = tpu.memref_slice %arg3[%run_scoped3A_151, %mul3A_2] : memref<2x32768xi32, #tpu.memory_space<hbm>> -> memref<1x1024xi32, #tpu.memory_space<hbm>>
      %dma_wait3A_227 = tpu.memref_squeeze %dma_wait3A_226 : memref<1x1024xi32, #tpu.memory_space<hbm>> -> memref<1024xi32, #tpu.memory_space<hbm>>
      tpu.wait_dma2 semaphore(%run_scoped3A_219 : memref<!tpu.dma_semaphore, #tpu.memory_space<semaphore_mem>>) src(%arg8 : memref<1024xi32, #tpu.memory_space<vmem>>) dst(%dma_wait3A_227 : memref<1024xi32, #tpu.memory_space<hbm>>)
      tpu.yield
    }) : () -> ()
    %run_scoped3A_152 = arith.constant 0 : i32
    "tpu.region"() ({
      %run_scoped3A_219 = tpu.sem_alloc : memref<!tpu.dma_semaphore, #tpu.memory_space<semaphore_mem>>
      %dma_start3A_220 = tpu.memref_slice %arg4[%run_scoped3A_152, %mul3A_2] : memref<2x32768xf32, #tpu.memory_space<hbm>> -> memref<1x1024xf32, #tpu.memory_space<hbm>>
      %dma_start3A_221 = tpu.memref_squeeze %dma_start3A_220 : memref<1x1024xf32, #tpu.memory_space<hbm>> -> memref<1024xf32, #tpu.memory_space<hbm>>
      %dma_start3A_222 = tpu.memref_slice %arg4[%run_scoped3A_152, %mul3A_2] : memref<2x32768xf32, #tpu.memory_space<hbm>> -> memref<1x1024xf32, #tpu.memory_space<hbm>>
      %dma_start3A_223 = tpu.memref_squeeze %dma_start3A_222 : memref<1x1024xf32, #tpu.memory_space<hbm>> -> memref<1024xf32, #tpu.memory_space<hbm>>
      tpu.enqueue_dma source(%arg9 : memref<1024xf32, #tpu.memory_space<vmem>>) target(%dma_start3A_223 : memref<1024xf32, #tpu.memory_space<hbm>>) target_semaphore(%run_scoped3A_219 : memref<!tpu.dma_semaphore, #tpu.memory_space<semaphore_mem>>)
      %dma_wait3A_224 = tpu.memref_slice %arg4[%run_scoped3A_152, %mul3A_2] : memref<2x32768xf32, #tpu.memory_space<hbm>> -> memref<1x1024xf32, #tpu.memory_space<hbm>>
      %dma_wait3A_225 = tpu.memref_squeeze %dma_wait3A_224 : memref<1x1024xf32, #tpu.memory_space<hbm>> -> memref<1024xf32, #tpu.memory_space<hbm>>
      %dma_wait3A_226 = tpu.memref_slice %arg4[%run_scoped3A_152, %mul3A_2] : memref<2x32768xf32, #tpu.memory_space<hbm>> -> memref<1x1024xf32, #tpu.memory_space<hbm>>
      %dma_wait3A_227 = tpu.memref_squeeze %dma_wait3A_226 : memref<1x1024xf32, #tpu.memory_space<hbm>> -> memref<1024xf32, #tpu.memory_space<hbm>>
      tpu.wait_dma2 semaphore(%run_scoped3A_219 : memref<!tpu.dma_semaphore, #tpu.memory_space<semaphore_mem>>) src(%arg9 : memref<1024xf32, #tpu.memory_space<vmem>>) dst(%dma_wait3A_227 : memref<1024xf32, #tpu.memory_space<hbm>>)
      tpu.yield
    }) : () -> ()
    %run_scoped3A_153 = arith.constant 1 : i32
    "tpu.region"() ({
      %run_scoped3A_219 = tpu.sem_alloc : memref<!tpu.dma_semaphore, #tpu.memory_space<semaphore_mem>>
      %dma_start3A_220 = tpu.memref_slice %arg4[%run_scoped3A_153, %mul3A_2] : memref<2x32768xf32, #tpu.memory_space<hbm>> -> memref<1x1024xf32, #tpu.memory_space<hbm>>
      %dma_start3A_221 = tpu.memref_squeeze %dma_start3A_220 : memref<1x1024xf32, #tpu.memory_space<hbm>> -> memref<1024xf32, #tpu.memory_space<hbm>>
      %dma_start3A_222 = tpu.memref_slice %arg4[%run_scoped3A_153, %mul3A_2] : memref<2x32768xf32, #tpu.memory_space<hbm>> -> memref<1x1024xf32, #tpu.memory_space<hbm>>
      %dma_start3A_223 = tpu.memref_squeeze %dma_start3A_222 : memref<1x1024xf32, #tpu.memory_space<hbm>> -> memref<1024xf32, #tpu.memory_space<hbm>>
      tpu.enqueue_dma source(%arg10 : memref<1024xf32, #tpu.memory_space<vmem>>) target(%dma_start3A_223 : memref<1024xf32, #tpu.memory_space<hbm>>) target_semaphore(%run_scoped3A_219 : memref<!tpu.dma_semaphore, #tpu.memory_space<semaphore_mem>>)
      %dma_wait3A_224 = tpu.memref_slice %arg4[%run_scoped3A_153, %mul3A_2] : memref<2x32768xf32, #tpu.memory_space<hbm>> -> memref<1x1024xf32, #tpu.memory_space<hbm>>
      %dma_wait3A_225 = tpu.memref_squeeze %dma_wait3A_224 : memref<1x1024xf32, #tpu.memory_space<hbm>> -> memref<1024xf32, #tpu.memory_space<hbm>>
      %dma_wait3A_226 = tpu.memref_slice %arg4[%run_scoped3A_153, %mul3A_2] : memref<2x32768xf32, #tpu.memory_space<hbm>> -> memref<1x1024xf32, #tpu.memory_space<hbm>>
      %dma_wait3A_227 = tpu.memref_squeeze %dma_wait3A_226 : memref<1x1024xf32, #tpu.memory_space<hbm>> -> memref<1024xf32, #tpu.memory_space<hbm>>
      tpu.wait_dma2 semaphore(%run_scoped3A_219 : memref<!tpu.dma_semaphore, #tpu.memory_space<semaphore_mem>>) src(%arg10 : memref<1024xf32, #tpu.memory_space<vmem>>) dst(%dma_wait3A_227 : memref<1024xf32, #tpu.memory_space<hbm>>)
      tpu.yield
    }) : () -> ()
    %swap3A = arith.constant 0 : i32
    %swap3A_154 = arith.index_cast %swap3A : i32 to index
    %swap3A_155 = arith.constant 0 : index
    %swap3A_156 = tpu.vector_load %arg11[%swap3A_154, %swap3A_155] {strides = array<i32>} : memref<16x16xf32, #tpu.memory_space<vmem>>, vector<16xf32>,
    tpu.vector_store %arg11[%swap3A_154, %swap3A_155], %scan3A_149#0 {strides = array<i32>} : memref<16x16xf32, #tpu.memory_space<vmem>>, vector<16xf32>,
    %swap3A_157 = arith.constant 8 : i32
    %swap3A_158 = arith.index_cast %swap3A_157 : i32 to index
    %swap3A_159 = arith.constant 0 : index
    %swap3A_160 = tpu.vector_load %arg11[%swap3A_158, %swap3A_159] {strides = array<i32>} : memref<16x16xf32, #tpu.memory_space<vmem>>, vector<16xf32>,
    tpu.vector_store %arg11[%swap3A_158, %swap3A_159], %scan3A_149#8 {strides = array<i32>} : memref<16x16xf32, #tpu.memory_space<vmem>>, vector<16xf32>,
    %swap3A_161 = arith.constant 1 : i32
    %swap3A_162 = arith.index_cast %swap3A_161 : i32 to index
    %swap3A_163 = arith.constant 0 : index
    %swap3A_164 = tpu.vector_load %arg11[%swap3A_162, %swap3A_163] {strides = array<i32>} : memref<16x16xf32, #tpu.memory_space<vmem>>, vector<16xf32>,
    tpu.vector_store %arg11[%swap3A_162, %swap3A_163], %scan3A_149#1 {strides = array<i32>} : memref<16x16xf32, #tpu.memory_space<vmem>>, vector<16xf32>,
    %swap3A_165 = arith.constant 9 : i32
    %swap3A_166 = arith.index_cast %swap3A_165 : i32 to index
    %swap3A_167 = arith.constant 0 : index
    %swap3A_168 = tpu.vector_load %arg11[%swap3A_166, %swap3A_167] {strides = array<i32>} : memref<16x16xf32, #tpu.memory_space<vmem>>, vector<16xf32>,
    tpu.vector_store %arg11[%swap3A_166, %swap3A_167], %scan3A_149#9 {strides = array<i32>} : memref<16x16xf32, #tpu.memory_space<vmem>>, vector<16xf32>,
    %swap3A_169 = arith.constant 2 : i32
    %swap3A_170 = arith.index_cast %swap3A_169 : i32 to index
    %swap3A_171 = arith.constant 0 : index
    %swap3A_172 = tpu.vector_load %arg11[%swap3A_170, %swap3A_171] {strides = array<i32>} : memref<16x16xf32, #tpu.memory_space<vmem>>, vector<16xf32>,
    tpu.vector_store %arg11[%swap3A_170, %swap3A_171], %scan3A_149#2 {strides = array<i32>} : memref<16x16xf32, #tpu.memory_space<vmem>>, vector<16xf32>,
    %swap3A_173 = arith.constant 10 : i32
    %swap3A_174 = arith.index_cast %swap3A_173 : i32 to index
    %swap3A_175 = arith.constant 0 : index
    %swap3A_176 = tpu.vector_load %arg11[%swap3A_174, %swap3A_175] {strides = array<i32>} : memref<16x16xf32, #tpu.memory_space<vmem>>, vector<16xf32>,
    tpu.vector_store %arg11[%swap3A_174, %swap3A_175], %scan3A_149#10 {strides = array<i32>} : memref<16x16xf32, #tpu.memory_space<vmem>>, vector<16xf32>,
    %swap3A_177 = arith.constant 3 : i32
    %swap3A_178 = arith.index_cast %swap3A_177 : i32 to index
    %swap3A_179 = arith.constant 0 : index
    %swap3A_180 = tpu.vector_load %arg11[%swap3A_178, %swap3A_179] {strides = array<i32>} : memref<16x16xf32, #tpu.memory_space<vmem>>, vector<16xf32>,
    tpu.vector_store %arg11[%swap3A_178, %swap3A_179], %scan3A_149#3 {strides = array<i32>} : memref<16x16xf32, #tpu.memory_space<vmem>>, vector<16xf32>,
    %swap3A_181 = arith.constant 11 : i32
    %swap3A_182 = arith.index_cast %swap3A_181 : i32 to index
    %swap3A_183 = arith.constant 0 : index
    %swap3A_184 = tpu.vector_load %arg11[%swap3A_182, %swap3A_183] {strides = array<i32>} : memref<16x16xf32, #tpu.memory_space<vmem>>, vector<16xf32>,
    tpu.vector_store %arg11[%swap3A_182, %swap3A_183], %scan3A_149#11 {strides = array<i32>} : memref<16x16xf32, #tpu.memory_space<vmem>>, vector<16xf32>,
    %swap3A_185 = arith.constant 4 : i32
    %swap3A_186 = arith.index_cast %swap3A_185 : i32 to index
    %swap3A_187 = arith.constant 0 : index
    %swap3A_188 = tpu.vector_load %arg11[%swap3A_186, %swap3A_187] {strides = array<i32>} : memref<16x16xf32, #tpu.memory_space<vmem>>, vector<16xf32>,
    tpu.vector_store %arg11[%swap3A_186, %swap3A_187], %scan3A_149#4 {strides = array<i32>} : memref<16x16xf32, #tpu.memory_space<vmem>>, vector<16xf32>,
    %swap3A_189 = arith.constant 12 : i32
    %swap3A_190 = arith.index_cast %swap3A_189 : i32 to index
    %swap3A_191 = arith.constant 0 : index
    %swap3A_192 = tpu.vector_load %arg11[%swap3A_190, %swap3A_191] {strides = array<i32>} : memref<16x16xf32, #tpu.memory_space<vmem>>, vector<16xf32>,
    tpu.vector_store %arg11[%swap3A_190, %swap3A_191], %scan3A_149#12 {strides = array<i32>} : memref<16x16xf32, #tpu.memory_space<vmem>>, vector<16xf32>,
    %swap3A_193 = arith.constant 5 : i32
    %swap3A_194 = arith.index_cast %swap3A_193 : i32 to index
    %swap3A_195 = arith.constant 0 : index
    %swap3A_196 = tpu.vector_load %arg11[%swap3A_194, %swap3A_195] {strides = array<i32>} : memref<16x16xf32, #tpu.memory_space<vmem>>, vector<16xf32>,
    tpu.vector_store %arg11[%swap3A_194, %swap3A_195], %scan3A_149#5 {strides = array<i32>} : memref<16x16xf32, #tpu.memory_space<vmem>>, vector<16xf32>,
    %swap3A_197 = arith.constant 13 : i32
    %swap3A_198 = arith.index_cast %swap3A_197 : i32 to index
    %swap3A_199 = arith.constant 0 : index
    %swap3A_200 = tpu.vector_load %arg11[%swap3A_198, %swap3A_199] {strides = array<i32>} : memref<16x16xf32, #tpu.memory_space<vmem>>, vector<16xf32>,
    tpu.vector_store %arg11[%swap3A_198, %swap3A_199], %scan3A_149#13 {strides = array<i32>} : memref<16x16xf32, #tpu.memory_space<vmem>>, vector<16xf32>,
    %swap3A_201 = arith.constant 6 : i32
    %swap3A_202 = arith.index_cast %swap3A_201 : i32 to index
    %swap3A_203 = arith.constant 0 : index
    %swap3A_204 = tpu.vector_load %arg11[%swap3A_202, %swap3A_203] {strides = array<i32>} : memref<16x16xf32, #tpu.memory_space<vmem>>, vector<16xf32>,
    tpu.vector_store %arg11[%swap3A_202, %swap3A_203], %scan3A_149#6 {strides = array<i32>} : memref<16x16xf32, #tpu.memory_space<vmem>>, vector<16xf32>,
    %swap3A_205 = arith.constant 14 : i32
    %swap3A_206 = arith.index_cast %swap3A_205 : i32 to index
    %swap3A_207 = arith.constant 0 : index
    %swap3A_208 = tpu.vector_load %arg11[%swap3A_206, %swap3A_207] {strides = array<i32>} : memref<16x16xf32, #tpu.memory_space<vmem>>, vector<16xf32>,
    tpu.vector_store %arg11[%swap3A_206, %swap3A_207], %scan3A_149#14 {strides = array<i32>} : memref<16x16xf32, #tpu.memory_space<vmem>>, vector<16xf32>,
    %swap3A_209 = arith.constant 7 : i32
    %swap3A_210 = arith.index_cast %swap3A_209 : i32 to index
    %swap3A_211 = arith.constant 0 : index
    %swap3A_212 = tpu.vector_load %arg11[%swap3A_210, %swap3A_211] {strides = array<i32>} : memref<16x16xf32, #tpu.memory_space<vmem>>, vector<16xf32>,
    tpu.vector_store %arg11[%swap3A_210, %swap3A_211], %scan3A_149#7 {strides = array<i32>} : memref<16x16xf32, #tpu.memory_space<vmem>>, vector<16xf32>,
    %swap3A_213 = arith.constant 15 : i32
    %swap3A_214 = arith.index_cast %swap3A_213 : i32 to index
    %swap3A_215 = arith.constant 0 : index
    %swap3A_216 = tpu.vector_load %arg11[%swap3A_214, %swap3A_215] {strides = array<i32>} : memref<16x16xf32, #tpu.memory_space<vmem>>, vector<16xf32>,
    tpu.vector_store %arg11[%swap3A_214, %swap3A_215], %scan3A_149#15 {strides = array<i32>} : memref<16x16xf32, #tpu.memory_space<vmem>>, vector<16xf32>,
    "tpu.region"() ({
      %run_scoped3A_219 = tpu.sem_alloc : memref<!tpu.dma_semaphore, #tpu.memory_space<semaphore_mem>>
      %dma_start3A_220 = arith.constant 0 : i32
      %dma_start3A_221 = arith.constant 0 : i32
      %dma_start3A_222 = tpu.memref_slice %arg14[%arg1, %dma_start3A_220, %dma_start3A_221] : memref<16x16x16xf32, #tpu.memory_space<vmem_shared>> -> memref<1x16x16xf32, #tpu.memory_space<vmem_shared>>
      %dma_start3A_223 = tpu.memref_squeeze %dma_start3A_222 : memref<1x16x16xf32, #tpu.memory_space<vmem_shared>> -> memref<16x16xf32, #tpu.memory_space<vmem_shared>>
      %dma_start3A_224 = arith.constant 0 : i32
      %dma_start3A_225 = arith.constant 0 : i32
      %dma_start3A_226 = tpu.memref_slice %arg14[%arg1, %dma_start3A_224, %dma_start3A_225] : memref<16x16x16xf32, #tpu.memory_space<vmem_shared>> -> memref<1x16x16xf32, #tpu.memory_space<vmem_shared>>
      %dma_start3A_227 = tpu.memref_squeeze %dma_start3A_226 : memref<1x16x16xf32, #tpu.memory_space<vmem_shared>> -> memref<16x16xf32, #tpu.memory_space<vmem_shared>>
      tpu.enqueue_dma source(%arg11 : memref<16x16xf32, #tpu.memory_space<vmem>>) target(%dma_start3A_227 : memref<16x16xf32, #tpu.memory_space<vmem_shared>>) target_semaphore(%run_scoped3A_219 : memref<!tpu.dma_semaphore, #tpu.memory_space<semaphore_mem>>)
      %dma_wait3A_228 = arith.constant 0 : i32
      %dma_wait3A_229 = arith.constant 0 : i32
      %dma_wait3A_230 = tpu.memref_slice %arg14[%arg1, %dma_wait3A_228, %dma_wait3A_229] : memref<16x16x16xf32, #tpu.memory_space<vmem_shared>> -> memref<1x16x16xf32, #tpu.memory_space<vmem_shared>>
      %dma_wait3A_231 = tpu.memref_squeeze %dma_wait3A_230 : memref<1x16x16xf32, #tpu.memory_space<vmem_shared>> -> memref<16x16xf32, #tpu.memory_space<vmem_shared>>
      %dma_wait3A_232 = arith.constant 0 : i32
      %dma_wait3A_233 = arith.constant 0 : i32
      %dma_wait3A_234 = tpu.memref_slice %arg14[%arg1, %dma_wait3A_232, %dma_wait3A_233] : memref<16x16x16xf32, #tpu.memory_space<vmem_shared>> -> memref<1x16x16xf32, #tpu.memory_space<vmem_shared>>
      %dma_wait3A_235 = tpu.memref_squeeze %dma_wait3A_234 : memref<1x16x16xf32, #tpu.memory_space<vmem_shared>> -> memref<16x16xf32, #tpu.memory_space<vmem_shared>>
      tpu.wait_dma2 semaphore(%run_scoped3A_219 : memref<!tpu.dma_semaphore, #tpu.memory_space<semaphore_mem>>) src(%arg11 : memref<16x16xf32, #tpu.memory_space<vmem>>) dst(%dma_wait3A_235 : memref<16x16xf32, #tpu.memory_space<vmem_shared>>)
      tpu.yield
    }) : () -> ()
    %barrier3A = arith.constant 0 : index
    tpu.barrier barrier_id(%barrier3A)
    %eq3A = arith.constant 0 : i32
    %eq3A_217 = arith.cmpi eq, %arg1, %eq3A : i32
    %convert_element_type3A = arith.extui %eq3A_217 : i1 to i32
    %cond3A = arith.constant 0 : i32
    %cond3A_218 = arith.cmpi ne, %convert_element_type3A, %cond3A : i32
    scf.if %cond3A_218 {
      "tpu.region"() ({
        %run_scoped3A_2148 = tpu.sem_alloc : memref<!tpu.dma_semaphore, #tpu.memory_space<semaphore_mem>>
        tpu.enqueue_dma source(%arg14 : memref<16x16x16xf32, #tpu.memory_space<vmem_shared>>) target(%arg12 : memref<16x16x16xf32, #tpu.memory_space<vmem>>) target_semaphore(%run_scoped3A_2148 : memref<!tpu.dma_semaphore, #tpu.memory_space<semaphore_mem>>)
        tpu.wait_dma2 semaphore(%run_scoped3A_2148 : memref<!tpu.dma_semaphore, #tpu.memory_space<semaphore_mem>>) src(%arg14 : memref<16x16x16xf32, #tpu.memory_space<vmem_shared>>) dst(%arg12 : memref<16x16x16xf32, #tpu.memory_space<vmem>>)
        tpu.yield
      }) : () -> ()
      %get3A = arith.constant 0 : i32
      %get3A_219 = arith.constant 0 : i32
      %get3A_220 = arith.index_cast %get3A : i32 to index
      %get3A_221 = arith.index_cast %get3A_219 : i32 to index
      %get3A_222 = arith.constant 0 : index
      %get3A_223 = tpu.vector_load %arg12[%get3A_220, %get3A_221, %get3A_222] {strides = array<i32>} : memref<16x16x16xf32, #tpu.memory_space<vmem>>, vector<16xf32>,
      %get3A_224 = arith.constant 1 : i32
      %get3A_225 = arith.constant 0 : i32
      %get3A_226 = arith.index_cast %get3A_224 : i32 to index
      %get3A_227 = arith.index_cast %get3A_225 : i32 to index
      %get3A_228 = arith.constant 0 : index
      %get3A_229 = tpu.vector_load %arg12[%get3A_226, %get3A_227, %get3A_228] {strides = array<i32>} : memref<16x16x16xf32, #tpu.memory_space<vmem>>, vector<16xf32>,
      %add3A_230 = arith.addf %get3A_223, %get3A_229 : vector<16xf32>
      %get3A_231 = arith.constant 2 : i32
      %get3A_232 = arith.constant 0 : i32
      %get3A_233 = arith.index_cast %get3A_231 : i32 to index
      %get3A_234 = arith.index_cast %get3A_232 : i32 to index
      %get3A_235 = arith.constant 0 : index
      %get3A_236 = tpu.vector_load %arg12[%get3A_233, %get3A_234, %get3A_235] {strides = array<i32>} : memref<16x16x16xf32, #tpu.memory_space<vmem>>, vector<16xf32>,
      %add3A_237 = arith.addf %add3A_230, %get3A_236 : vector<16xf32>
      %get3A_238 = arith.constant 3 : i32
      %get3A_239 = arith.constant 0 : i32
      %get3A_240 = arith.index_cast %get3A_238 : i32 to index
      %get3A_241 = arith.index_cast %get3A_239 : i32 to index
      %get3A_242 = arith.constant 0 : index
      %get3A_243 = tpu.vector_load %arg12[%get3A_240, %get3A_241, %get3A_242] {strides = array<i32>} : memref<16x16x16xf32, #tpu.memory_space<vmem>>, vector<16xf32>,
      %add3A_244 = arith.addf %add3A_237, %get3A_243 : vector<16xf32>
      %get3A_245 = arith.constant 4 : i32
      %get3A_246 = arith.constant 0 : i32
      %get3A_247 = arith.index_cast %get3A_245 : i32 to index
      %get3A_248 = arith.index_cast %get3A_246 : i32 to index
      %get3A_249 = arith.constant 0 : index
      %get3A_250 = tpu.vector_load %arg12[%get3A_247, %get3A_248, %get3A_249] {strides = array<i32>} : memref<16x16x16xf32, #tpu.memory_space<vmem>>, vector<16xf32>,
      %add3A_251 = arith.addf %add3A_244, %get3A_250 : vector<16xf32>
      %get3A_252 = arith.constant 5 : i32
      %get3A_253 = arith.constant 0 : i32
      %get3A_254 = arith.index_cast %get3A_252 : i32 to index
      %get3A_255 = arith.index_cast %get3A_253 : i32 to index
      %get3A_256 = arith.constant 0 : index
      %get3A_257 = tpu.vector_load %arg12[%get3A_254, %get3A_255, %get3A_256] {strides = array<i32>} : memref<16x16x16xf32, #tpu.memory_space<vmem>>, vector<16xf32>,
      %add3A_258 = arith.addf %add3A_251, %get3A_257 : vector<16xf32>
      %get3A_259 = arith.constant 6 : i32
      %get3A_260 = arith.constant 0 : i32
      %get3A_261 = arith.index_cast %get3A_259 : i32 to index
      %get3A_262 = arith.index_cast %get3A_260 : i32 to index
      %get3A_263 = arith.constant 0 : index
      %get3A_264 = tpu.vector_load %arg12[%get3A_261, %get3A_262, %get3A_263] {strides = array<i32>} : memref<16x16x16xf32, #tpu.memory_space<vmem>>, vector<16xf32>,
      %add3A_265 = arith.addf %add3A_258, %get3A_264 : vector<16xf32>
      %get3A_266 = arith.constant 7 : i32
      %get3A_267 = arith.constant 0 : i32
      %get3A_268 = arith.index_cast %get3A_266 : i32 to index
      %get3A_269 = arith.index_cast %get3A_267 : i32 to index
      %get3A_270 = arith.constant 0 : index
      %get3A_271 = tpu.vector_load %arg12[%get3A_268, %get3A_269, %get3A_270] {strides = array<i32>} : memref<16x16x16xf32, #tpu.memory_space<vmem>>, vector<16xf32>,
      %add3A_272 = arith.addf %add3A_265, %get3A_271 : vector<16xf32>
      %reduce_sum3A = arith.constant true
      %reduce_sum3A_273 = vector.broadcast %reduce_sum3A : i1 to vector<16xi1>
      %reduce_sum3A_274 = tpu.scan <sum>, %add3A_272 masked %reduce_sum3A_273 : vector<16xf32>, vector<16xi1> -> vector<16xf32>
      %reduce_sum3A_275 = vector.extract %reduce_sum3A_274[15] : f32 from vector<16xf32>
      %get3A_276 = arith.constant 0 : i32
      %get3A_277 = arith.constant 1 : i32
      %get3A_278 = arith.index_cast %get3A_276 : i32 to index
      %get3A_279 = arith.index_cast %get3A_277 : i32 to index
      %get3A_280 = arith.constant 0 : index
      %get3A_281 = tpu.vector_load %arg12[%get3A_278, %get3A_279, %get3A_280] {strides = array<i32>} : memref<16x16x16xf32, #tpu.memory_space<vmem>>, vector<16xf32>,
      %get3A_282 = arith.constant 1 : i32
      %get3A_283 = arith.constant 1 : i32
      %get3A_284 = arith.index_cast %get3A_282 : i32 to index
      %get3A_285 = arith.index_cast %get3A_283 : i32 to index
      %get3A_286 = arith.constant 0 : index
      %get3A_287 = tpu.vector_load %arg12[%get3A_284, %get3A_285, %get3A_286] {strides = array<i32>} : memref<16x16x16xf32, #tpu.memory_space<vmem>>, vector<16xf32>,
      %add3A_288 = arith.addf %get3A_281, %get3A_287 : vector<16xf32>
      %get3A_289 = arith.constant 2 : i32
      %get3A_290 = arith.constant 1 : i32
      %get3A_291 = arith.index_cast %get3A_289 : i32 to index
      %get3A_292 = arith.index_cast %get3A_290 : i32 to index
      %get3A_293 = arith.constant 0 : index
      %get3A_294 = tpu.vector_load %arg12[%get3A_291, %get3A_292, %get3A_293] {strides = array<i32>} : memref<16x16x16xf32, #tpu.memory_space<vmem>>, vector<16xf32>,
      %add3A_295 = arith.addf %add3A_288, %get3A_294 : vector<16xf32>
      %get3A_296 = arith.constant 3 : i32
      %get3A_297 = arith.constant 1 : i32
      %get3A_298 = arith.index_cast %get3A_296 : i32 to index
      %get3A_299 = arith.index_cast %get3A_297 : i32 to index
      %get3A_300 = arith.constant 0 : index
      %get3A_301 = tpu.vector_load %arg12[%get3A_298, %get3A_299, %get3A_300] {strides = array<i32>} : memref<16x16x16xf32, #tpu.memory_space<vmem>>, vector<16xf32>,
      %add3A_302 = arith.addf %add3A_295, %get3A_301 : vector<16xf32>
      %get3A_303 = arith.constant 4 : i32
      %get3A_304 = arith.constant 1 : i32
      %get3A_305 = arith.index_cast %get3A_303 : i32 to index
      %get3A_306 = arith.index_cast %get3A_304 : i32 to index
      %get3A_307 = arith.constant 0 : index
      %get3A_308 = tpu.vector_load %arg12[%get3A_305, %get3A_306, %get3A_307] {strides = array<i32>} : memref<16x16x16xf32, #tpu.memory_space<vmem>>, vector<16xf32>,
      %add3A_309 = arith.addf %add3A_302, %get3A_308 : vector<16xf32>
      %get3A_310 = arith.constant 5 : i32
      %get3A_311 = arith.constant 1 : i32
      %get3A_312 = arith.index_cast %get3A_310 : i32 to index
      %get3A_313 = arith.index_cast %get3A_311 : i32 to index
      %get3A_314 = arith.constant 0 : index
      %get3A_315 = tpu.vector_load %arg12[%get3A_312, %get3A_313, %get3A_314] {strides = array<i32>} : memref<16x16x16xf32, #tpu.memory_space<vmem>>, vector<16xf32>,
      %add3A_316 = arith.addf %add3A_309, %get3A_315 : vector<16xf32>
      %get3A_317 = arith.constant 6 : i32
      %get3A_318 = arith.constant 1 : i32
      %get3A_319 = arith.index_cast %get3A_317 : i32 to index
      %get3A_320 = arith.index_cast %get3A_318 : i32 to index
      %get3A_321 = arith.constant 0 : index
      %get3A_322 = tpu.vector_load %arg12[%get3A_319, %get3A_320, %get3A_321] {strides = array<i32>} : memref<16x16x16xf32, #tpu.memory_space<vmem>>, vector<16xf32>,
      %add3A_323 = arith.addf %add3A_316, %get3A_322 : vector<16xf32>
      %get3A_324 = arith.constant 7 : i32
      %get3A_325 = arith.constant 1 : i32
      %get3A_326 = arith.index_cast %get3A_324 : i32 to index
      %get3A_327 = arith.index_cast %get3A_325 : i32 to index
      %get3A_328 = arith.constant 0 : index
      %get3A_329 = tpu.vector_load %arg12[%get3A_326, %get3A_327, %get3A_328] {strides = array<i32>} : memref<16x16x16xf32, #tpu.memory_space<vmem>>, vector<16xf32>,
      %add3A_330 = arith.addf %add3A_323, %get3A_329 : vector<16xf32>
      %reduce_sum3A_331 = arith.constant true
      %reduce_sum3A_332 = vector.broadcast %reduce_sum3A_331 : i1 to vector<16xi1>
      %reduce_sum3A_333 = tpu.scan <sum>, %add3A_330 masked %reduce_sum3A_332 : vector<16xf32>, vector<16xi1> -> vector<16xf32>
      %reduce_sum3A_334 = vector.extract %reduce_sum3A_333[15] : f32 from vector<16xf32>
      %get3A_335 = arith.constant 0 : i32
      %get3A_336 = arith.constant 2 : i32
      %get3A_337 = arith.index_cast %get3A_335 : i32 to index
      %get3A_338 = arith.index_cast %get3A_336 : i32 to index
      %get3A_339 = arith.constant 0 : index
      %get3A_340 = tpu.vector_load %arg12[%get3A_337, %get3A_338, %get3A_339] {strides = array<i32>} : memref<16x16x16xf32, #tpu.memory_space<vmem>>, vector<16xf32>,
      %get3A_341 = arith.constant 1 : i32
      %get3A_342 = arith.constant 2 : i32
      %get3A_343 = arith.index_cast %get3A_341 : i32 to index
      %get3A_344 = arith.index_cast %get3A_342 : i32 to index
      %get3A_345 = arith.constant 0 : index
      %get3A_346 = tpu.vector_load %arg12[%get3A_343, %get3A_344, %get3A_345] {strides = array<i32>} : memref<16x16x16xf32, #tpu.memory_space<vmem>>, vector<16xf32>,
      %add3A_347 = arith.addf %get3A_340, %get3A_346 : vector<16xf32>
      %get3A_348 = arith.constant 2 : i32
      %get3A_349 = arith.constant 2 : i32
      %get3A_350 = arith.index_cast %get3A_348 : i32 to index
      %get3A_351 = arith.index_cast %get3A_349 : i32 to index
      %get3A_352 = arith.constant 0 : index
      %get3A_353 = tpu.vector_load %arg12[%get3A_350, %get3A_351, %get3A_352] {strides = array<i32>} : memref<16x16x16xf32, #tpu.memory_space<vmem>>, vector<16xf32>,
      %add3A_354 = arith.addf %add3A_347, %get3A_353 : vector<16xf32>
      %get3A_355 = arith.constant 3 : i32
      %get3A_356 = arith.constant 2 : i32
      %get3A_357 = arith.index_cast %get3A_355 : i32 to index
      %get3A_358 = arith.index_cast %get3A_356 : i32 to index
      %get3A_359 = arith.constant 0 : index
      %get3A_360 = tpu.vector_load %arg12[%get3A_357, %get3A_358, %get3A_359] {strides = array<i32>} : memref<16x16x16xf32, #tpu.memory_space<vmem>>, vector<16xf32>,
      %add3A_361 = arith.addf %add3A_354, %get3A_360 : vector<16xf32>
      %get3A_362 = arith.constant 4 : i32
      %get3A_363 = arith.constant 2 : i32
      %get3A_364 = arith.index_cast %get3A_362 : i32 to index
      %get3A_365 = arith.index_cast %get3A_363 : i32 to index
      %get3A_366 = arith.constant 0 : index
      %get3A_367 = tpu.vector_load %arg12[%get3A_364, %get3A_365, %get3A_366] {strides = array<i32>} : memref<16x16x16xf32, #tpu.memory_space<vmem>>, vector<16xf32>,
      %add3A_368 = arith.addf %add3A_361, %get3A_367 : vector<16xf32>
      %get3A_369 = arith.constant 5 : i32
      %get3A_370 = arith.constant 2 : i32
      %get3A_371 = arith.index_cast %get3A_369 : i32 to index
      %get3A_372 = arith.index_cast %get3A_370 : i32 to index
      %get3A_373 = arith.constant 0 : index
      %get3A_374 = tpu.vector_load %arg12[%get3A_371, %get3A_372, %get3A_373] {strides = array<i32>} : memref<16x16x16xf32, #tpu.memory_space<vmem>>, vector<16xf32>,
      %add3A_375 = arith.addf %add3A_368, %get3A_374 : vector<16xf32>
      %get3A_376 = arith.constant 6 : i32
      %get3A_377 = arith.constant 2 : i32
      %get3A_378 = arith.index_cast %get3A_376 : i32 to index
      %get3A_379 = arith.index_cast %get3A_377 : i32 to index
      %get3A_380 = arith.constant 0 : index
      %get3A_381 = tpu.vector_load %arg12[%get3A_378, %get3A_379, %get3A_380] {strides = array<i32>} : memref<16x16x16xf32, #tpu.memory_space<vmem>>, vector<16xf32>,
      %add3A_382 = arith.addf %add3A_375, %get3A_381 : vector<16xf32>
      %get3A_383 = arith.constant 7 : i32
      %get3A_384 = arith.constant 2 : i32
      %get3A_385 = arith.index_cast %get3A_383 : i32 to index
      %get3A_386 = arith.index_cast %get3A_384 : i32 to index
      %get3A_387 = arith.constant 0 : index
      %get3A_388 = tpu.vector_load %arg12[%get3A_385, %get3A_386, %get3A_387] {strides = array<i32>} : memref<16x16x16xf32, #tpu.memory_space<vmem>>, vector<16xf32>,
      %add3A_389 = arith.addf %add3A_382, %get3A_388 : vector<16xf32>
      %reduce_sum3A_390 = arith.constant true
      %reduce_sum3A_391 = vector.broadcast %reduce_sum3A_390 : i1 to vector<16xi1>
      %reduce_sum3A_392 = tpu.scan <sum>, %add3A_389 masked %reduce_sum3A_391 : vector<16xf32>, vector<16xi1> -> vector<16xf32>
      %reduce_sum3A_393 = vector.extract %reduce_sum3A_392[15] : f32 from vector<16xf32>
      %get3A_394 = arith.constant 0 : i32
      %get3A_395 = arith.constant 3 : i32
      %get3A_396 = arith.index_cast %get3A_394 : i32 to index
      %get3A_397 = arith.index_cast %get3A_395 : i32 to index
      %get3A_398 = arith.constant 0 : index
      %get3A_399 = tpu.vector_load %arg12[%get3A_396, %get3A_397, %get3A_398] {strides = array<i32>} : memref<16x16x16xf32, #tpu.memory_space<vmem>>, vector<16xf32>,
      %get3A_400 = arith.constant 1 : i32
      %get3A_401 = arith.constant 3 : i32
      %get3A_402 = arith.index_cast %get3A_400 : i32 to index
      %get3A_403 = arith.index_cast %get3A_401 : i32 to index
      %get3A_404 = arith.constant 0 : index
      %get3A_405 = tpu.vector_load %arg12[%get3A_402, %get3A_403, %get3A_404] {strides = array<i32>} : memref<16x16x16xf32, #tpu.memory_space<vmem>>, vector<16xf32>,
      %add3A_406 = arith.addf %get3A_399, %get3A_405 : vector<16xf32>
      %get3A_407 = arith.constant 2 : i32
      %get3A_408 = arith.constant 3 : i32
      %get3A_409 = arith.index_cast %get3A_407 : i32 to index
      %get3A_410 = arith.index_cast %get3A_408 : i32 to index
      %get3A_411 = arith.constant 0 : index
      %get3A_412 = tpu.vector_load %arg12[%get3A_409, %get3A_410, %get3A_411] {strides = array<i32>} : memref<16x16x16xf32, #tpu.memory_space<vmem>>, vector<16xf32>,
      %add3A_413 = arith.addf %add3A_406, %get3A_412 : vector<16xf32>
      %get3A_414 = arith.constant 3 : i32
      %get3A_415 = arith.constant 3 : i32
      %get3A_416 = arith.index_cast %get3A_414 : i32 to index
      %get3A_417 = arith.index_cast %get3A_415 : i32 to index
      %get3A_418 = arith.constant 0 : index
      %get3A_419 = tpu.vector_load %arg12[%get3A_416, %get3A_417, %get3A_418] {strides = array<i32>} : memref<16x16x16xf32, #tpu.memory_space<vmem>>, vector<16xf32>,
      %add3A_420 = arith.addf %add3A_413, %get3A_419 : vector<16xf32>
      %get3A_421 = arith.constant 4 : i32
      %get3A_422 = arith.constant 3 : i32
      %get3A_423 = arith.index_cast %get3A_421 : i32 to index
      %get3A_424 = arith.index_cast %get3A_422 : i32 to index
      %get3A_425 = arith.constant 0 : index
      %get3A_426 = tpu.vector_load %arg12[%get3A_423, %get3A_424, %get3A_425] {strides = array<i32>} : memref<16x16x16xf32, #tpu.memory_space<vmem>>, vector<16xf32>,
      %add3A_427 = arith.addf %add3A_420, %get3A_426 : vector<16xf32>
      %get3A_428 = arith.constant 5 : i32
      %get3A_429 = arith.constant 3 : i32
      %get3A_430 = arith.index_cast %get3A_428 : i32 to index
      %get3A_431 = arith.index_cast %get3A_429 : i32 to index
      %get3A_432 = arith.constant 0 : index
      %get3A_433 = tpu.vector_load %arg12[%get3A_430, %get3A_431, %get3A_432] {strides = array<i32>} : memref<16x16x16xf32, #tpu.memory_space<vmem>>, vector<16xf32>,
      %add3A_434 = arith.addf %add3A_427, %get3A_433 : vector<16xf32>
      %get3A_435 = arith.constant 6 : i32
      %get3A_436 = arith.constant 3 : i32
      %get3A_437 = arith.index_cast %get3A_435 : i32 to index
      %get3A_438 = arith.index_cast %get3A_436 : i32 to index
      %get3A_439 = arith.constant 0 : index
      %get3A_440 = tpu.vector_load %arg12[%get3A_437, %get3A_438, %get3A_439] {strides = array<i32>} : memref<16x16x16xf32, #tpu.memory_space<vmem>>, vector<16xf32>,
      %add3A_441 = arith.addf %add3A_434, %get3A_440 : vector<16xf32>
      %get3A_442 = arith.constant 7 : i32
      %get3A_443 = arith.constant 3 : i32
      %get3A_444 = arith.index_cast %get3A_442 : i32 to index
      %get3A_445 = arith.index_cast %get3A_443 : i32 to index
      %get3A_446 = arith.constant 0 : index
      %get3A_447 = tpu.vector_load %arg12[%get3A_444, %get3A_445, %get3A_446] {strides = array<i32>} : memref<16x16x16xf32, #tpu.memory_space<vmem>>, vector<16xf32>,
      %add3A_448 = arith.addf %add3A_441, %get3A_447 : vector<16xf32>
      %reduce_sum3A_449 = arith.constant true
      %reduce_sum3A_450 = vector.broadcast %reduce_sum3A_449 : i1 to vector<16xi1>
      %reduce_sum3A_451 = tpu.scan <sum>, %add3A_448 masked %reduce_sum3A_450 : vector<16xf32>, vector<16xi1> -> vector<16xf32>
      %reduce_sum3A_452 = vector.extract %reduce_sum3A_451[15] : f32 from vector<16xf32>
      %get3A_453 = arith.constant 0 : i32
      %get3A_454 = arith.constant 4 : i32
      %get3A_455 = arith.index_cast %get3A_453 : i32 to index
      %get3A_456 = arith.index_cast %get3A_454 : i32 to index
      %get3A_457 = arith.constant 0 : index
      %get3A_458 = tpu.vector_load %arg12[%get3A_455, %get3A_456, %get3A_457] {strides = array<i32>} : memref<16x16x16xf32, #tpu.memory_space<vmem>>, vector<16xf32>,
      %get3A_459 = arith.constant 1 : i32
      %get3A_460 = arith.constant 4 : i32
      %get3A_461 = arith.index_cast %get3A_459 : i32 to index
      %get3A_462 = arith.index_cast %get3A_460 : i32 to index
      %get3A_463 = arith.constant 0 : index
      %get3A_464 = tpu.vector_load %arg12[%get3A_461, %get3A_462, %get3A_463] {strides = array<i32>} : memref<16x16x16xf32, #tpu.memory_space<vmem>>, vector<16xf32>,
      %add3A_465 = arith.addf %get3A_458, %get3A_464 : vector<16xf32>
      %get3A_466 = arith.constant 2 : i32
      %get3A_467 = arith.constant 4 : i32
      %get3A_468 = arith.index_cast %get3A_466 : i32 to index
      %get3A_469 = arith.index_cast %get3A_467 : i32 to index
      %get3A_470 = arith.constant 0 : index
      %get3A_471 = tpu.vector_load %arg12[%get3A_468, %get3A_469, %get3A_470] {strides = array<i32>} : memref<16x16x16xf32, #tpu.memory_space<vmem>>, vector<16xf32>,
      %add3A_472 = arith.addf %add3A_465, %get3A_471 : vector<16xf32>
      %get3A_473 = arith.constant 3 : i32
      %get3A_474 = arith.constant 4 : i32
      %get3A_475 = arith.index_cast %get3A_473 : i32 to index
      %get3A_476 = arith.index_cast %get3A_474 : i32 to index
      %get3A_477 = arith.constant 0 : index
      %get3A_478 = tpu.vector_load %arg12[%get3A_475, %get3A_476, %get3A_477] {strides = array<i32>} : memref<16x16x16xf32, #tpu.memory_space<vmem>>, vector<16xf32>,
      %add3A_479 = arith.addf %add3A_472, %get3A_478 : vector<16xf32>
      %get3A_480 = arith.constant 4 : i32
      %get3A_481 = arith.constant 4 : i32
      %get3A_482 = arith.index_cast %get3A_480 : i32 to index
      %get3A_483 = arith.index_cast %get3A_481 : i32 to index
      %get3A_484 = arith.constant 0 : index
      %get3A_485 = tpu.vector_load %arg12[%get3A_482, %get3A_483, %get3A_484] {strides = array<i32>} : memref<16x16x16xf32, #tpu.memory_space<vmem>>, vector<16xf32>,
      %add3A_486 = arith.addf %add3A_479, %get3A_485 : vector<16xf32>
      %get3A_487 = arith.constant 5 : i32
      %get3A_488 = arith.constant 4 : i32
      %get3A_489 = arith.index_cast %get3A_487 : i32 to index
      %get3A_490 = arith.index_cast %get3A_488 : i32 to index
      %get3A_491 = arith.constant 0 : index
      %get3A_492 = tpu.vector_load %arg12[%get3A_489, %get3A_490, %get3A_491] {strides = array<i32>} : memref<16x16x16xf32, #tpu.memory_space<vmem>>, vector<16xf32>,
      %add3A_493 = arith.addf %add3A_486, %get3A_492 : vector<16xf32>
      %get3A_494 = arith.constant 6 : i32
      %get3A_495 = arith.constant 4 : i32
      %get3A_496 = arith.index_cast %get3A_494 : i32 to index
      %get3A_497 = arith.index_cast %get3A_495 : i32 to index
      %get3A_498 = arith.constant 0 : index
      %get3A_499 = tpu.vector_load %arg12[%get3A_496, %get3A_497, %get3A_498] {strides = array<i32>} : memref<16x16x16xf32, #tpu.memory_space<vmem>>, vector<16xf32>,
      %add3A_500 = arith.addf %add3A_493, %get3A_499 : vector<16xf32>
      %get3A_501 = arith.constant 7 : i32
      %get3A_502 = arith.constant 4 : i32
      %get3A_503 = arith.index_cast %get3A_501 : i32 to index
      %get3A_504 = arith.index_cast %get3A_502 : i32 to index
      %get3A_505 = arith.constant 0 : index
      %get3A_506 = tpu.vector_load %arg12[%get3A_503, %get3A_504, %get3A_505] {strides = array<i32>} : memref<16x16x16xf32, #tpu.memory_space<vmem>>, vector<16xf32>,
      %add3A_507 = arith.addf %add3A_500, %get3A_506 : vector<16xf32>
      %reduce_sum3A_508 = arith.constant true
      %reduce_sum3A_509 = vector.broadcast %reduce_sum3A_508 : i1 to vector<16xi1>
      %reduce_sum3A_510 = tpu.scan <sum>, %add3A_507 masked %reduce_sum3A_509 : vector<16xf32>, vector<16xi1> -> vector<16xf32>
      %reduce_sum3A_511 = vector.extract %reduce_sum3A_510[15] : f32 from vector<16xf32>
      %get3A_512 = arith.constant 0 : i32
      %get3A_513 = arith.constant 5 : i32
      %get3A_514 = arith.index_cast %get3A_512 : i32 to index
      %get3A_515 = arith.index_cast %get3A_513 : i32 to index
      %get3A_516 = arith.constant 0 : index
      %get3A_517 = tpu.vector_load %arg12[%get3A_514, %get3A_515, %get3A_516] {strides = array<i32>} : memref<16x16x16xf32, #tpu.memory_space<vmem>>, vector<16xf32>,
      %get3A_518 = arith.constant 1 : i32
      %get3A_519 = arith.constant 5 : i32
      %get3A_520 = arith.index_cast %get3A_518 : i32 to index
      %get3A_521 = arith.index_cast %get3A_519 : i32 to index
      %get3A_522 = arith.constant 0 : index
      %get3A_523 = tpu.vector_load %arg12[%get3A_520, %get3A_521, %get3A_522] {strides = array<i32>} : memref<16x16x16xf32, #tpu.memory_space<vmem>>, vector<16xf32>,
      %add3A_524 = arith.addf %get3A_517, %get3A_523 : vector<16xf32>
      %get3A_525 = arith.constant 2 : i32
      %get3A_526 = arith.constant 5 : i32
      %get3A_527 = arith.index_cast %get3A_525 : i32 to index
      %get3A_528 = arith.index_cast %get3A_526 : i32 to index
      %get3A_529 = arith.constant 0 : index
      %get3A_530 = tpu.vector_load %arg12[%get3A_527, %get3A_528, %get3A_529] {strides = array<i32>} : memref<16x16x16xf32, #tpu.memory_space<vmem>>, vector<16xf32>,
      %add3A_531 = arith.addf %add3A_524, %get3A_530 : vector<16xf32>
      %get3A_532 = arith.constant 3 : i32
      %get3A_533 = arith.constant 5 : i32
      %get3A_534 = arith.index_cast %get3A_532 : i32 to index
      %get3A_535 = arith.index_cast %get3A_533 : i32 to index
      %get3A_536 = arith.constant 0 : index
      %get3A_537 = tpu.vector_load %arg12[%get3A_534, %get3A_535, %get3A_536] {strides = array<i32>} : memref<16x16x16xf32, #tpu.memory_space<vmem>>, vector<16xf32>,
      %add3A_538 = arith.addf %add3A_531, %get3A_537 : vector<16xf32>
      %get3A_539 = arith.constant 4 : i32
      %get3A_540 = arith.constant 5 : i32
      %get3A_541 = arith.index_cast %get3A_539 : i32 to index
      %get3A_542 = arith.index_cast %get3A_540 : i32 to index
      %get3A_543 = arith.constant 0 : index
      %get3A_544 = tpu.vector_load %arg12[%get3A_541, %get3A_542, %get3A_543] {strides = array<i32>} : memref<16x16x16xf32, #tpu.memory_space<vmem>>, vector<16xf32>,
      %add3A_545 = arith.addf %add3A_538, %get3A_544 : vector<16xf32>
      %get3A_546 = arith.constant 5 : i32
      %get3A_547 = arith.constant 5 : i32
      %get3A_548 = arith.index_cast %get3A_546 : i32 to index
      %get3A_549 = arith.index_cast %get3A_547 : i32 to index
      %get3A_550 = arith.constant 0 : index
      %get3A_551 = tpu.vector_load %arg12[%get3A_548, %get3A_549, %get3A_550] {strides = array<i32>} : memref<16x16x16xf32, #tpu.memory_space<vmem>>, vector<16xf32>,
      %add3A_552 = arith.addf %add3A_545, %get3A_551 : vector<16xf32>
      %get3A_553 = arith.constant 6 : i32
      %get3A_554 = arith.constant 5 : i32
      %get3A_555 = arith.index_cast %get3A_553 : i32 to index
      %get3A_556 = arith.index_cast %get3A_554 : i32 to index
      %get3A_557 = arith.constant 0 : index
      %get3A_558 = tpu.vector_load %arg12[%get3A_555, %get3A_556, %get3A_557] {strides = array<i32>} : memref<16x16x16xf32, #tpu.memory_space<vmem>>, vector<16xf32>,
      %add3A_559 = arith.addf %add3A_552, %get3A_558 : vector<16xf32>
      %get3A_560 = arith.constant 7 : i32
      %get3A_561 = arith.constant 5 : i32
      %get3A_562 = arith.index_cast %get3A_560 : i32 to index
      %get3A_563 = arith.index_cast %get3A_561 : i32 to index
      %get3A_564 = arith.constant 0 : index
      %get3A_565 = tpu.vector_load %arg12[%get3A_562, %get3A_563, %get3A_564] {strides = array<i32>} : memref<16x16x16xf32, #tpu.memory_space<vmem>>, vector<16xf32>,
      %add3A_566 = arith.addf %add3A_559, %get3A_565 : vector<16xf32>
      %reduce_sum3A_567 = arith.constant true
      %reduce_sum3A_568 = vector.broadcast %reduce_sum3A_567 : i1 to vector<16xi1>
      %reduce_sum3A_569 = tpu.scan <sum>, %add3A_566 masked %reduce_sum3A_568 : vector<16xf32>, vector<16xi1> -> vector<16xf32>
      %reduce_sum3A_570 = vector.extract %reduce_sum3A_569[15] : f32 from vector<16xf32>
      %get3A_571 = arith.constant 0 : i32
      %get3A_572 = arith.constant 6 : i32
      %get3A_573 = arith.index_cast %get3A_571 : i32 to index
      %get3A_574 = arith.index_cast %get3A_572 : i32 to index
      %get3A_575 = arith.constant 0 : index
      %get3A_576 = tpu.vector_load %arg12[%get3A_573, %get3A_574, %get3A_575] {strides = array<i32>} : memref<16x16x16xf32, #tpu.memory_space<vmem>>, vector<16xf32>,
      %get3A_577 = arith.constant 1 : i32
      %get3A_578 = arith.constant 6 : i32
      %get3A_579 = arith.index_cast %get3A_577 : i32 to index
      %get3A_580 = arith.index_cast %get3A_578 : i32 to index
      %get3A_581 = arith.constant 0 : index
      %get3A_582 = tpu.vector_load %arg12[%get3A_579, %get3A_580, %get3A_581] {strides = array<i32>} : memref<16x16x16xf32, #tpu.memory_space<vmem>>, vector<16xf32>,
      %add3A_583 = arith.addf %get3A_576, %get3A_582 : vector<16xf32>
      %get3A_584 = arith.constant 2 : i32
      %get3A_585 = arith.constant 6 : i32
      %get3A_586 = arith.index_cast %get3A_584 : i32 to index
      %get3A_587 = arith.index_cast %get3A_585 : i32 to index
      %get3A_588 = arith.constant 0 : index
      %get3A_589 = tpu.vector_load %arg12[%get3A_586, %get3A_587, %get3A_588] {strides = array<i32>} : memref<16x16x16xf32, #tpu.memory_space<vmem>>, vector<16xf32>,
      %add3A_590 = arith.addf %add3A_583, %get3A_589 : vector<16xf32>
      %get3A_591 = arith.constant 3 : i32
      %get3A_592 = arith.constant 6 : i32
      %get3A_593 = arith.index_cast %get3A_591 : i32 to index
      %get3A_594 = arith.index_cast %get3A_592 : i32 to index
      %get3A_595 = arith.constant 0 : index
      %get3A_596 = tpu.vector_load %arg12[%get3A_593, %get3A_594, %get3A_595] {strides = array<i32>} : memref<16x16x16xf32, #tpu.memory_space<vmem>>, vector<16xf32>,
      %add3A_597 = arith.addf %add3A_590, %get3A_596 : vector<16xf32>
      %get3A_598 = arith.constant 4 : i32
      %get3A_599 = arith.constant 6 : i32
      %get3A_600 = arith.index_cast %get3A_598 : i32 to index
      %get3A_601 = arith.index_cast %get3A_599 : i32 to index
      %get3A_602 = arith.constant 0 : index
      %get3A_603 = tpu.vector_load %arg12[%get3A_600, %get3A_601, %get3A_602] {strides = array<i32>} : memref<16x16x16xf32, #tpu.memory_space<vmem>>, vector<16xf32>,
      %add3A_604 = arith.addf %add3A_597, %get3A_603 : vector<16xf32>
      %get3A_605 = arith.constant 5 : i32
      %get3A_606 = arith.constant 6 : i32
      %get3A_607 = arith.index_cast %get3A_605 : i32 to index
      %get3A_608 = arith.index_cast %get3A_606 : i32 to index
      %get3A_609 = arith.constant 0 : index
      %get3A_610 = tpu.vector_load %arg12[%get3A_607, %get3A_608, %get3A_609] {strides = array<i32>} : memref<16x16x16xf32, #tpu.memory_space<vmem>>, vector<16xf32>,
      %add3A_611 = arith.addf %add3A_604, %get3A_610 : vector<16xf32>
      %get3A_612 = arith.constant 6 : i32
      %get3A_613 = arith.constant 6 : i32
      %get3A_614 = arith.index_cast %get3A_612 : i32 to index
      %get3A_615 = arith.index_cast %get3A_613 : i32 to index
      %get3A_616 = arith.constant 0 : index
      %get3A_617 = tpu.vector_load %arg12[%get3A_614, %get3A_615, %get3A_616] {strides = array<i32>} : memref<16x16x16xf32, #tpu.memory_space<vmem>>, vector<16xf32>,
      %add3A_618 = arith.addf %add3A_611, %get3A_617 : vector<16xf32>
      %get3A_619 = arith.constant 7 : i32
      %get3A_620 = arith.constant 6 : i32
      %get3A_621 = arith.index_cast %get3A_619 : i32 to index
      %get3A_622 = arith.index_cast %get3A_620 : i32 to index
      %get3A_623 = arith.constant 0 : index
      %get3A_624 = tpu.vector_load %arg12[%get3A_621, %get3A_622, %get3A_623] {strides = array<i32>} : memref<16x16x16xf32, #tpu.memory_space<vmem>>, vector<16xf32>,
      %add3A_625 = arith.addf %add3A_618, %get3A_624 : vector<16xf32>
      %reduce_sum3A_626 = arith.constant true
      %reduce_sum3A_627 = vector.broadcast %reduce_sum3A_626 : i1 to vector<16xi1>
      %reduce_sum3A_628 = tpu.scan <sum>, %add3A_625 masked %reduce_sum3A_627 : vector<16xf32>, vector<16xi1> -> vector<16xf32>
      %reduce_sum3A_629 = vector.extract %reduce_sum3A_628[15] : f32 from vector<16xf32>
      %get3A_630 = arith.constant 0 : i32
      %get3A_631 = arith.constant 7 : i32
      %get3A_632 = arith.index_cast %get3A_630 : i32 to index
      %get3A_633 = arith.index_cast %get3A_631 : i32 to index
      %get3A_634 = arith.constant 0 : index
      %get3A_635 = tpu.vector_load %arg12[%get3A_632, %get3A_633, %get3A_634] {strides = array<i32>} : memref<16x16x16xf32, #tpu.memory_space<vmem>>, vector<16xf32>,
      %get3A_636 = arith.constant 1 : i32
      %get3A_637 = arith.constant 7 : i32
      %get3A_638 = arith.index_cast %get3A_636 : i32 to index
      %get3A_639 = arith.index_cast %get3A_637 : i32 to index
      %get3A_640 = arith.constant 0 : index
      %get3A_641 = tpu.vector_load %arg12[%get3A_638, %get3A_639, %get3A_640] {strides = array<i32>} : memref<16x16x16xf32, #tpu.memory_space<vmem>>, vector<16xf32>,
      %add3A_642 = arith.addf %get3A_635, %get3A_641 : vector<16xf32>
      %get3A_643 = arith.constant 2 : i32
      %get3A_644 = arith.constant 7 : i32
      %get3A_645 = arith.index_cast %get3A_643 : i32 to index
      %get3A_646 = arith.index_cast %get3A_644 : i32 to index
      %get3A_647 = arith.constant 0 : index
      %get3A_648 = tpu.vector_load %arg12[%get3A_645, %get3A_646, %get3A_647] {strides = array<i32>} : memref<16x16x16xf32, #tpu.memory_space<vmem>>, vector<16xf32>,
      %add3A_649 = arith.addf %add3A_642, %get3A_648 : vector<16xf32>
      %get3A_650 = arith.constant 3 : i32
      %get3A_651 = arith.constant 7 : i32
      %get3A_652 = arith.index_cast %get3A_650 : i32 to index
      %get3A_653 = arith.index_cast %get3A_651 : i32 to index
      %get3A_654 = arith.constant 0 : index
      %get3A_655 = tpu.vector_load %arg12[%get3A_652, %get3A_653, %get3A_654] {strides = array<i32>} : memref<16x16x16xf32, #tpu.memory_space<vmem>>, vector<16xf32>,
      %add3A_656 = arith.addf %add3A_649, %get3A_655 : vector<16xf32>
      %get3A_657 = arith.constant 4 : i32
      %get3A_658 = arith.constant 7 : i32
      %get3A_659 = arith.index_cast %get3A_657 : i32 to index
      %get3A_660 = arith.index_cast %get3A_658 : i32 to index
      %get3A_661 = arith.constant 0 : index
      %get3A_662 = tpu.vector_load %arg12[%get3A_659, %get3A_660, %get3A_661] {strides = array<i32>} : memref<16x16x16xf32, #tpu.memory_space<vmem>>, vector<16xf32>,
      %add3A_663 = arith.addf %add3A_656, %get3A_662 : vector<16xf32>
      %get3A_664 = arith.constant 5 : i32
      %get3A_665 = arith.constant 7 : i32
      %get3A_666 = arith.index_cast %get3A_664 : i32 to index
      %get3A_667 = arith.index_cast %get3A_665 : i32 to index
      %get3A_668 = arith.constant 0 : index
      %get3A_669 = tpu.vector_load %arg12[%get3A_666, %get3A_667, %get3A_668] {strides = array<i32>} : memref<16x16x16xf32, #tpu.memory_space<vmem>>, vector<16xf32>,
      %add3A_670 = arith.addf %add3A_663, %get3A_669 : vector<16xf32>
      %get3A_671 = arith.constant 6 : i32
      %get3A_672 = arith.constant 7 : i32
      %get3A_673 = arith.index_cast %get3A_671 : i32 to index
      %get3A_674 = arith.index_cast %get3A_672 : i32 to index
      %get3A_675 = arith.constant 0 : index
      %get3A_676 = tpu.vector_load %arg12[%get3A_673, %get3A_674, %get3A_675] {strides = array<i32>} : memref<16x16x16xf32, #tpu.memory_space<vmem>>, vector<16xf32>,
      %add3A_677 = arith.addf %add3A_670, %get3A_676 : vector<16xf32>
      %get3A_678 = arith.constant 7 : i32
      %get3A_679 = arith.constant 7 : i32
      %get3A_680 = arith.index_cast %get3A_678 : i32 to index
      %get3A_681 = arith.index_cast %get3A_679 : i32 to index
      %get3A_682 = arith.constant 0 : index
      %get3A_683 = tpu.vector_load %arg12[%get3A_680, %get3A_681, %get3A_682] {strides = array<i32>} : memref<16x16x16xf32, #tpu.memory_space<vmem>>, vector<16xf32>,
      %add3A_684 = arith.addf %add3A_677, %get3A_683 : vector<16xf32>
      %reduce_sum3A_685 = arith.constant true
      %reduce_sum3A_686 = vector.broadcast %reduce_sum3A_685 : i1 to vector<16xi1>
      %reduce_sum3A_687 = tpu.scan <sum>, %add3A_684 masked %reduce_sum3A_686 : vector<16xf32>, vector<16xi1> -> vector<16xf32>
      %reduce_sum3A_688 = vector.extract %reduce_sum3A_687[15] : f32 from vector<16xf32>
      %get3A_689 = arith.constant 0 : i32
      %get3A_690 = arith.constant 8 : i32
      %get3A_691 = arith.index_cast %get3A_689 : i32 to index
      %get3A_692 = arith.index_cast %get3A_690 : i32 to index
      %get3A_693 = arith.constant 0 : index
      %get3A_694 = tpu.vector_load %arg12[%get3A_691, %get3A_692, %get3A_693] {strides = array<i32>} : memref<16x16x16xf32, #tpu.memory_space<vmem>>, vector<16xf32>,
      %get3A_695 = arith.constant 1 : i32
      %get3A_696 = arith.constant 8 : i32
      %get3A_697 = arith.index_cast %get3A_695 : i32 to index
      %get3A_698 = arith.index_cast %get3A_696 : i32 to index
      %get3A_699 = arith.constant 0 : index
      %get3A_700 = tpu.vector_load %arg12[%get3A_697, %get3A_698, %get3A_699] {strides = array<i32>} : memref<16x16x16xf32, #tpu.memory_space<vmem>>, vector<16xf32>,
      %add3A_701 = arith.addf %get3A_694, %get3A_700 : vector<16xf32>
      %get3A_702 = arith.constant 2 : i32
      %get3A_703 = arith.constant 8 : i32
      %get3A_704 = arith.index_cast %get3A_702 : i32 to index
      %get3A_705 = arith.index_cast %get3A_703 : i32 to index
      %get3A_706 = arith.constant 0 : index
      %get3A_707 = tpu.vector_load %arg12[%get3A_704, %get3A_705, %get3A_706] {strides = array<i32>} : memref<16x16x16xf32, #tpu.memory_space<vmem>>, vector<16xf32>,
      %add3A_708 = arith.addf %add3A_701, %get3A_707 : vector<16xf32>
      %get3A_709 = arith.constant 3 : i32
      %get3A_710 = arith.constant 8 : i32
      %get3A_711 = arith.index_cast %get3A_709 : i32 to index
      %get3A_712 = arith.index_cast %get3A_710 : i32 to index
      %get3A_713 = arith.constant 0 : index
      %get3A_714 = tpu.vector_load %arg12[%get3A_711, %get3A_712, %get3A_713] {strides = array<i32>} : memref<16x16x16xf32, #tpu.memory_space<vmem>>, vector<16xf32>,
      %add3A_715 = arith.addf %add3A_708, %get3A_714 : vector<16xf32>
      %get3A_716 = arith.constant 4 : i32
      %get3A_717 = arith.constant 8 : i32
      %get3A_718 = arith.index_cast %get3A_716 : i32 to index
      %get3A_719 = arith.index_cast %get3A_717 : i32 to index
      %get3A_720 = arith.constant 0 : index
      %get3A_721 = tpu.vector_load %arg12[%get3A_718, %get3A_719, %get3A_720] {strides = array<i32>} : memref<16x16x16xf32, #tpu.memory_space<vmem>>, vector<16xf32>,
      %add3A_722 = arith.addf %add3A_715, %get3A_721 : vector<16xf32>
      %get3A_723 = arith.constant 5 : i32
      %get3A_724 = arith.constant 8 : i32
      %get3A_725 = arith.index_cast %get3A_723 : i32 to index
      %get3A_726 = arith.index_cast %get3A_724 : i32 to index
      %get3A_727 = arith.constant 0 : index
      %get3A_728 = tpu.vector_load %arg12[%get3A_725, %get3A_726, %get3A_727] {strides = array<i32>} : memref<16x16x16xf32, #tpu.memory_space<vmem>>, vector<16xf32>,
      %add3A_729 = arith.addf %add3A_722, %get3A_728 : vector<16xf32>
      %get3A_730 = arith.constant 6 : i32
      %get3A_731 = arith.constant 8 : i32
      %get3A_732 = arith.index_cast %get3A_730 : i32 to index
      %get3A_733 = arith.index_cast %get3A_731 : i32 to index
      %get3A_734 = arith.constant 0 : index
      %get3A_735 = tpu.vector_load %arg12[%get3A_732, %get3A_733, %get3A_734] {strides = array<i32>} : memref<16x16x16xf32, #tpu.memory_space<vmem>>, vector<16xf32>,
      %add3A_736 = arith.addf %add3A_729, %get3A_735 : vector<16xf32>
      %get3A_737 = arith.constant 7 : i32
      %get3A_738 = arith.constant 8 : i32
      %get3A_739 = arith.index_cast %get3A_737 : i32 to index
      %get3A_740 = arith.index_cast %get3A_738 : i32 to index
      %get3A_741 = arith.constant 0 : index
      %get3A_742 = tpu.vector_load %arg12[%get3A_739, %get3A_740, %get3A_741] {strides = array<i32>} : memref<16x16x16xf32, #tpu.memory_space<vmem>>, vector<16xf32>,
      %add3A_743 = arith.addf %add3A_736, %get3A_742 : vector<16xf32>
      %reduce_sum3A_744 = arith.constant true
      %reduce_sum3A_745 = vector.broadcast %reduce_sum3A_744 : i1 to vector<16xi1>
      %reduce_sum3A_746 = tpu.scan <sum>, %add3A_743 masked %reduce_sum3A_745 : vector<16xf32>, vector<16xi1> -> vector<16xf32>
      %reduce_sum3A_747 = vector.extract %reduce_sum3A_746[15] : f32 from vector<16xf32>
      %get3A_748 = arith.constant 0 : i32
      %get3A_749 = arith.constant 9 : i32
      %get3A_750 = arith.index_cast %get3A_748 : i32 to index
      %get3A_751 = arith.index_cast %get3A_749 : i32 to index
      %get3A_752 = arith.constant 0 : index
      %get3A_753 = tpu.vector_load %arg12[%get3A_750, %get3A_751, %get3A_752] {strides = array<i32>} : memref<16x16x16xf32, #tpu.memory_space<vmem>>, vector<16xf32>,
      %get3A_754 = arith.constant 1 : i32
      %get3A_755 = arith.constant 9 : i32
      %get3A_756 = arith.index_cast %get3A_754 : i32 to index
      %get3A_757 = arith.index_cast %get3A_755 : i32 to index
      %get3A_758 = arith.constant 0 : index
      %get3A_759 = tpu.vector_load %arg12[%get3A_756, %get3A_757, %get3A_758] {strides = array<i32>} : memref<16x16x16xf32, #tpu.memory_space<vmem>>, vector<16xf32>,
      %add3A_760 = arith.addf %get3A_753, %get3A_759 : vector<16xf32>
      %get3A_761 = arith.constant 2 : i32
      %get3A_762 = arith.constant 9 : i32
      %get3A_763 = arith.index_cast %get3A_761 : i32 to index
      %get3A_764 = arith.index_cast %get3A_762 : i32 to index
      %get3A_765 = arith.constant 0 : index
      %get3A_766 = tpu.vector_load %arg12[%get3A_763, %get3A_764, %get3A_765] {strides = array<i32>} : memref<16x16x16xf32, #tpu.memory_space<vmem>>, vector<16xf32>,
      %add3A_767 = arith.addf %add3A_760, %get3A_766 : vector<16xf32>
      %get3A_768 = arith.constant 3 : i32
      %get3A_769 = arith.constant 9 : i32
      %get3A_770 = arith.index_cast %get3A_768 : i32 to index
      %get3A_771 = arith.index_cast %get3A_769 : i32 to index
      %get3A_772 = arith.constant 0 : index
      %get3A_773 = tpu.vector_load %arg12[%get3A_770, %get3A_771, %get3A_772] {strides = array<i32>} : memref<16x16x16xf32, #tpu.memory_space<vmem>>, vector<16xf32>,
      %add3A_774 = arith.addf %add3A_767, %get3A_773 : vector<16xf32>
      %get3A_775 = arith.constant 4 : i32
      %get3A_776 = arith.constant 9 : i32
      %get3A_777 = arith.index_cast %get3A_775 : i32 to index
      %get3A_778 = arith.index_cast %get3A_776 : i32 to index
      %get3A_779 = arith.constant 0 : index
      %get3A_780 = tpu.vector_load %arg12[%get3A_777, %get3A_778, %get3A_779] {strides = array<i32>} : memref<16x16x16xf32, #tpu.memory_space<vmem>>, vector<16xf32>,
      %add3A_781 = arith.addf %add3A_774, %get3A_780 : vector<16xf32>
      %get3A_782 = arith.constant 5 : i32
      %get3A_783 = arith.constant 9 : i32
      %get3A_784 = arith.index_cast %get3A_782 : i32 to index
      %get3A_785 = arith.index_cast %get3A_783 : i32 to index
      %get3A_786 = arith.constant 0 : index
      %get3A_787 = tpu.vector_load %arg12[%get3A_784, %get3A_785, %get3A_786] {strides = array<i32>} : memref<16x16x16xf32, #tpu.memory_space<vmem>>, vector<16xf32>,
      %add3A_788 = arith.addf %add3A_781, %get3A_787 : vector<16xf32>
      %get3A_789 = arith.constant 6 : i32
      %get3A_790 = arith.constant 9 : i32
      %get3A_791 = arith.index_cast %get3A_789 : i32 to index
      %get3A_792 = arith.index_cast %get3A_790 : i32 to index
      %get3A_793 = arith.constant 0 : index
      %get3A_794 = tpu.vector_load %arg12[%get3A_791, %get3A_792, %get3A_793] {strides = array<i32>} : memref<16x16x16xf32, #tpu.memory_space<vmem>>, vector<16xf32>,
      %add3A_795 = arith.addf %add3A_788, %get3A_794 : vector<16xf32>
      %get3A_796 = arith.constant 7 : i32
      %get3A_797 = arith.constant 9 : i32
      %get3A_798 = arith.index_cast %get3A_796 : i32 to index
      %get3A_799 = arith.index_cast %get3A_797 : i32 to index
      %get3A_800 = arith.constant 0 : index
      %get3A_801 = tpu.vector_load %arg12[%get3A_798, %get3A_799, %get3A_800] {strides = array<i32>} : memref<16x16x16xf32, #tpu.memory_space<vmem>>, vector<16xf32>,
      %add3A_802 = arith.addf %add3A_795, %get3A_801 : vector<16xf32>
      %reduce_sum3A_803 = arith.constant true
      %reduce_sum3A_804 = vector.broadcast %reduce_sum3A_803 : i1 to vector<16xi1>
      %reduce_sum3A_805 = tpu.scan <sum>, %add3A_802 masked %reduce_sum3A_804 : vector<16xf32>, vector<16xi1> -> vector<16xf32>
      %reduce_sum3A_806 = vector.extract %reduce_sum3A_805[15] : f32 from vector<16xf32>
      %get3A_807 = arith.constant 0 : i32
      %get3A_808 = arith.constant 10 : i32
      %get3A_809 = arith.index_cast %get3A_807 : i32 to index
      %get3A_810 = arith.index_cast %get3A_808 : i32 to index
      %get3A_811 = arith.constant 0 : index
      %get3A_812 = tpu.vector_load %arg12[%get3A_809, %get3A_810, %get3A_811] {strides = array<i32>} : memref<16x16x16xf32, #tpu.memory_space<vmem>>, vector<16xf32>,
      %get3A_813 = arith.constant 1 : i32
      %get3A_814 = arith.constant 10 : i32
      %get3A_815 = arith.index_cast %get3A_813 : i32 to index
      %get3A_816 = arith.index_cast %get3A_814 : i32 to index
      %get3A_817 = arith.constant 0 : index
      %get3A_818 = tpu.vector_load %arg12[%get3A_815, %get3A_816, %get3A_817] {strides = array<i32>} : memref<16x16x16xf32, #tpu.memory_space<vmem>>, vector<16xf32>,
      %add3A_819 = arith.addf %get3A_812, %get3A_818 : vector<16xf32>
      %get3A_820 = arith.constant 2 : i32
      %get3A_821 = arith.constant 10 : i32
      %get3A_822 = arith.index_cast %get3A_820 : i32 to index
      %get3A_823 = arith.index_cast %get3A_821 : i32 to index
      %get3A_824 = arith.constant 0 : index
      %get3A_825 = tpu.vector_load %arg12[%get3A_822, %get3A_823, %get3A_824] {strides = array<i32>} : memref<16x16x16xf32, #tpu.memory_space<vmem>>, vector<16xf32>,
      %add3A_826 = arith.addf %add3A_819, %get3A_825 : vector<16xf32>
      %get3A_827 = arith.constant 3 : i32
      %get3A_828 = arith.constant 10 : i32
      %get3A_829 = arith.index_cast %get3A_827 : i32 to index
      %get3A_830 = arith.index_cast %get3A_828 : i32 to index
      %get3A_831 = arith.constant 0 : index
      %get3A_832 = tpu.vector_load %arg12[%get3A_829, %get3A_830, %get3A_831] {strides = array<i32>} : memref<16x16x16xf32, #tpu.memory_space<vmem>>, vector<16xf32>,
      %add3A_833 = arith.addf %add3A_826, %get3A_832 : vector<16xf32>
      %get3A_834 = arith.constant 4 : i32
      %get3A_835 = arith.constant 10 : i32
      %get3A_836 = arith.index_cast %get3A_834 : i32 to index
      %get3A_837 = arith.index_cast %get3A_835 : i32 to index
      %get3A_838 = arith.constant 0 : index
      %get3A_839 = tpu.vector_load %arg12[%get3A_836, %get3A_837, %get3A_838] {strides = array<i32>} : memref<16x16x16xf32, #tpu.memory_space<vmem>>, vector<16xf32>,
      %add3A_840 = arith.addf %add3A_833, %get3A_839 : vector<16xf32>
      %get3A_841 = arith.constant 5 : i32
      %get3A_842 = arith.constant 10 : i32
      %get3A_843 = arith.index_cast %get3A_841 : i32 to index
      %get3A_844 = arith.index_cast %get3A_842 : i32 to index
      %get3A_845 = arith.constant 0 : index
      %get3A_846 = tpu.vector_load %arg12[%get3A_843, %get3A_844, %get3A_845] {strides = array<i32>} : memref<16x16x16xf32, #tpu.memory_space<vmem>>, vector<16xf32>,
      %add3A_847 = arith.addf %add3A_840, %get3A_846 : vector<16xf32>
      %get3A_848 = arith.constant 6 : i32
      %get3A_849 = arith.constant 10 : i32
      %get3A_850 = arith.index_cast %get3A_848 : i32 to index
      %get3A_851 = arith.index_cast %get3A_849 : i32 to index
      %get3A_852 = arith.constant 0 : index
      %get3A_853 = tpu.vector_load %arg12[%get3A_850, %get3A_851, %get3A_852] {strides = array<i32>} : memref<16x16x16xf32, #tpu.memory_space<vmem>>, vector<16xf32>,
      %add3A_854 = arith.addf %add3A_847, %get3A_853 : vector<16xf32>
      %get3A_855 = arith.constant 7 : i32
      %get3A_856 = arith.constant 10 : i32
      %get3A_857 = arith.index_cast %get3A_855 : i32 to index
      %get3A_858 = arith.index_cast %get3A_856 : i32 to index
      %get3A_859 = arith.constant 0 : index
      %get3A_860 = tpu.vector_load %arg12[%get3A_857, %get3A_858, %get3A_859] {strides = array<i32>} : memref<16x16x16xf32, #tpu.memory_space<vmem>>, vector<16xf32>,
      %add3A_861 = arith.addf %add3A_854, %get3A_860 : vector<16xf32>
      %reduce_sum3A_862 = arith.constant true
      %reduce_sum3A_863 = vector.broadcast %reduce_sum3A_862 : i1 to vector<16xi1>
      %reduce_sum3A_864 = tpu.scan <sum>, %add3A_861 masked %reduce_sum3A_863 : vector<16xf32>, vector<16xi1> -> vector<16xf32>
      %reduce_sum3A_865 = vector.extract %reduce_sum3A_864[15] : f32 from vector<16xf32>
      %get3A_866 = arith.constant 0 : i32
      %get3A_867 = arith.constant 11 : i32
      %get3A_868 = arith.index_cast %get3A_866 : i32 to index
      %get3A_869 = arith.index_cast %get3A_867 : i32 to index
      %get3A_870 = arith.constant 0 : index
      %get3A_871 = tpu.vector_load %arg12[%get3A_868, %get3A_869, %get3A_870] {strides = array<i32>} : memref<16x16x16xf32, #tpu.memory_space<vmem>>, vector<16xf32>,
      %get3A_872 = arith.constant 1 : i32
      %get3A_873 = arith.constant 11 : i32
      %get3A_874 = arith.index_cast %get3A_872 : i32 to index
      %get3A_875 = arith.index_cast %get3A_873 : i32 to index
      %get3A_876 = arith.constant 0 : index
      %get3A_877 = tpu.vector_load %arg12[%get3A_874, %get3A_875, %get3A_876] {strides = array<i32>} : memref<16x16x16xf32, #tpu.memory_space<vmem>>, vector<16xf32>,
      %add3A_878 = arith.addf %get3A_871, %get3A_877 : vector<16xf32>
      %get3A_879 = arith.constant 2 : i32
      %get3A_880 = arith.constant 11 : i32
      %get3A_881 = arith.index_cast %get3A_879 : i32 to index
      %get3A_882 = arith.index_cast %get3A_880 : i32 to index
      %get3A_883 = arith.constant 0 : index
      %get3A_884 = tpu.vector_load %arg12[%get3A_881, %get3A_882, %get3A_883] {strides = array<i32>} : memref<16x16x16xf32, #tpu.memory_space<vmem>>, vector<16xf32>,
      %add3A_885 = arith.addf %add3A_878, %get3A_884 : vector<16xf32>
      %get3A_886 = arith.constant 3 : i32
      %get3A_887 = arith.constant 11 : i32
      %get3A_888 = arith.index_cast %get3A_886 : i32 to index
      %get3A_889 = arith.index_cast %get3A_887 : i32 to index
      %get3A_890 = arith.constant 0 : index
      %get3A_891 = tpu.vector_load %arg12[%get3A_888, %get3A_889, %get3A_890] {strides = array<i32>} : memref<16x16x16xf32, #tpu.memory_space<vmem>>, vector<16xf32>,
      %add3A_892 = arith.addf %add3A_885, %get3A_891 : vector<16xf32>
      %get3A_893 = arith.constant 4 : i32
      %get3A_894 = arith.constant 11 : i32
      %get3A_895 = arith.index_cast %get3A_893 : i32 to index
      %get3A_896 = arith.index_cast %get3A_894 : i32 to index
      %get3A_897 = arith.constant 0 : index
      %get3A_898 = tpu.vector_load %arg12[%get3A_895, %get3A_896, %get3A_897] {strides = array<i32>} : memref<16x16x16xf32, #tpu.memory_space<vmem>>, vector<16xf32>,
      %add3A_899 = arith.addf %add3A_892, %get3A_898 : vector<16xf32>
      %get3A_900 = arith.constant 5 : i32
      %get3A_901 = arith.constant 11 : i32
      %get3A_902 = arith.index_cast %get3A_900 : i32 to index
      %get3A_903 = arith.index_cast %get3A_901 : i32 to index
      %get3A_904 = arith.constant 0 : index
      %get3A_905 = tpu.vector_load %arg12[%get3A_902, %get3A_903, %get3A_904] {strides = array<i32>} : memref<16x16x16xf32, #tpu.memory_space<vmem>>, vector<16xf32>,
      %add3A_906 = arith.addf %add3A_899, %get3A_905 : vector<16xf32>
      %get3A_907 = arith.constant 6 : i32
      %get3A_908 = arith.constant 11 : i32
      %get3A_909 = arith.index_cast %get3A_907 : i32 to index
      %get3A_910 = arith.index_cast %get3A_908 : i32 to index
      %get3A_911 = arith.constant 0 : index
      %get3A_912 = tpu.vector_load %arg12[%get3A_909, %get3A_910, %get3A_911] {strides = array<i32>} : memref<16x16x16xf32, #tpu.memory_space<vmem>>, vector<16xf32>,
      %add3A_913 = arith.addf %add3A_906, %get3A_912 : vector<16xf32>
      %get3A_914 = arith.constant 7 : i32
      %get3A_915 = arith.constant 11 : i32
      %get3A_916 = arith.index_cast %get3A_914 : i32 to index
      %get3A_917 = arith.index_cast %get3A_915 : i32 to index
      %get3A_918 = arith.constant 0 : index
      %get3A_919 = tpu.vector_load %arg12[%get3A_916, %get3A_917, %get3A_918] {strides = array<i32>} : memref<16x16x16xf32, #tpu.memory_space<vmem>>, vector<16xf32>,
      %add3A_920 = arith.addf %add3A_913, %get3A_919 : vector<16xf32>
      %reduce_sum3A_921 = arith.constant true
      %reduce_sum3A_922 = vector.broadcast %reduce_sum3A_921 : i1 to vector<16xi1>
      %reduce_sum3A_923 = tpu.scan <sum>, %add3A_920 masked %reduce_sum3A_922 : vector<16xf32>, vector<16xi1> -> vector<16xf32>
      %reduce_sum3A_924 = vector.extract %reduce_sum3A_923[15] : f32 from vector<16xf32>
      %get3A_925 = arith.constant 0 : i32
      %get3A_926 = arith.constant 12 : i32
      %get3A_927 = arith.index_cast %get3A_925 : i32 to index
      %get3A_928 = arith.index_cast %get3A_926 : i32 to index
      %get3A_929 = arith.constant 0 : index
      %get3A_930 = tpu.vector_load %arg12[%get3A_927, %get3A_928, %get3A_929] {strides = array<i32>} : memref<16x16x16xf32, #tpu.memory_space<vmem>>, vector<16xf32>,
      %get3A_931 = arith.constant 1 : i32
      %get3A_932 = arith.constant 12 : i32
      %get3A_933 = arith.index_cast %get3A_931 : i32 to index
      %get3A_934 = arith.index_cast %get3A_932 : i32 to index
      %get3A_935 = arith.constant 0 : index
      %get3A_936 = tpu.vector_load %arg12[%get3A_933, %get3A_934, %get3A_935] {strides = array<i32>} : memref<16x16x16xf32, #tpu.memory_space<vmem>>, vector<16xf32>,
      %add3A_937 = arith.addf %get3A_930, %get3A_936 : vector<16xf32>
      %get3A_938 = arith.constant 2 : i32
      %get3A_939 = arith.constant 12 : i32
      %get3A_940 = arith.index_cast %get3A_938 : i32 to index
      %get3A_941 = arith.index_cast %get3A_939 : i32 to index
      %get3A_942 = arith.constant 0 : index
      %get3A_943 = tpu.vector_load %arg12[%get3A_940, %get3A_941, %get3A_942] {strides = array<i32>} : memref<16x16x16xf32, #tpu.memory_space<vmem>>, vector<16xf32>,
      %add3A_944 = arith.addf %add3A_937, %get3A_943 : vector<16xf32>
      %get3A_945 = arith.constant 3 : i32
      %get3A_946 = arith.constant 12 : i32
      %get3A_947 = arith.index_cast %get3A_945 : i32 to index
      %get3A_948 = arith.index_cast %get3A_946 : i32 to index
      %get3A_949 = arith.constant 0 : index
      %get3A_950 = tpu.vector_load %arg12[%get3A_947, %get3A_948, %get3A_949] {strides = array<i32>} : memref<16x16x16xf32, #tpu.memory_space<vmem>>, vector<16xf32>,
      %add3A_951 = arith.addf %add3A_944, %get3A_950 : vector<16xf32>
      %get3A_952 = arith.constant 4 : i32
      %get3A_953 = arith.constant 12 : i32
      %get3A_954 = arith.index_cast %get3A_952 : i32 to index
      %get3A_955 = arith.index_cast %get3A_953 : i32 to index
      %get3A_956 = arith.constant 0 : index
      %get3A_957 = tpu.vector_load %arg12[%get3A_954, %get3A_955, %get3A_956] {strides = array<i32>} : memref<16x16x16xf32, #tpu.memory_space<vmem>>, vector<16xf32>,
      %add3A_958 = arith.addf %add3A_951, %get3A_957 : vector<16xf32>
      %get3A_959 = arith.constant 5 : i32
      %get3A_960 = arith.constant 12 : i32
      %get3A_961 = arith.index_cast %get3A_959 : i32 to index
      %get3A_962 = arith.index_cast %get3A_960 : i32 to index
      %get3A_963 = arith.constant 0 : index
      %get3A_964 = tpu.vector_load %arg12[%get3A_961, %get3A_962, %get3A_963] {strides = array<i32>} : memref<16x16x16xf32, #tpu.memory_space<vmem>>, vector<16xf32>,
      %add3A_965 = arith.addf %add3A_958, %get3A_964 : vector<16xf32>
      %get3A_966 = arith.constant 6 : i32
      %get3A_967 = arith.constant 12 : i32
      %get3A_968 = arith.index_cast %get3A_966 : i32 to index
      %get3A_969 = arith.index_cast %get3A_967 : i32 to index
      %get3A_970 = arith.constant 0 : index
      %get3A_971 = tpu.vector_load %arg12[%get3A_968, %get3A_969, %get3A_970] {strides = array<i32>} : memref<16x16x16xf32, #tpu.memory_space<vmem>>, vector<16xf32>,
      %add3A_972 = arith.addf %add3A_965, %get3A_971 : vector<16xf32>
      %get3A_973 = arith.constant 7 : i32
      %get3A_974 = arith.constant 12 : i32
      %get3A_975 = arith.index_cast %get3A_973 : i32 to index
      %get3A_976 = arith.index_cast %get3A_974 : i32 to index
      %get3A_977 = arith.constant 0 : index
      %get3A_978 = tpu.vector_load %arg12[%get3A_975, %get3A_976, %get3A_977] {strides = array<i32>} : memref<16x16x16xf32, #tpu.memory_space<vmem>>, vector<16xf32>,
      %add3A_979 = arith.addf %add3A_972, %get3A_978 : vector<16xf32>
      %reduce_sum3A_980 = arith.constant true
      %reduce_sum3A_981 = vector.broadcast %reduce_sum3A_980 : i1 to vector<16xi1>
      %reduce_sum3A_982 = tpu.scan <sum>, %add3A_979 masked %reduce_sum3A_981 : vector<16xf32>, vector<16xi1> -> vector<16xf32>
      %reduce_sum3A_983 = vector.extract %reduce_sum3A_982[15] : f32 from vector<16xf32>
      %get3A_984 = arith.constant 0 : i32
      %get3A_985 = arith.constant 13 : i32
      %get3A_986 = arith.index_cast %get3A_984 : i32 to index
      %get3A_987 = arith.index_cast %get3A_985 : i32 to index
      %get3A_988 = arith.constant 0 : index
      %get3A_989 = tpu.vector_load %arg12[%get3A_986, %get3A_987, %get3A_988] {strides = array<i32>} : memref<16x16x16xf32, #tpu.memory_space<vmem>>, vector<16xf32>,
      %get3A_990 = arith.constant 1 : i32
      %get3A_991 = arith.constant 13 : i32
      %get3A_992 = arith.index_cast %get3A_990 : i32 to index
      %get3A_993 = arith.index_cast %get3A_991 : i32 to index
      %get3A_994 = arith.constant 0 : index
      %get3A_995 = tpu.vector_load %arg12[%get3A_992, %get3A_993, %get3A_994] {strides = array<i32>} : memref<16x16x16xf32, #tpu.memory_space<vmem>>, vector<16xf32>,
      %add3A_996 = arith.addf %get3A_989, %get3A_995 : vector<16xf32>
      %get3A_997 = arith.constant 2 : i32
      %get3A_998 = arith.constant 13 : i32
      %get3A_999 = arith.index_cast %get3A_997 : i32 to index
      %get3A_1000 = arith.index_cast %get3A_998 : i32 to index
      %get3A_1001 = arith.constant 0 : index
      %get3A_1002 = tpu.vector_load %arg12[%get3A_999, %get3A_1000, %get3A_1001] {strides = array<i32>} : memref<16x16x16xf32, #tpu.memory_space<vmem>>, vector<16xf32>,
      %add3A_1003 = arith.addf %add3A_996, %get3A_1002 : vector<16xf32>
      %get3A_1004 = arith.constant 3 : i32
      %get3A_1005 = arith.constant 13 : i32
      %get3A_1006 = arith.index_cast %get3A_1004 : i32 to index
      %get3A_1007 = arith.index_cast %get3A_1005 : i32 to index
      %get3A_1008 = arith.constant 0 : index
      %get3A_1009 = tpu.vector_load %arg12[%get3A_1006, %get3A_1007, %get3A_1008] {strides = array<i32>} : memref<16x16x16xf32, #tpu.memory_space<vmem>>, vector<16xf32>,
      %add3A_1010 = arith.addf %add3A_1003, %get3A_1009 : vector<16xf32>
      %get3A_1011 = arith.constant 4 : i32
      %get3A_1012 = arith.constant 13 : i32
      %get3A_1013 = arith.index_cast %get3A_1011 : i32 to index
      %get3A_1014 = arith.index_cast %get3A_1012 : i32 to index
      %get3A_1015 = arith.constant 0 : index
      %get3A_1016 = tpu.vector_load %arg12[%get3A_1013, %get3A_1014, %get3A_1015] {strides = array<i32>} : memref<16x16x16xf32, #tpu.memory_space<vmem>>, vector<16xf32>,
      %add3A_1017 = arith.addf %add3A_1010, %get3A_1016 : vector<16xf32>
      %get3A_1018 = arith.constant 5 : i32
      %get3A_1019 = arith.constant 13 : i32
      %get3A_1020 = arith.index_cast %get3A_1018 : i32 to index
      %get3A_1021 = arith.index_cast %get3A_1019 : i32 to index
      %get3A_1022 = arith.constant 0 : index
      %get3A_1023 = tpu.vector_load %arg12[%get3A_1020, %get3A_1021, %get3A_1022] {strides = array<i32>} : memref<16x16x16xf32, #tpu.memory_space<vmem>>, vector<16xf32>,
      %add3A_1024 = arith.addf %add3A_1017, %get3A_1023 : vector<16xf32>
      %get3A_1025 = arith.constant 6 : i32
      %get3A_1026 = arith.constant 13 : i32
      %get3A_1027 = arith.index_cast %get3A_1025 : i32 to index
      %get3A_1028 = arith.index_cast %get3A_1026 : i32 to index
      %get3A_1029 = arith.constant 0 : index
      %get3A_1030 = tpu.vector_load %arg12[%get3A_1027, %get3A_1028, %get3A_1029] {strides = array<i32>} : memref<16x16x16xf32, #tpu.memory_space<vmem>>, vector<16xf32>,
      %add3A_1031 = arith.addf %add3A_1024, %get3A_1030 : vector<16xf32>
      %get3A_1032 = arith.constant 7 : i32
      %get3A_1033 = arith.constant 13 : i32
      %get3A_1034 = arith.index_cast %get3A_1032 : i32 to index
      %get3A_1035 = arith.index_cast %get3A_1033 : i32 to index
      %get3A_1036 = arith.constant 0 : index
      %get3A_1037 = tpu.vector_load %arg12[%get3A_1034, %get3A_1035, %get3A_1036] {strides = array<i32>} : memref<16x16x16xf32, #tpu.memory_space<vmem>>, vector<16xf32>,
      %add3A_1038 = arith.addf %add3A_1031, %get3A_1037 : vector<16xf32>
      %reduce_sum3A_1039 = arith.constant true
      %reduce_sum3A_1040 = vector.broadcast %reduce_sum3A_1039 : i1 to vector<16xi1>
      %reduce_sum3A_1041 = tpu.scan <sum>, %add3A_1038 masked %reduce_sum3A_1040 : vector<16xf32>, vector<16xi1> -> vector<16xf32>
      %reduce_sum3A_1042 = vector.extract %reduce_sum3A_1041[15] : f32 from vector<16xf32>
      %get3A_1043 = arith.constant 0 : i32
      %get3A_1044 = arith.constant 14 : i32
      %get3A_1045 = arith.index_cast %get3A_1043 : i32 to index
      %get3A_1046 = arith.index_cast %get3A_1044 : i32 to index
      %get3A_1047 = arith.constant 0 : index
      %get3A_1048 = tpu.vector_load %arg12[%get3A_1045, %get3A_1046, %get3A_1047] {strides = array<i32>} : memref<16x16x16xf32, #tpu.memory_space<vmem>>, vector<16xf32>,
      %get3A_1049 = arith.constant 1 : i32
      %get3A_1050 = arith.constant 14 : i32
      %get3A_1051 = arith.index_cast %get3A_1049 : i32 to index
      %get3A_1052 = arith.index_cast %get3A_1050 : i32 to index
      %get3A_1053 = arith.constant 0 : index
      %get3A_1054 = tpu.vector_load %arg12[%get3A_1051, %get3A_1052, %get3A_1053] {strides = array<i32>} : memref<16x16x16xf32, #tpu.memory_space<vmem>>, vector<16xf32>,
      %add3A_1055 = arith.addf %get3A_1048, %get3A_1054 : vector<16xf32>
      %get3A_1056 = arith.constant 2 : i32
      %get3A_1057 = arith.constant 14 : i32
      %get3A_1058 = arith.index_cast %get3A_1056 : i32 to index
      %get3A_1059 = arith.index_cast %get3A_1057 : i32 to index
      %get3A_1060 = arith.constant 0 : index
      %get3A_1061 = tpu.vector_load %arg12[%get3A_1058, %get3A_1059, %get3A_1060] {strides = array<i32>} : memref<16x16x16xf32, #tpu.memory_space<vmem>>, vector<16xf32>,
      %add3A_1062 = arith.addf %add3A_1055, %get3A_1061 : vector<16xf32>
      %get3A_1063 = arith.constant 3 : i32
      %get3A_1064 = arith.constant 14 : i32
      %get3A_1065 = arith.index_cast %get3A_1063 : i32 to index
      %get3A_1066 = arith.index_cast %get3A_1064 : i32 to index
      %get3A_1067 = arith.constant 0 : index
      %get3A_1068 = tpu.vector_load %arg12[%get3A_1065, %get3A_1066, %get3A_1067] {strides = array<i32>} : memref<16x16x16xf32, #tpu.memory_space<vmem>>, vector<16xf32>,
      %add3A_1069 = arith.addf %add3A_1062, %get3A_1068 : vector<16xf32>
      %get3A_1070 = arith.constant 4 : i32
      %get3A_1071 = arith.constant 14 : i32
      %get3A_1072 = arith.index_cast %get3A_1070 : i32 to index
      %get3A_1073 = arith.index_cast %get3A_1071 : i32 to index
      %get3A_1074 = arith.constant 0 : index
      %get3A_1075 = tpu.vector_load %arg12[%get3A_1072, %get3A_1073, %get3A_1074] {strides = array<i32>} : memref<16x16x16xf32, #tpu.memory_space<vmem>>, vector<16xf32>,
      %add3A_1076 = arith.addf %add3A_1069, %get3A_1075 : vector<16xf32>
      %get3A_1077 = arith.constant 5 : i32
      %get3A_1078 = arith.constant 14 : i32
      %get3A_1079 = arith.index_cast %get3A_1077 : i32 to index
      %get3A_1080 = arith.index_cast %get3A_1078 : i32 to index
      %get3A_1081 = arith.constant 0 : index
      %get3A_1082 = tpu.vector_load %arg12[%get3A_1079, %get3A_1080, %get3A_1081] {strides = array<i32>} : memref<16x16x16xf32, #tpu.memory_space<vmem>>, vector<16xf32>,
      %add3A_1083 = arith.addf %add3A_1076, %get3A_1082 : vector<16xf32>
      %get3A_1084 = arith.constant 6 : i32
      %get3A_1085 = arith.constant 14 : i32
      %get3A_1086 = arith.index_cast %get3A_1084 : i32 to index
      %get3A_1087 = arith.index_cast %get3A_1085 : i32 to index
      %get3A_1088 = arith.constant 0 : index
      %get3A_1089 = tpu.vector_load %arg12[%get3A_1086, %get3A_1087, %get3A_1088] {strides = array<i32>} : memref<16x16x16xf32, #tpu.memory_space<vmem>>, vector<16xf32>,
      %add3A_1090 = arith.addf %add3A_1083, %get3A_1089 : vector<16xf32>
      %get3A_1091 = arith.constant 7 : i32
      %get3A_1092 = arith.constant 14 : i32
      %get3A_1093 = arith.index_cast %get3A_1091 : i32 to index
      %get3A_1094 = arith.index_cast %get3A_1092 : i32 to index
      %get3A_1095 = arith.constant 0 : index
      %get3A_1096 = tpu.vector_load %arg12[%get3A_1093, %get3A_1094, %get3A_1095] {strides = array<i32>} : memref<16x16x16xf32, #tpu.memory_space<vmem>>, vector<16xf32>,
      %add3A_1097 = arith.addf %add3A_1090, %get3A_1096 : vector<16xf32>
      %reduce_sum3A_1098 = arith.constant true
      %reduce_sum3A_1099 = vector.broadcast %reduce_sum3A_1098 : i1 to vector<16xi1>
      %reduce_sum3A_1100 = tpu.scan <sum>, %add3A_1097 masked %reduce_sum3A_1099 : vector<16xf32>, vector<16xi1> -> vector<16xf32>
      %reduce_sum3A_1101 = vector.extract %reduce_sum3A_1100[15] : f32 from vector<16xf32>
      %get3A_1102 = arith.constant 0 : i32
      %get3A_1103 = arith.constant 15 : i32
      %get3A_1104 = arith.index_cast %get3A_1102 : i32 to index
      %get3A_1105 = arith.index_cast %get3A_1103 : i32 to index
      %get3A_1106 = arith.constant 0 : index
      %get3A_1107 = tpu.vector_load %arg12[%get3A_1104, %get3A_1105, %get3A_1106] {strides = array<i32>} : memref<16x16x16xf32, #tpu.memory_space<vmem>>, vector<16xf32>,
      %get3A_1108 = arith.constant 1 : i32
      %get3A_1109 = arith.constant 15 : i32
      %get3A_1110 = arith.index_cast %get3A_1108 : i32 to index
      %get3A_1111 = arith.index_cast %get3A_1109 : i32 to index
      %get3A_1112 = arith.constant 0 : index
      %get3A_1113 = tpu.vector_load %arg12[%get3A_1110, %get3A_1111, %get3A_1112] {strides = array<i32>} : memref<16x16x16xf32, #tpu.memory_space<vmem>>, vector<16xf32>,
      %add3A_1114 = arith.addf %get3A_1107, %get3A_1113 : vector<16xf32>
      %get3A_1115 = arith.constant 2 : i32
      %get3A_1116 = arith.constant 15 : i32
      %get3A_1117 = arith.index_cast %get3A_1115 : i32 to index
      %get3A_1118 = arith.index_cast %get3A_1116 : i32 to index
      %get3A_1119 = arith.constant 0 : index
      %get3A_1120 = tpu.vector_load %arg12[%get3A_1117, %get3A_1118, %get3A_1119] {strides = array<i32>} : memref<16x16x16xf32, #tpu.memory_space<vmem>>, vector<16xf32>,
      %add3A_1121 = arith.addf %add3A_1114, %get3A_1120 : vector<16xf32>
      %get3A_1122 = arith.constant 3 : i32
      %get3A_1123 = arith.constant 15 : i32
      %get3A_1124 = arith.index_cast %get3A_1122 : i32 to index
      %get3A_1125 = arith.index_cast %get3A_1123 : i32 to index
      %get3A_1126 = arith.constant 0 : index
      %get3A_1127 = tpu.vector_load %arg12[%get3A_1124, %get3A_1125, %get3A_1126] {strides = array<i32>} : memref<16x16x16xf32, #tpu.memory_space<vmem>>, vector<16xf32>,
      %add3A_1128 = arith.addf %add3A_1121, %get3A_1127 : vector<16xf32>
      %get3A_1129 = arith.constant 4 : i32
      %get3A_1130 = arith.constant 15 : i32
      %get3A_1131 = arith.index_cast %get3A_1129 : i32 to index
      %get3A_1132 = arith.index_cast %get3A_1130 : i32 to index
      %get3A_1133 = arith.constant 0 : index
      %get3A_1134 = tpu.vector_load %arg12[%get3A_1131, %get3A_1132, %get3A_1133] {strides = array<i32>} : memref<16x16x16xf32, #tpu.memory_space<vmem>>, vector<16xf32>,
      %add3A_1135 = arith.addf %add3A_1128, %get3A_1134 : vector<16xf32>
      %get3A_1136 = arith.constant 5 : i32
      %get3A_1137 = arith.constant 15 : i32
      %get3A_1138 = arith.index_cast %get3A_1136 : i32 to index
      %get3A_1139 = arith.index_cast %get3A_1137 : i32 to index
      %get3A_1140 = arith.constant 0 : index
      %get3A_1141 = tpu.vector_load %arg12[%get3A_1138, %get3A_1139, %get3A_1140] {strides = array<i32>} : memref<16x16x16xf32, #tpu.memory_space<vmem>>, vector<16xf32>,
      %add3A_1142 = arith.addf %add3A_1135, %get3A_1141 : vector<16xf32>
      %get3A_1143 = arith.constant 6 : i32
      %get3A_1144 = arith.constant 15 : i32
      %get3A_1145 = arith.index_cast %get3A_1143 : i32 to index
      %get3A_1146 = arith.index_cast %get3A_1144 : i32 to index
      %get3A_1147 = arith.constant 0 : index
      %get3A_1148 = tpu.vector_load %arg12[%get3A_1145, %get3A_1146, %get3A_1147] {strides = array<i32>} : memref<16x16x16xf32, #tpu.memory_space<vmem>>, vector<16xf32>,
      %add3A_1149 = arith.addf %add3A_1142, %get3A_1148 : vector<16xf32>
      %get3A_1150 = arith.constant 7 : i32
      %get3A_1151 = arith.constant 15 : i32
      %get3A_1152 = arith.index_cast %get3A_1150 : i32 to index
      %get3A_1153 = arith.index_cast %get3A_1151 : i32 to index
      %get3A_1154 = arith.constant 0 : index
      %get3A_1155 = tpu.vector_load %arg12[%get3A_1152, %get3A_1153, %get3A_1154] {strides = array<i32>} : memref<16x16x16xf32, #tpu.memory_space<vmem>>, vector<16xf32>,
      %add3A_1156 = arith.addf %add3A_1149, %get3A_1155 : vector<16xf32>
      %reduce_sum3A_1157 = arith.constant true
      %reduce_sum3A_1158 = vector.broadcast %reduce_sum3A_1157 : i1 to vector<16xi1>
      %reduce_sum3A_1159 = tpu.scan <sum>, %add3A_1156 masked %reduce_sum3A_1158 : vector<16xf32>, vector<16xi1> -> vector<16xf32>
      %reduce_sum3A_1160 = vector.extract %reduce_sum3A_1159[15] : f32 from vector<16xf32>
      %mul3A_1161 = arith.mulf %reduce_sum3A_275, %reduce_sum3A_747 : f32
      %mul3A_1162 = arith.mulf %reduce_sum3A_334, %reduce_sum3A_806 : f32
      %add3A_1163 = arith.addf %mul3A_1161, %mul3A_1162 : f32
      %mul3A_1164 = arith.mulf %reduce_sum3A_393, %reduce_sum3A_865 : f32
      %add3A_1165 = arith.addf %add3A_1163, %mul3A_1164 : f32
      %mul3A_1166 = arith.mulf %reduce_sum3A_452, %reduce_sum3A_924 : f32
      %add3A_1167 = arith.addf %add3A_1165, %mul3A_1166 : f32
      %mul3A_1168 = arith.mulf %reduce_sum3A_511, %reduce_sum3A_983 : f32
      %add3A_1169 = arith.addf %add3A_1167, %mul3A_1168 : f32
      %mul3A_1170 = arith.mulf %reduce_sum3A_570, %reduce_sum3A_1042 : f32
      %add3A_1171 = arith.addf %add3A_1169, %mul3A_1170 : f32
      %mul3A_1172 = arith.mulf %reduce_sum3A_629, %reduce_sum3A_1101 : f32
      %add3A_1173 = arith.addf %add3A_1171, %mul3A_1172 : f32
      %mul3A_1174 = arith.mulf %reduce_sum3A_688, %reduce_sum3A_1160 : f32
      %add3A_1175 = arith.addf %add3A_1173, %mul3A_1174 : f32
      %add3A_1176 = arith.constant 0.000000e+00 : f32
      %add3A_1177 = arith.addf %add3A_1176, %add3A_1175 : f32
      %get3A_1178 = arith.constant 8 : i32
      %get3A_1179 = arith.constant 0 : i32
      %get3A_1180 = arith.index_cast %get3A_1178 : i32 to index
      %get3A_1181 = arith.index_cast %get3A_1179 : i32 to index
      %get3A_1182 = arith.constant 0 : index
      %get3A_1183 = tpu.vector_load %arg12[%get3A_1180, %get3A_1181, %get3A_1182] {strides = array<i32>} : memref<16x16x16xf32, #tpu.memory_space<vmem>>, vector<16xf32>,
      %get3A_1184 = arith.constant 9 : i32
      %get3A_1185 = arith.constant 0 : i32
      %get3A_1186 = arith.index_cast %get3A_1184 : i32 to index
      %get3A_1187 = arith.index_cast %get3A_1185 : i32 to index
      %get3A_1188 = arith.constant 0 : index
      %get3A_1189 = tpu.vector_load %arg12[%get3A_1186, %get3A_1187, %get3A_1188] {strides = array<i32>} : memref<16x16x16xf32, #tpu.memory_space<vmem>>, vector<16xf32>,
      %add3A_1190 = arith.addf %get3A_1183, %get3A_1189 : vector<16xf32>
      %get3A_1191 = arith.constant 10 : i32
      %get3A_1192 = arith.constant 0 : i32
      %get3A_1193 = arith.index_cast %get3A_1191 : i32 to index
      %get3A_1194 = arith.index_cast %get3A_1192 : i32 to index
      %get3A_1195 = arith.constant 0 : index
      %get3A_1196 = tpu.vector_load %arg12[%get3A_1193, %get3A_1194, %get3A_1195] {strides = array<i32>} : memref<16x16x16xf32, #tpu.memory_space<vmem>>, vector<16xf32>,
      %add3A_1197 = arith.addf %add3A_1190, %get3A_1196 : vector<16xf32>
      %get3A_1198 = arith.constant 11 : i32
      %get3A_1199 = arith.constant 0 : i32
      %get3A_1200 = arith.index_cast %get3A_1198 : i32 to index
      %get3A_1201 = arith.index_cast %get3A_1199 : i32 to index
      %get3A_1202 = arith.constant 0 : index
      %get3A_1203 = tpu.vector_load %arg12[%get3A_1200, %get3A_1201, %get3A_1202] {strides = array<i32>} : memref<16x16x16xf32, #tpu.memory_space<vmem>>, vector<16xf32>,
      %add3A_1204 = arith.addf %add3A_1197, %get3A_1203 : vector<16xf32>
      %get3A_1205 = arith.constant 12 : i32
      %get3A_1206 = arith.constant 0 : i32
      %get3A_1207 = arith.index_cast %get3A_1205 : i32 to index
      %get3A_1208 = arith.index_cast %get3A_1206 : i32 to index
      %get3A_1209 = arith.constant 0 : index
      %get3A_1210 = tpu.vector_load %arg12[%get3A_1207, %get3A_1208, %get3A_1209] {strides = array<i32>} : memref<16x16x16xf32, #tpu.memory_space<vmem>>, vector<16xf32>,
      %add3A_1211 = arith.addf %add3A_1204, %get3A_1210 : vector<16xf32>
      %get3A_1212 = arith.constant 13 : i32
      %get3A_1213 = arith.constant 0 : i32
      %get3A_1214 = arith.index_cast %get3A_1212 : i32 to index
      %get3A_1215 = arith.index_cast %get3A_1213 : i32 to index
      %get3A_1216 = arith.constant 0 : index
      %get3A_1217 = tpu.vector_load %arg12[%get3A_1214, %get3A_1215, %get3A_1216] {strides = array<i32>} : memref<16x16x16xf32, #tpu.memory_space<vmem>>, vector<16xf32>,
      %add3A_1218 = arith.addf %add3A_1211, %get3A_1217 : vector<16xf32>
      %get3A_1219 = arith.constant 14 : i32
      %get3A_1220 = arith.constant 0 : i32
      %get3A_1221 = arith.index_cast %get3A_1219 : i32 to index
      %get3A_1222 = arith.index_cast %get3A_1220 : i32 to index
      %get3A_1223 = arith.constant 0 : index
      %get3A_1224 = tpu.vector_load %arg12[%get3A_1221, %get3A_1222, %get3A_1223] {strides = array<i32>} : memref<16x16x16xf32, #tpu.memory_space<vmem>>, vector<16xf32>,
      %add3A_1225 = arith.addf %add3A_1218, %get3A_1224 : vector<16xf32>
      %get3A_1226 = arith.constant 15 : i32
      %get3A_1227 = arith.constant 0 : i32
      %get3A_1228 = arith.index_cast %get3A_1226 : i32 to index
      %get3A_1229 = arith.index_cast %get3A_1227 : i32 to index
      %get3A_1230 = arith.constant 0 : index
      %get3A_1231 = tpu.vector_load %arg12[%get3A_1228, %get3A_1229, %get3A_1230] {strides = array<i32>} : memref<16x16x16xf32, #tpu.memory_space<vmem>>, vector<16xf32>,
      %add3A_1232 = arith.addf %add3A_1225, %get3A_1231 : vector<16xf32>
      %reduce_sum3A_1233 = arith.constant true
      %reduce_sum3A_1234 = vector.broadcast %reduce_sum3A_1233 : i1 to vector<16xi1>
      %reduce_sum3A_1235 = tpu.scan <sum>, %add3A_1232 masked %reduce_sum3A_1234 : vector<16xf32>, vector<16xi1> -> vector<16xf32>
      %reduce_sum3A_1236 = vector.extract %reduce_sum3A_1235[15] : f32 from vector<16xf32>
      %get3A_1237 = arith.constant 8 : i32
      %get3A_1238 = arith.constant 1 : i32
      %get3A_1239 = arith.index_cast %get3A_1237 : i32 to index
      %get3A_1240 = arith.index_cast %get3A_1238 : i32 to index
      %get3A_1241 = arith.constant 0 : index
      %get3A_1242 = tpu.vector_load %arg12[%get3A_1239, %get3A_1240, %get3A_1241] {strides = array<i32>} : memref<16x16x16xf32, #tpu.memory_space<vmem>>, vector<16xf32>,
      %get3A_1243 = arith.constant 9 : i32
      %get3A_1244 = arith.constant 1 : i32
      %get3A_1245 = arith.index_cast %get3A_1243 : i32 to index
      %get3A_1246 = arith.index_cast %get3A_1244 : i32 to index
      %get3A_1247 = arith.constant 0 : index
      %get3A_1248 = tpu.vector_load %arg12[%get3A_1245, %get3A_1246, %get3A_1247] {strides = array<i32>} : memref<16x16x16xf32, #tpu.memory_space<vmem>>, vector<16xf32>,
      %add3A_1249 = arith.addf %get3A_1242, %get3A_1248 : vector<16xf32>
      %get3A_1250 = arith.constant 10 : i32
      %get3A_1251 = arith.constant 1 : i32
      %get3A_1252 = arith.index_cast %get3A_1250 : i32 to index
      %get3A_1253 = arith.index_cast %get3A_1251 : i32 to index
      %get3A_1254 = arith.constant 0 : index
      %get3A_1255 = tpu.vector_load %arg12[%get3A_1252, %get3A_1253, %get3A_1254] {strides = array<i32>} : memref<16x16x16xf32, #tpu.memory_space<vmem>>, vector<16xf32>,
      %add3A_1256 = arith.addf %add3A_1249, %get3A_1255 : vector<16xf32>
      %get3A_1257 = arith.constant 11 : i32
      %get3A_1258 = arith.constant 1 : i32
      %get3A_1259 = arith.index_cast %get3A_1257 : i32 to index
      %get3A_1260 = arith.index_cast %get3A_1258 : i32 to index
      %get3A_1261 = arith.constant 0 : index
      %get3A_1262 = tpu.vector_load %arg12[%get3A_1259, %get3A_1260, %get3A_1261] {strides = array<i32>} : memref<16x16x16xf32, #tpu.memory_space<vmem>>, vector<16xf32>,
      %add3A_1263 = arith.addf %add3A_1256, %get3A_1262 : vector<16xf32>
      %get3A_1264 = arith.constant 12 : i32
      %get3A_1265 = arith.constant 1 : i32
      %get3A_1266 = arith.index_cast %get3A_1264 : i32 to index
      %get3A_1267 = arith.index_cast %get3A_1265 : i32 to index
      %get3A_1268 = arith.constant 0 : index
      %get3A_1269 = tpu.vector_load %arg12[%get3A_1266, %get3A_1267, %get3A_1268] {strides = array<i32>} : memref<16x16x16xf32, #tpu.memory_space<vmem>>, vector<16xf32>,
      %add3A_1270 = arith.addf %add3A_1263, %get3A_1269 : vector<16xf32>
      %get3A_1271 = arith.constant 13 : i32
      %get3A_1272 = arith.constant 1 : i32
      %get3A_1273 = arith.index_cast %get3A_1271 : i32 to index
      %get3A_1274 = arith.index_cast %get3A_1272 : i32 to index
      %get3A_1275 = arith.constant 0 : index
      %get3A_1276 = tpu.vector_load %arg12[%get3A_1273, %get3A_1274, %get3A_1275] {strides = array<i32>} : memref<16x16x16xf32, #tpu.memory_space<vmem>>, vector<16xf32>,
      %add3A_1277 = arith.addf %add3A_1270, %get3A_1276 : vector<16xf32>
      %get3A_1278 = arith.constant 14 : i32
      %get3A_1279 = arith.constant 1 : i32
      %get3A_1280 = arith.index_cast %get3A_1278 : i32 to index
      %get3A_1281 = arith.index_cast %get3A_1279 : i32 to index
      %get3A_1282 = arith.constant 0 : index
      %get3A_1283 = tpu.vector_load %arg12[%get3A_1280, %get3A_1281, %get3A_1282] {strides = array<i32>} : memref<16x16x16xf32, #tpu.memory_space<vmem>>, vector<16xf32>,
      %add3A_1284 = arith.addf %add3A_1277, %get3A_1283 : vector<16xf32>
      %get3A_1285 = arith.constant 15 : i32
      %get3A_1286 = arith.constant 1 : i32
      %get3A_1287 = arith.index_cast %get3A_1285 : i32 to index
      %get3A_1288 = arith.index_cast %get3A_1286 : i32 to index
      %get3A_1289 = arith.constant 0 : index
      %get3A_1290 = tpu.vector_load %arg12[%get3A_1287, %get3A_1288, %get3A_1289] {strides = array<i32>} : memref<16x16x16xf32, #tpu.memory_space<vmem>>, vector<16xf32>,
      %add3A_1291 = arith.addf %add3A_1284, %get3A_1290 : vector<16xf32>
      %reduce_sum3A_1292 = arith.constant true
      %reduce_sum3A_1293 = vector.broadcast %reduce_sum3A_1292 : i1 to vector<16xi1>
      %reduce_sum3A_1294 = tpu.scan <sum>, %add3A_1291 masked %reduce_sum3A_1293 : vector<16xf32>, vector<16xi1> -> vector<16xf32>
      %reduce_sum3A_1295 = vector.extract %reduce_sum3A_1294[15] : f32 from vector<16xf32>
      %get3A_1296 = arith.constant 8 : i32
      %get3A_1297 = arith.constant 2 : i32
      %get3A_1298 = arith.index_cast %get3A_1296 : i32 to index
      %get3A_1299 = arith.index_cast %get3A_1297 : i32 to index
      %get3A_1300 = arith.constant 0 : index
      %get3A_1301 = tpu.vector_load %arg12[%get3A_1298, %get3A_1299, %get3A_1300] {strides = array<i32>} : memref<16x16x16xf32, #tpu.memory_space<vmem>>, vector<16xf32>,
      %get3A_1302 = arith.constant 9 : i32
      %get3A_1303 = arith.constant 2 : i32
      %get3A_1304 = arith.index_cast %get3A_1302 : i32 to index
      %get3A_1305 = arith.index_cast %get3A_1303 : i32 to index
      %get3A_1306 = arith.constant 0 : index
      %get3A_1307 = tpu.vector_load %arg12[%get3A_1304, %get3A_1305, %get3A_1306] {strides = array<i32>} : memref<16x16x16xf32, #tpu.memory_space<vmem>>, vector<16xf32>,
      %add3A_1308 = arith.addf %get3A_1301, %get3A_1307 : vector<16xf32>
      %get3A_1309 = arith.constant 10 : i32
      %get3A_1310 = arith.constant 2 : i32
      %get3A_1311 = arith.index_cast %get3A_1309 : i32 to index
      %get3A_1312 = arith.index_cast %get3A_1310 : i32 to index
      %get3A_1313 = arith.constant 0 : index
      %get3A_1314 = tpu.vector_load %arg12[%get3A_1311, %get3A_1312, %get3A_1313] {strides = array<i32>} : memref<16x16x16xf32, #tpu.memory_space<vmem>>, vector<16xf32>,
      %add3A_1315 = arith.addf %add3A_1308, %get3A_1314 : vector<16xf32>
      %get3A_1316 = arith.constant 11 : i32
      %get3A_1317 = arith.constant 2 : i32
      %get3A_1318 = arith.index_cast %get3A_1316 : i32 to index
      %get3A_1319 = arith.index_cast %get3A_1317 : i32 to index
      %get3A_1320 = arith.constant 0 : index
      %get3A_1321 = tpu.vector_load %arg12[%get3A_1318, %get3A_1319, %get3A_1320] {strides = array<i32>} : memref<16x16x16xf32, #tpu.memory_space<vmem>>, vector<16xf32>,
      %add3A_1322 = arith.addf %add3A_1315, %get3A_1321 : vector<16xf32>
      %get3A_1323 = arith.constant 12 : i32
      %get3A_1324 = arith.constant 2 : i32
      %get3A_1325 = arith.index_cast %get3A_1323 : i32 to index
      %get3A_1326 = arith.index_cast %get3A_1324 : i32 to index
      %get3A_1327 = arith.constant 0 : index
      %get3A_1328 = tpu.vector_load %arg12[%get3A_1325, %get3A_1326, %get3A_1327] {strides = array<i32>} : memref<16x16x16xf32, #tpu.memory_space<vmem>>, vector<16xf32>,
      %add3A_1329 = arith.addf %add3A_1322, %get3A_1328 : vector<16xf32>
      %get3A_1330 = arith.constant 13 : i32
      %get3A_1331 = arith.constant 2 : i32
      %get3A_1332 = arith.index_cast %get3A_1330 : i32 to index
      %get3A_1333 = arith.index_cast %get3A_1331 : i32 to index
      %get3A_1334 = arith.constant 0 : index
      %get3A_1335 = tpu.vector_load %arg12[%get3A_1332, %get3A_1333, %get3A_1334] {strides = array<i32>} : memref<16x16x16xf32, #tpu.memory_space<vmem>>, vector<16xf32>,
      %add3A_1336 = arith.addf %add3A_1329, %get3A_1335 : vector<16xf32>
      %get3A_1337 = arith.constant 14 : i32
      %get3A_1338 = arith.constant 2 : i32
      %get3A_1339 = arith.index_cast %get3A_1337 : i32 to index
      %get3A_1340 = arith.index_cast %get3A_1338 : i32 to index
      %get3A_1341 = arith.constant 0 : index
      %get3A_1342 = tpu.vector_load %arg12[%get3A_1339, %get3A_1340, %get3A_1341] {strides = array<i32>} : memref<16x16x16xf32, #tpu.memory_space<vmem>>, vector<16xf32>,
      %add3A_1343 = arith.addf %add3A_1336, %get3A_1342 : vector<16xf32>
      %get3A_1344 = arith.constant 15 : i32
      %get3A_1345 = arith.constant 2 : i32
      %get3A_1346 = arith.index_cast %get3A_1344 : i32 to index
      %get3A_1347 = arith.index_cast %get3A_1345 : i32 to index
      %get3A_1348 = arith.constant 0 : index
      %get3A_1349 = tpu.vector_load %arg12[%get3A_1346, %get3A_1347, %get3A_1348] {strides = array<i32>} : memref<16x16x16xf32, #tpu.memory_space<vmem>>, vector<16xf32>,
      %add3A_1350 = arith.addf %add3A_1343, %get3A_1349 : vector<16xf32>
      %reduce_sum3A_1351 = arith.constant true
      %reduce_sum3A_1352 = vector.broadcast %reduce_sum3A_1351 : i1 to vector<16xi1>
      %reduce_sum3A_1353 = tpu.scan <sum>, %add3A_1350 masked %reduce_sum3A_1352 : vector<16xf32>, vector<16xi1> -> vector<16xf32>
      %reduce_sum3A_1354 = vector.extract %reduce_sum3A_1353[15] : f32 from vector<16xf32>
      %get3A_1355 = arith.constant 8 : i32
      %get3A_1356 = arith.constant 3 : i32
      %get3A_1357 = arith.index_cast %get3A_1355 : i32 to index
      %get3A_1358 = arith.index_cast %get3A_1356 : i32 to index
      %get3A_1359 = arith.constant 0 : index
      %get3A_1360 = tpu.vector_load %arg12[%get3A_1357, %get3A_1358, %get3A_1359] {strides = array<i32>} : memref<16x16x16xf32, #tpu.memory_space<vmem>>, vector<16xf32>,
      %get3A_1361 = arith.constant 9 : i32
      %get3A_1362 = arith.constant 3 : i32
      %get3A_1363 = arith.index_cast %get3A_1361 : i32 to index
      %get3A_1364 = arith.index_cast %get3A_1362 : i32 to index
      %get3A_1365 = arith.constant 0 : index
      %get3A_1366 = tpu.vector_load %arg12[%get3A_1363, %get3A_1364, %get3A_1365] {strides = array<i32>} : memref<16x16x16xf32, #tpu.memory_space<vmem>>, vector<16xf32>,
      %add3A_1367 = arith.addf %get3A_1360, %get3A_1366 : vector<16xf32>
      %get3A_1368 = arith.constant 10 : i32
      %get3A_1369 = arith.constant 3 : i32
      %get3A_1370 = arith.index_cast %get3A_1368 : i32 to index
      %get3A_1371 = arith.index_cast %get3A_1369 : i32 to index
      %get3A_1372 = arith.constant 0 : index
      %get3A_1373 = tpu.vector_load %arg12[%get3A_1370, %get3A_1371, %get3A_1372] {strides = array<i32>} : memref<16x16x16xf32, #tpu.memory_space<vmem>>, vector<16xf32>,
      %add3A_1374 = arith.addf %add3A_1367, %get3A_1373 : vector<16xf32>
      %get3A_1375 = arith.constant 11 : i32
      %get3A_1376 = arith.constant 3 : i32
      %get3A_1377 = arith.index_cast %get3A_1375 : i32 to index
      %get3A_1378 = arith.index_cast %get3A_1376 : i32 to index
      %get3A_1379 = arith.constant 0 : index
      %get3A_1380 = tpu.vector_load %arg12[%get3A_1377, %get3A_1378, %get3A_1379] {strides = array<i32>} : memref<16x16x16xf32, #tpu.memory_space<vmem>>, vector<16xf32>,
      %add3A_1381 = arith.addf %add3A_1374, %get3A_1380 : vector<16xf32>
      %get3A_1382 = arith.constant 12 : i32
      %get3A_1383 = arith.constant 3 : i32
      %get3A_1384 = arith.index_cast %get3A_1382 : i32 to index
      %get3A_1385 = arith.index_cast %get3A_1383 : i32 to index
      %get3A_1386 = arith.constant 0 : index
      %get3A_1387 = tpu.vector_load %arg12[%get3A_1384, %get3A_1385, %get3A_1386] {strides = array<i32>} : memref<16x16x16xf32, #tpu.memory_space<vmem>>, vector<16xf32>,
      %add3A_1388 = arith.addf %add3A_1381, %get3A_1387 : vector<16xf32>
      %get3A_1389 = arith.constant 13 : i32
      %get3A_1390 = arith.constant 3 : i32
      %get3A_1391 = arith.index_cast %get3A_1389 : i32 to index
      %get3A_1392 = arith.index_cast %get3A_1390 : i32 to index
      %get3A_1393 = arith.constant 0 : index
      %get3A_1394 = tpu.vector_load %arg12[%get3A_1391, %get3A_1392, %get3A_1393] {strides = array<i32>} : memref<16x16x16xf32, #tpu.memory_space<vmem>>, vector<16xf32>,
      %add3A_1395 = arith.addf %add3A_1388, %get3A_1394 : vector<16xf32>
      %get3A_1396 = arith.constant 14 : i32
      %get3A_1397 = arith.constant 3 : i32
      %get3A_1398 = arith.index_cast %get3A_1396 : i32 to index
      %get3A_1399 = arith.index_cast %get3A_1397 : i32 to index
      %get3A_1400 = arith.constant 0 : index
      %get3A_1401 = tpu.vector_load %arg12[%get3A_1398, %get3A_1399, %get3A_1400] {strides = array<i32>} : memref<16x16x16xf32, #tpu.memory_space<vmem>>, vector<16xf32>,
      %add3A_1402 = arith.addf %add3A_1395, %get3A_1401 : vector<16xf32>
      %get3A_1403 = arith.constant 15 : i32
      %get3A_1404 = arith.constant 3 : i32
      %get3A_1405 = arith.index_cast %get3A_1403 : i32 to index
      %get3A_1406 = arith.index_cast %get3A_1404 : i32 to index
      %get3A_1407 = arith.constant 0 : index
      %get3A_1408 = tpu.vector_load %arg12[%get3A_1405, %get3A_1406, %get3A_1407] {strides = array<i32>} : memref<16x16x16xf32, #tpu.memory_space<vmem>>, vector<16xf32>,
      %add3A_1409 = arith.addf %add3A_1402, %get3A_1408 : vector<16xf32>
      %reduce_sum3A_1410 = arith.constant true
      %reduce_sum3A_1411 = vector.broadcast %reduce_sum3A_1410 : i1 to vector<16xi1>
      %reduce_sum3A_1412 = tpu.scan <sum>, %add3A_1409 masked %reduce_sum3A_1411 : vector<16xf32>, vector<16xi1> -> vector<16xf32>
      %reduce_sum3A_1413 = vector.extract %reduce_sum3A_1412[15] : f32 from vector<16xf32>
      %get3A_1414 = arith.constant 8 : i32
      %get3A_1415 = arith.constant 4 : i32
      %get3A_1416 = arith.index_cast %get3A_1414 : i32 to index
      %get3A_1417 = arith.index_cast %get3A_1415 : i32 to index
      %get3A_1418 = arith.constant 0 : index
      %get3A_1419 = tpu.vector_load %arg12[%get3A_1416, %get3A_1417, %get3A_1418] {strides = array<i32>} : memref<16x16x16xf32, #tpu.memory_space<vmem>>, vector<16xf32>,
      %get3A_1420 = arith.constant 9 : i32
      %get3A_1421 = arith.constant 4 : i32
      %get3A_1422 = arith.index_cast %get3A_1420 : i32 to index
      %get3A_1423 = arith.index_cast %get3A_1421 : i32 to index
      %get3A_1424 = arith.constant 0 : index
      %get3A_1425 = tpu.vector_load %arg12[%get3A_1422, %get3A_1423, %get3A_1424] {strides = array<i32>} : memref<16x16x16xf32, #tpu.memory_space<vmem>>, vector<16xf32>,
      %add3A_1426 = arith.addf %get3A_1419, %get3A_1425 : vector<16xf32>
      %get3A_1427 = arith.constant 10 : i32
      %get3A_1428 = arith.constant 4 : i32
      %get3A_1429 = arith.index_cast %get3A_1427 : i32 to index
      %get3A_1430 = arith.index_cast %get3A_1428 : i32 to index
      %get3A_1431 = arith.constant 0 : index
      %get3A_1432 = tpu.vector_load %arg12[%get3A_1429, %get3A_1430, %get3A_1431] {strides = array<i32>} : memref<16x16x16xf32, #tpu.memory_space<vmem>>, vector<16xf32>,
      %add3A_1433 = arith.addf %add3A_1426, %get3A_1432 : vector<16xf32>
      %get3A_1434 = arith.constant 11 : i32
      %get3A_1435 = arith.constant 4 : i32
      %get3A_1436 = arith.index_cast %get3A_1434 : i32 to index
      %get3A_1437 = arith.index_cast %get3A_1435 : i32 to index
      %get3A_1438 = arith.constant 0 : index
      %get3A_1439 = tpu.vector_load %arg12[%get3A_1436, %get3A_1437, %get3A_1438] {strides = array<i32>} : memref<16x16x16xf32, #tpu.memory_space<vmem>>, vector<16xf32>,
      %add3A_1440 = arith.addf %add3A_1433, %get3A_1439 : vector<16xf32>
      %get3A_1441 = arith.constant 12 : i32
      %get3A_1442 = arith.constant 4 : i32
      %get3A_1443 = arith.index_cast %get3A_1441 : i32 to index
      %get3A_1444 = arith.index_cast %get3A_1442 : i32 to index
      %get3A_1445 = arith.constant 0 : index
      %get3A_1446 = tpu.vector_load %arg12[%get3A_1443, %get3A_1444, %get3A_1445] {strides = array<i32>} : memref<16x16x16xf32, #tpu.memory_space<vmem>>, vector<16xf32>,
      %add3A_1447 = arith.addf %add3A_1440, %get3A_1446 : vector<16xf32>
      %get3A_1448 = arith.constant 13 : i32
      %get3A_1449 = arith.constant 4 : i32
      %get3A_1450 = arith.index_cast %get3A_1448 : i32 to index
      %get3A_1451 = arith.index_cast %get3A_1449 : i32 to index
      %get3A_1452 = arith.constant 0 : index
      %get3A_1453 = tpu.vector_load %arg12[%get3A_1450, %get3A_1451, %get3A_1452] {strides = array<i32>} : memref<16x16x16xf32, #tpu.memory_space<vmem>>, vector<16xf32>,
      %add3A_1454 = arith.addf %add3A_1447, %get3A_1453 : vector<16xf32>
      %get3A_1455 = arith.constant 14 : i32
      %get3A_1456 = arith.constant 4 : i32
      %get3A_1457 = arith.index_cast %get3A_1455 : i32 to index
      %get3A_1458 = arith.index_cast %get3A_1456 : i32 to index
      %get3A_1459 = arith.constant 0 : index
      %get3A_1460 = tpu.vector_load %arg12[%get3A_1457, %get3A_1458, %get3A_1459] {strides = array<i32>} : memref<16x16x16xf32, #tpu.memory_space<vmem>>, vector<16xf32>,
      %add3A_1461 = arith.addf %add3A_1454, %get3A_1460 : vector<16xf32>
      %get3A_1462 = arith.constant 15 : i32
      %get3A_1463 = arith.constant 4 : i32
      %get3A_1464 = arith.index_cast %get3A_1462 : i32 to index
      %get3A_1465 = arith.index_cast %get3A_1463 : i32 to index
      %get3A_1466 = arith.constant 0 : index
      %get3A_1467 = tpu.vector_load %arg12[%get3A_1464, %get3A_1465, %get3A_1466] {strides = array<i32>} : memref<16x16x16xf32, #tpu.memory_space<vmem>>, vector<16xf32>,
      %add3A_1468 = arith.addf %add3A_1461, %get3A_1467 : vector<16xf32>
      %reduce_sum3A_1469 = arith.constant true
      %reduce_sum3A_1470 = vector.broadcast %reduce_sum3A_1469 : i1 to vector<16xi1>
      %reduce_sum3A_1471 = tpu.scan <sum>, %add3A_1468 masked %reduce_sum3A_1470 : vector<16xf32>, vector<16xi1> -> vector<16xf32>
      %reduce_sum3A_1472 = vector.extract %reduce_sum3A_1471[15] : f32 from vector<16xf32>
      %get3A_1473 = arith.constant 8 : i32
      %get3A_1474 = arith.constant 5 : i32
      %get3A_1475 = arith.index_cast %get3A_1473 : i32 to index
      %get3A_1476 = arith.index_cast %get3A_1474 : i32 to index
      %get3A_1477 = arith.constant 0 : index
      %get3A_1478 = tpu.vector_load %arg12[%get3A_1475, %get3A_1476, %get3A_1477] {strides = array<i32>} : memref<16x16x16xf32, #tpu.memory_space<vmem>>, vector<16xf32>,
      %get3A_1479 = arith.constant 9 : i32
      %get3A_1480 = arith.constant 5 : i32
      %get3A_1481 = arith.index_cast %get3A_1479 : i32 to index
      %get3A_1482 = arith.index_cast %get3A_1480 : i32 to index
      %get3A_1483 = arith.constant 0 : index
      %get3A_1484 = tpu.vector_load %arg12[%get3A_1481, %get3A_1482, %get3A_1483] {strides = array<i32>} : memref<16x16x16xf32, #tpu.memory_space<vmem>>, vector<16xf32>,
      %add3A_1485 = arith.addf %get3A_1478, %get3A_1484 : vector<16xf32>
      %get3A_1486 = arith.constant 10 : i32
      %get3A_1487 = arith.constant 5 : i32
      %get3A_1488 = arith.index_cast %get3A_1486 : i32 to index
      %get3A_1489 = arith.index_cast %get3A_1487 : i32 to index
      %get3A_1490 = arith.constant 0 : index
      %get3A_1491 = tpu.vector_load %arg12[%get3A_1488, %get3A_1489, %get3A_1490] {strides = array<i32>} : memref<16x16x16xf32, #tpu.memory_space<vmem>>, vector<16xf32>,
      %add3A_1492 = arith.addf %add3A_1485, %get3A_1491 : vector<16xf32>
      %get3A_1493 = arith.constant 11 : i32
      %get3A_1494 = arith.constant 5 : i32
      %get3A_1495 = arith.index_cast %get3A_1493 : i32 to index
      %get3A_1496 = arith.index_cast %get3A_1494 : i32 to index
      %get3A_1497 = arith.constant 0 : index
      %get3A_1498 = tpu.vector_load %arg12[%get3A_1495, %get3A_1496, %get3A_1497] {strides = array<i32>} : memref<16x16x16xf32, #tpu.memory_space<vmem>>, vector<16xf32>,
      %add3A_1499 = arith.addf %add3A_1492, %get3A_1498 : vector<16xf32>
      %get3A_1500 = arith.constant 12 : i32
      %get3A_1501 = arith.constant 5 : i32
      %get3A_1502 = arith.index_cast %get3A_1500 : i32 to index
      %get3A_1503 = arith.index_cast %get3A_1501 : i32 to index
      %get3A_1504 = arith.constant 0 : index
      %get3A_1505 = tpu.vector_load %arg12[%get3A_1502, %get3A_1503, %get3A_1504] {strides = array<i32>} : memref<16x16x16xf32, #tpu.memory_space<vmem>>, vector<16xf32>,
      %add3A_1506 = arith.addf %add3A_1499, %get3A_1505 : vector<16xf32>
      %get3A_1507 = arith.constant 13 : i32
      %get3A_1508 = arith.constant 5 : i32
      %get3A_1509 = arith.index_cast %get3A_1507 : i32 to index
      %get3A_1510 = arith.index_cast %get3A_1508 : i32 to index
      %get3A_1511 = arith.constant 0 : index
      %get3A_1512 = tpu.vector_load %arg12[%get3A_1509, %get3A_1510, %get3A_1511] {strides = array<i32>} : memref<16x16x16xf32, #tpu.memory_space<vmem>>, vector<16xf32>,
      %add3A_1513 = arith.addf %add3A_1506, %get3A_1512 : vector<16xf32>
      %get3A_1514 = arith.constant 14 : i32
      %get3A_1515 = arith.constant 5 : i32
      %get3A_1516 = arith.index_cast %get3A_1514 : i32 to index
      %get3A_1517 = arith.index_cast %get3A_1515 : i32 to index
      %get3A_1518 = arith.constant 0 : index
      %get3A_1519 = tpu.vector_load %arg12[%get3A_1516, %get3A_1517, %get3A_1518] {strides = array<i32>} : memref<16x16x16xf32, #tpu.memory_space<vmem>>, vector<16xf32>,
      %add3A_1520 = arith.addf %add3A_1513, %get3A_1519 : vector<16xf32>
      %get3A_1521 = arith.constant 15 : i32
      %get3A_1522 = arith.constant 5 : i32
      %get3A_1523 = arith.index_cast %get3A_1521 : i32 to index
      %get3A_1524 = arith.index_cast %get3A_1522 : i32 to index
      %get3A_1525 = arith.constant 0 : index
      %get3A_1526 = tpu.vector_load %arg12[%get3A_1523, %get3A_1524, %get3A_1525] {strides = array<i32>} : memref<16x16x16xf32, #tpu.memory_space<vmem>>, vector<16xf32>,
      %add3A_1527 = arith.addf %add3A_1520, %get3A_1526 : vector<16xf32>
      %reduce_sum3A_1528 = arith.constant true
      %reduce_sum3A_1529 = vector.broadcast %reduce_sum3A_1528 : i1 to vector<16xi1>
      %reduce_sum3A_1530 = tpu.scan <sum>, %add3A_1527 masked %reduce_sum3A_1529 : vector<16xf32>, vector<16xi1> -> vector<16xf32>
      %reduce_sum3A_1531 = vector.extract %reduce_sum3A_1530[15] : f32 from vector<16xf32>
      %get3A_1532 = arith.constant 8 : i32
      %get3A_1533 = arith.constant 6 : i32
      %get3A_1534 = arith.index_cast %get3A_1532 : i32 to index
      %get3A_1535 = arith.index_cast %get3A_1533 : i32 to index
      %get3A_1536 = arith.constant 0 : index
      %get3A_1537 = tpu.vector_load %arg12[%get3A_1534, %get3A_1535, %get3A_1536] {strides = array<i32>} : memref<16x16x16xf32, #tpu.memory_space<vmem>>, vector<16xf32>,
      %get3A_1538 = arith.constant 9 : i32
      %get3A_1539 = arith.constant 6 : i32
      %get3A_1540 = arith.index_cast %get3A_1538 : i32 to index
      %get3A_1541 = arith.index_cast %get3A_1539 : i32 to index
      %get3A_1542 = arith.constant 0 : index
      %get3A_1543 = tpu.vector_load %arg12[%get3A_1540, %get3A_1541, %get3A_1542] {strides = array<i32>} : memref<16x16x16xf32, #tpu.memory_space<vmem>>, vector<16xf32>,
      %add3A_1544 = arith.addf %get3A_1537, %get3A_1543 : vector<16xf32>
      %get3A_1545 = arith.constant 10 : i32
      %get3A_1546 = arith.constant 6 : i32
      %get3A_1547 = arith.index_cast %get3A_1545 : i32 to index
      %get3A_1548 = arith.index_cast %get3A_1546 : i32 to index
      %get3A_1549 = arith.constant 0 : index
      %get3A_1550 = tpu.vector_load %arg12[%get3A_1547, %get3A_1548, %get3A_1549] {strides = array<i32>} : memref<16x16x16xf32, #tpu.memory_space<vmem>>, vector<16xf32>,
      %add3A_1551 = arith.addf %add3A_1544, %get3A_1550 : vector<16xf32>
      %get3A_1552 = arith.constant 11 : i32
      %get3A_1553 = arith.constant 6 : i32
      %get3A_1554 = arith.index_cast %get3A_1552 : i32 to index
      %get3A_1555 = arith.index_cast %get3A_1553 : i32 to index
      %get3A_1556 = arith.constant 0 : index
      %get3A_1557 = tpu.vector_load %arg12[%get3A_1554, %get3A_1555, %get3A_1556] {strides = array<i32>} : memref<16x16x16xf32, #tpu.memory_space<vmem>>, vector<16xf32>,
      %add3A_1558 = arith.addf %add3A_1551, %get3A_1557 : vector<16xf32>
      %get3A_1559 = arith.constant 12 : i32
      %get3A_1560 = arith.constant 6 : i32
      %get3A_1561 = arith.index_cast %get3A_1559 : i32 to index
      %get3A_1562 = arith.index_cast %get3A_1560 : i32 to index
      %get3A_1563 = arith.constant 0 : index
      %get3A_1564 = tpu.vector_load %arg12[%get3A_1561, %get3A_1562, %get3A_1563] {strides = array<i32>} : memref<16x16x16xf32, #tpu.memory_space<vmem>>, vector<16xf32>,
      %add3A_1565 = arith.addf %add3A_1558, %get3A_1564 : vector<16xf32>
      %get3A_1566 = arith.constant 13 : i32
      %get3A_1567 = arith.constant 6 : i32
      %get3A_1568 = arith.index_cast %get3A_1566 : i32 to index
      %get3A_1569 = arith.index_cast %get3A_1567 : i32 to index
      %get3A_1570 = arith.constant 0 : index
      %get3A_1571 = tpu.vector_load %arg12[%get3A_1568, %get3A_1569, %get3A_1570] {strides = array<i32>} : memref<16x16x16xf32, #tpu.memory_space<vmem>>, vector<16xf32>,
      %add3A_1572 = arith.addf %add3A_1565, %get3A_1571 : vector<16xf32>
      %get3A_1573 = arith.constant 14 : i32
      %get3A_1574 = arith.constant 6 : i32
      %get3A_1575 = arith.index_cast %get3A_1573 : i32 to index
      %get3A_1576 = arith.index_cast %get3A_1574 : i32 to index
      %get3A_1577 = arith.constant 0 : index
      %get3A_1578 = tpu.vector_load %arg12[%get3A_1575, %get3A_1576, %get3A_1577] {strides = array<i32>} : memref<16x16x16xf32, #tpu.memory_space<vmem>>, vector<16xf32>,
      %add3A_1579 = arith.addf %add3A_1572, %get3A_1578 : vector<16xf32>
      %get3A_1580 = arith.constant 15 : i32
      %get3A_1581 = arith.constant 6 : i32
      %get3A_1582 = arith.index_cast %get3A_1580 : i32 to index
      %get3A_1583 = arith.index_cast %get3A_1581 : i32 to index
      %get3A_1584 = arith.constant 0 : index
      %get3A_1585 = tpu.vector_load %arg12[%get3A_1582, %get3A_1583, %get3A_1584] {strides = array<i32>} : memref<16x16x16xf32, #tpu.memory_space<vmem>>, vector<16xf32>,
      %add3A_1586 = arith.addf %add3A_1579, %get3A_1585 : vector<16xf32>
      %reduce_sum3A_1587 = arith.constant true
      %reduce_sum3A_1588 = vector.broadcast %reduce_sum3A_1587 : i1 to vector<16xi1>
      %reduce_sum3A_1589 = tpu.scan <sum>, %add3A_1586 masked %reduce_sum3A_1588 : vector<16xf32>, vector<16xi1> -> vector<16xf32>
      %reduce_sum3A_1590 = vector.extract %reduce_sum3A_1589[15] : f32 from vector<16xf32>
      %get3A_1591 = arith.constant 8 : i32
      %get3A_1592 = arith.constant 7 : i32
      %get3A_1593 = arith.index_cast %get3A_1591 : i32 to index
      %get3A_1594 = arith.index_cast %get3A_1592 : i32 to index
      %get3A_1595 = arith.constant 0 : index
      %get3A_1596 = tpu.vector_load %arg12[%get3A_1593, %get3A_1594, %get3A_1595] {strides = array<i32>} : memref<16x16x16xf32, #tpu.memory_space<vmem>>, vector<16xf32>,
      %get3A_1597 = arith.constant 9 : i32
      %get3A_1598 = arith.constant 7 : i32
      %get3A_1599 = arith.index_cast %get3A_1597 : i32 to index
      %get3A_1600 = arith.index_cast %get3A_1598 : i32 to index
      %get3A_1601 = arith.constant 0 : index
      %get3A_1602 = tpu.vector_load %arg12[%get3A_1599, %get3A_1600, %get3A_1601] {strides = array<i32>} : memref<16x16x16xf32, #tpu.memory_space<vmem>>, vector<16xf32>,
      %add3A_1603 = arith.addf %get3A_1596, %get3A_1602 : vector<16xf32>
      %get3A_1604 = arith.constant 10 : i32
      %get3A_1605 = arith.constant 7 : i32
      %get3A_1606 = arith.index_cast %get3A_1604 : i32 to index
      %get3A_1607 = arith.index_cast %get3A_1605 : i32 to index
      %get3A_1608 = arith.constant 0 : index
      %get3A_1609 = tpu.vector_load %arg12[%get3A_1606, %get3A_1607, %get3A_1608] {strides = array<i32>} : memref<16x16x16xf32, #tpu.memory_space<vmem>>, vector<16xf32>,
      %add3A_1610 = arith.addf %add3A_1603, %get3A_1609 : vector<16xf32>
      %get3A_1611 = arith.constant 11 : i32
      %get3A_1612 = arith.constant 7 : i32
      %get3A_1613 = arith.index_cast %get3A_1611 : i32 to index
      %get3A_1614 = arith.index_cast %get3A_1612 : i32 to index
      %get3A_1615 = arith.constant 0 : index
      %get3A_1616 = tpu.vector_load %arg12[%get3A_1613, %get3A_1614, %get3A_1615] {strides = array<i32>} : memref<16x16x16xf32, #tpu.memory_space<vmem>>, vector<16xf32>,
      %add3A_1617 = arith.addf %add3A_1610, %get3A_1616 : vector<16xf32>
      %get3A_1618 = arith.constant 12 : i32
      %get3A_1619 = arith.constant 7 : i32
      %get3A_1620 = arith.index_cast %get3A_1618 : i32 to index
      %get3A_1621 = arith.index_cast %get3A_1619 : i32 to index
      %get3A_1622 = arith.constant 0 : index
      %get3A_1623 = tpu.vector_load %arg12[%get3A_1620, %get3A_1621, %get3A_1622] {strides = array<i32>} : memref<16x16x16xf32, #tpu.memory_space<vmem>>, vector<16xf32>,
      %add3A_1624 = arith.addf %add3A_1617, %get3A_1623 : vector<16xf32>
      %get3A_1625 = arith.constant 13 : i32
      %get3A_1626 = arith.constant 7 : i32
      %get3A_1627 = arith.index_cast %get3A_1625 : i32 to index
      %get3A_1628 = arith.index_cast %get3A_1626 : i32 to index
      %get3A_1629 = arith.constant 0 : index
      %get3A_1630 = tpu.vector_load %arg12[%get3A_1627, %get3A_1628, %get3A_1629] {strides = array<i32>} : memref<16x16x16xf32, #tpu.memory_space<vmem>>, vector<16xf32>,
      %add3A_1631 = arith.addf %add3A_1624, %get3A_1630 : vector<16xf32>
      %get3A_1632 = arith.constant 14 : i32
      %get3A_1633 = arith.constant 7 : i32
      %get3A_1634 = arith.index_cast %get3A_1632 : i32 to index
      %get3A_1635 = arith.index_cast %get3A_1633 : i32 to index
      %get3A_1636 = arith.constant 0 : index
      %get3A_1637 = tpu.vector_load %arg12[%get3A_1634, %get3A_1635, %get3A_1636] {strides = array<i32>} : memref<16x16x16xf32, #tpu.memory_space<vmem>>, vector<16xf32>,
      %add3A_1638 = arith.addf %add3A_1631, %get3A_1637 : vector<16xf32>
      %get3A_1639 = arith.constant 15 : i32
      %get3A_1640 = arith.constant 7 : i32
      %get3A_1641 = arith.index_cast %get3A_1639 : i32 to index
      %get3A_1642 = arith.index_cast %get3A_1640 : i32 to index
      %get3A_1643 = arith.constant 0 : index
      %get3A_1644 = tpu.vector_load %arg12[%get3A_1641, %get3A_1642, %get3A_1643] {strides = array<i32>} : memref<16x16x16xf32, #tpu.memory_space<vmem>>, vector<16xf32>,
      %add3A_1645 = arith.addf %add3A_1638, %get3A_1644 : vector<16xf32>
      %reduce_sum3A_1646 = arith.constant true
      %reduce_sum3A_1647 = vector.broadcast %reduce_sum3A_1646 : i1 to vector<16xi1>
      %reduce_sum3A_1648 = tpu.scan <sum>, %add3A_1645 masked %reduce_sum3A_1647 : vector<16xf32>, vector<16xi1> -> vector<16xf32>
      %reduce_sum3A_1649 = vector.extract %reduce_sum3A_1648[15] : f32 from vector<16xf32>
      %get3A_1650 = arith.constant 8 : i32
      %get3A_1651 = arith.constant 8 : i32
      %get3A_1652 = arith.index_cast %get3A_1650 : i32 to index
      %get3A_1653 = arith.index_cast %get3A_1651 : i32 to index
      %get3A_1654 = arith.constant 0 : index
      %get3A_1655 = tpu.vector_load %arg12[%get3A_1652, %get3A_1653, %get3A_1654] {strides = array<i32>} : memref<16x16x16xf32, #tpu.memory_space<vmem>>, vector<16xf32>,
      %get3A_1656 = arith.constant 9 : i32
      %get3A_1657 = arith.constant 8 : i32
      %get3A_1658 = arith.index_cast %get3A_1656 : i32 to index
      %get3A_1659 = arith.index_cast %get3A_1657 : i32 to index
      %get3A_1660 = arith.constant 0 : index
      %get3A_1661 = tpu.vector_load %arg12[%get3A_1658, %get3A_1659, %get3A_1660] {strides = array<i32>} : memref<16x16x16xf32, #tpu.memory_space<vmem>>, vector<16xf32>,
      %add3A_1662 = arith.addf %get3A_1655, %get3A_1661 : vector<16xf32>
      %get3A_1663 = arith.constant 10 : i32
      %get3A_1664 = arith.constant 8 : i32
      %get3A_1665 = arith.index_cast %get3A_1663 : i32 to index
      %get3A_1666 = arith.index_cast %get3A_1664 : i32 to index
      %get3A_1667 = arith.constant 0 : index
      %get3A_1668 = tpu.vector_load %arg12[%get3A_1665, %get3A_1666, %get3A_1667] {strides = array<i32>} : memref<16x16x16xf32, #tpu.memory_space<vmem>>, vector<16xf32>,
      %add3A_1669 = arith.addf %add3A_1662, %get3A_1668 : vector<16xf32>
      %get3A_1670 = arith.constant 11 : i32
      %get3A_1671 = arith.constant 8 : i32
      %get3A_1672 = arith.index_cast %get3A_1670 : i32 to index
      %get3A_1673 = arith.index_cast %get3A_1671 : i32 to index
      %get3A_1674 = arith.constant 0 : index
      %get3A_1675 = tpu.vector_load %arg12[%get3A_1672, %get3A_1673, %get3A_1674] {strides = array<i32>} : memref<16x16x16xf32, #tpu.memory_space<vmem>>, vector<16xf32>,
      %add3A_1676 = arith.addf %add3A_1669, %get3A_1675 : vector<16xf32>
      %get3A_1677 = arith.constant 12 : i32
      %get3A_1678 = arith.constant 8 : i32
      %get3A_1679 = arith.index_cast %get3A_1677 : i32 to index
      %get3A_1680 = arith.index_cast %get3A_1678 : i32 to index
      %get3A_1681 = arith.constant 0 : index
      %get3A_1682 = tpu.vector_load %arg12[%get3A_1679, %get3A_1680, %get3A_1681] {strides = array<i32>} : memref<16x16x16xf32, #tpu.memory_space<vmem>>, vector<16xf32>,
      %add3A_1683 = arith.addf %add3A_1676, %get3A_1682 : vector<16xf32>
      %get3A_1684 = arith.constant 13 : i32
      %get3A_1685 = arith.constant 8 : i32
      %get3A_1686 = arith.index_cast %get3A_1684 : i32 to index
      %get3A_1687 = arith.index_cast %get3A_1685 : i32 to index
      %get3A_1688 = arith.constant 0 : index
      %get3A_1689 = tpu.vector_load %arg12[%get3A_1686, %get3A_1687, %get3A_1688] {strides = array<i32>} : memref<16x16x16xf32, #tpu.memory_space<vmem>>, vector<16xf32>,
      %add3A_1690 = arith.addf %add3A_1683, %get3A_1689 : vector<16xf32>
      %get3A_1691 = arith.constant 14 : i32
      %get3A_1692 = arith.constant 8 : i32
      %get3A_1693 = arith.index_cast %get3A_1691 : i32 to index
      %get3A_1694 = arith.index_cast %get3A_1692 : i32 to index
      %get3A_1695 = arith.constant 0 : index
      %get3A_1696 = tpu.vector_load %arg12[%get3A_1693, %get3A_1694, %get3A_1695] {strides = array<i32>} : memref<16x16x16xf32, #tpu.memory_space<vmem>>, vector<16xf32>,
      %add3A_1697 = arith.addf %add3A_1690, %get3A_1696 : vector<16xf32>
      %get3A_1698 = arith.constant 15 : i32
      %get3A_1699 = arith.constant 8 : i32
      %get3A_1700 = arith.index_cast %get3A_1698 : i32 to index
      %get3A_1701 = arith.index_cast %get3A_1699 : i32 to index
      %get3A_1702 = arith.constant 0 : index
      %get3A_1703 = tpu.vector_load %arg12[%get3A_1700, %get3A_1701, %get3A_1702] {strides = array<i32>} : memref<16x16x16xf32, #tpu.memory_space<vmem>>, vector<16xf32>,
      %add3A_1704 = arith.addf %add3A_1697, %get3A_1703 : vector<16xf32>
      %reduce_sum3A_1705 = arith.constant true
      %reduce_sum3A_1706 = vector.broadcast %reduce_sum3A_1705 : i1 to vector<16xi1>
      %reduce_sum3A_1707 = tpu.scan <sum>, %add3A_1704 masked %reduce_sum3A_1706 : vector<16xf32>, vector<16xi1> -> vector<16xf32>
      %reduce_sum3A_1708 = vector.extract %reduce_sum3A_1707[15] : f32 from vector<16xf32>
      %get3A_1709 = arith.constant 8 : i32
      %get3A_1710 = arith.constant 9 : i32
      %get3A_1711 = arith.index_cast %get3A_1709 : i32 to index
      %get3A_1712 = arith.index_cast %get3A_1710 : i32 to index
      %get3A_1713 = arith.constant 0 : index
      %get3A_1714 = tpu.vector_load %arg12[%get3A_1711, %get3A_1712, %get3A_1713] {strides = array<i32>} : memref<16x16x16xf32, #tpu.memory_space<vmem>>, vector<16xf32>,
      %get3A_1715 = arith.constant 9 : i32
      %get3A_1716 = arith.constant 9 : i32
      %get3A_1717 = arith.index_cast %get3A_1715 : i32 to index
      %get3A_1718 = arith.index_cast %get3A_1716 : i32 to index
      %get3A_1719 = arith.constant 0 : index
      %get3A_1720 = tpu.vector_load %arg12[%get3A_1717, %get3A_1718, %get3A_1719] {strides = array<i32>} : memref<16x16x16xf32, #tpu.memory_space<vmem>>, vector<16xf32>,
      %add3A_1721 = arith.addf %get3A_1714, %get3A_1720 : vector<16xf32>
      %get3A_1722 = arith.constant 10 : i32
      %get3A_1723 = arith.constant 9 : i32
      %get3A_1724 = arith.index_cast %get3A_1722 : i32 to index
      %get3A_1725 = arith.index_cast %get3A_1723 : i32 to index
      %get3A_1726 = arith.constant 0 : index
      %get3A_1727 = tpu.vector_load %arg12[%get3A_1724, %get3A_1725, %get3A_1726] {strides = array<i32>} : memref<16x16x16xf32, #tpu.memory_space<vmem>>, vector<16xf32>,
      %add3A_1728 = arith.addf %add3A_1721, %get3A_1727 : vector<16xf32>
      %get3A_1729 = arith.constant 11 : i32
      %get3A_1730 = arith.constant 9 : i32
      %get3A_1731 = arith.index_cast %get3A_1729 : i32 to index
      %get3A_1732 = arith.index_cast %get3A_1730 : i32 to index
      %get3A_1733 = arith.constant 0 : index
      %get3A_1734 = tpu.vector_load %arg12[%get3A_1731, %get3A_1732, %get3A_1733] {strides = array<i32>} : memref<16x16x16xf32, #tpu.memory_space<vmem>>, vector<16xf32>,
      %add3A_1735 = arith.addf %add3A_1728, %get3A_1734 : vector<16xf32>
      %get3A_1736 = arith.constant 12 : i32
      %get3A_1737 = arith.constant 9 : i32
      %get3A_1738 = arith.index_cast %get3A_1736 : i32 to index
      %get3A_1739 = arith.index_cast %get3A_1737 : i32 to index
      %get3A_1740 = arith.constant 0 : index
      %get3A_1741 = tpu.vector_load %arg12[%get3A_1738, %get3A_1739, %get3A_1740] {strides = array<i32>} : memref<16x16x16xf32, #tpu.memory_space<vmem>>, vector<16xf32>,
      %add3A_1742 = arith.addf %add3A_1735, %get3A_1741 : vector<16xf32>
      %get3A_1743 = arith.constant 13 : i32
      %get3A_1744 = arith.constant 9 : i32
      %get3A_1745 = arith.index_cast %get3A_1743 : i32 to index
      %get3A_1746 = arith.index_cast %get3A_1744 : i32 to index
      %get3A_1747 = arith.constant 0 : index
      %get3A_1748 = tpu.vector_load %arg12[%get3A_1745, %get3A_1746, %get3A_1747] {strides = array<i32>} : memref<16x16x16xf32, #tpu.memory_space<vmem>>, vector<16xf32>,
      %add3A_1749 = arith.addf %add3A_1742, %get3A_1748 : vector<16xf32>
      %get3A_1750 = arith.constant 14 : i32
      %get3A_1751 = arith.constant 9 : i32
      %get3A_1752 = arith.index_cast %get3A_1750 : i32 to index
      %get3A_1753 = arith.index_cast %get3A_1751 : i32 to index
      %get3A_1754 = arith.constant 0 : index
      %get3A_1755 = tpu.vector_load %arg12[%get3A_1752, %get3A_1753, %get3A_1754] {strides = array<i32>} : memref<16x16x16xf32, #tpu.memory_space<vmem>>, vector<16xf32>,
      %add3A_1756 = arith.addf %add3A_1749, %get3A_1755 : vector<16xf32>
      %get3A_1757 = arith.constant 15 : i32
      %get3A_1758 = arith.constant 9 : i32
      %get3A_1759 = arith.index_cast %get3A_1757 : i32 to index
      %get3A_1760 = arith.index_cast %get3A_1758 : i32 to index
      %get3A_1761 = arith.constant 0 : index
      %get3A_1762 = tpu.vector_load %arg12[%get3A_1759, %get3A_1760, %get3A_1761] {strides = array<i32>} : memref<16x16x16xf32, #tpu.memory_space<vmem>>, vector<16xf32>,
      %add3A_1763 = arith.addf %add3A_1756, %get3A_1762 : vector<16xf32>
      %reduce_sum3A_1764 = arith.constant true
      %reduce_sum3A_1765 = vector.broadcast %reduce_sum3A_1764 : i1 to vector<16xi1>
      %reduce_sum3A_1766 = tpu.scan <sum>, %add3A_1763 masked %reduce_sum3A_1765 : vector<16xf32>, vector<16xi1> -> vector<16xf32>
      %reduce_sum3A_1767 = vector.extract %reduce_sum3A_1766[15] : f32 from vector<16xf32>
      %get3A_1768 = arith.constant 8 : i32
      %get3A_1769 = arith.constant 10 : i32
      %get3A_1770 = arith.index_cast %get3A_1768 : i32 to index
      %get3A_1771 = arith.index_cast %get3A_1769 : i32 to index
      %get3A_1772 = arith.constant 0 : index
      %get3A_1773 = tpu.vector_load %arg12[%get3A_1770, %get3A_1771, %get3A_1772] {strides = array<i32>} : memref<16x16x16xf32, #tpu.memory_space<vmem>>, vector<16xf32>,
      %get3A_1774 = arith.constant 9 : i32
      %get3A_1775 = arith.constant 10 : i32
      %get3A_1776 = arith.index_cast %get3A_1774 : i32 to index
      %get3A_1777 = arith.index_cast %get3A_1775 : i32 to index
      %get3A_1778 = arith.constant 0 : index
      %get3A_1779 = tpu.vector_load %arg12[%get3A_1776, %get3A_1777, %get3A_1778] {strides = array<i32>} : memref<16x16x16xf32, #tpu.memory_space<vmem>>, vector<16xf32>,
      %add3A_1780 = arith.addf %get3A_1773, %get3A_1779 : vector<16xf32>
      %get3A_1781 = arith.constant 10 : i32
      %get3A_1782 = arith.constant 10 : i32
      %get3A_1783 = arith.index_cast %get3A_1781 : i32 to index
      %get3A_1784 = arith.index_cast %get3A_1782 : i32 to index
      %get3A_1785 = arith.constant 0 : index
      %get3A_1786 = tpu.vector_load %arg12[%get3A_1783, %get3A_1784, %get3A_1785] {strides = array<i32>} : memref<16x16x16xf32, #tpu.memory_space<vmem>>, vector<16xf32>,
      %add3A_1787 = arith.addf %add3A_1780, %get3A_1786 : vector<16xf32>
      %get3A_1788 = arith.constant 11 : i32
      %get3A_1789 = arith.constant 10 : i32
      %get3A_1790 = arith.index_cast %get3A_1788 : i32 to index
      %get3A_1791 = arith.index_cast %get3A_1789 : i32 to index
      %get3A_1792 = arith.constant 0 : index
      %get3A_1793 = tpu.vector_load %arg12[%get3A_1790, %get3A_1791, %get3A_1792] {strides = array<i32>} : memref<16x16x16xf32, #tpu.memory_space<vmem>>, vector<16xf32>,
      %add3A_1794 = arith.addf %add3A_1787, %get3A_1793 : vector<16xf32>
      %get3A_1795 = arith.constant 12 : i32
      %get3A_1796 = arith.constant 10 : i32
      %get3A_1797 = arith.index_cast %get3A_1795 : i32 to index
      %get3A_1798 = arith.index_cast %get3A_1796 : i32 to index
      %get3A_1799 = arith.constant 0 : index
      %get3A_1800 = tpu.vector_load %arg12[%get3A_1797, %get3A_1798, %get3A_1799] {strides = array<i32>} : memref<16x16x16xf32, #tpu.memory_space<vmem>>, vector<16xf32>,
      %add3A_1801 = arith.addf %add3A_1794, %get3A_1800 : vector<16xf32>
      %get3A_1802 = arith.constant 13 : i32
      %get3A_1803 = arith.constant 10 : i32
      %get3A_1804 = arith.index_cast %get3A_1802 : i32 to index
      %get3A_1805 = arith.index_cast %get3A_1803 : i32 to index
      %get3A_1806 = arith.constant 0 : index
      %get3A_1807 = tpu.vector_load %arg12[%get3A_1804, %get3A_1805, %get3A_1806] {strides = array<i32>} : memref<16x16x16xf32, #tpu.memory_space<vmem>>, vector<16xf32>,
      %add3A_1808 = arith.addf %add3A_1801, %get3A_1807 : vector<16xf32>
      %get3A_1809 = arith.constant 14 : i32
      %get3A_1810 = arith.constant 10 : i32
      %get3A_1811 = arith.index_cast %get3A_1809 : i32 to index
      %get3A_1812 = arith.index_cast %get3A_1810 : i32 to index
      %get3A_1813 = arith.constant 0 : index
      %get3A_1814 = tpu.vector_load %arg12[%get3A_1811, %get3A_1812, %get3A_1813] {strides = array<i32>} : memref<16x16x16xf32, #tpu.memory_space<vmem>>, vector<16xf32>,
      %add3A_1815 = arith.addf %add3A_1808, %get3A_1814 : vector<16xf32>
      %get3A_1816 = arith.constant 15 : i32
      %get3A_1817 = arith.constant 10 : i32
      %get3A_1818 = arith.index_cast %get3A_1816 : i32 to index
      %get3A_1819 = arith.index_cast %get3A_1817 : i32 to index
      %get3A_1820 = arith.constant 0 : index
      %get3A_1821 = tpu.vector_load %arg12[%get3A_1818, %get3A_1819, %get3A_1820] {strides = array<i32>} : memref<16x16x16xf32, #tpu.memory_space<vmem>>, vector<16xf32>,
      %add3A_1822 = arith.addf %add3A_1815, %get3A_1821 : vector<16xf32>
      %reduce_sum3A_1823 = arith.constant true
      %reduce_sum3A_1824 = vector.broadcast %reduce_sum3A_1823 : i1 to vector<16xi1>
      %reduce_sum3A_1825 = tpu.scan <sum>, %add3A_1822 masked %reduce_sum3A_1824 : vector<16xf32>, vector<16xi1> -> vector<16xf32>
      %reduce_sum3A_1826 = vector.extract %reduce_sum3A_1825[15] : f32 from vector<16xf32>
      %get3A_1827 = arith.constant 8 : i32
      %get3A_1828 = arith.constant 11 : i32
      %get3A_1829 = arith.index_cast %get3A_1827 : i32 to index
      %get3A_1830 = arith.index_cast %get3A_1828 : i32 to index
      %get3A_1831 = arith.constant 0 : index
      %get3A_1832 = tpu.vector_load %arg12[%get3A_1829, %get3A_1830, %get3A_1831] {strides = array<i32>} : memref<16x16x16xf32, #tpu.memory_space<vmem>>, vector<16xf32>,
      %get3A_1833 = arith.constant 9 : i32
      %get3A_1834 = arith.constant 11 : i32
      %get3A_1835 = arith.index_cast %get3A_1833 : i32 to index
      %get3A_1836 = arith.index_cast %get3A_1834 : i32 to index
      %get3A_1837 = arith.constant 0 : index
      %get3A_1838 = tpu.vector_load %arg12[%get3A_1835, %get3A_1836, %get3A_1837] {strides = array<i32>} : memref<16x16x16xf32, #tpu.memory_space<vmem>>, vector<16xf32>,
      %add3A_1839 = arith.addf %get3A_1832, %get3A_1838 : vector<16xf32>
      %get3A_1840 = arith.constant 10 : i32
      %get3A_1841 = arith.constant 11 : i32
      %get3A_1842 = arith.index_cast %get3A_1840 : i32 to index
      %get3A_1843 = arith.index_cast %get3A_1841 : i32 to index
      %get3A_1844 = arith.constant 0 : index
      %get3A_1845 = tpu.vector_load %arg12[%get3A_1842, %get3A_1843, %get3A_1844] {strides = array<i32>} : memref<16x16x16xf32, #tpu.memory_space<vmem>>, vector<16xf32>,
      %add3A_1846 = arith.addf %add3A_1839, %get3A_1845 : vector<16xf32>
      %get3A_1847 = arith.constant 11 : i32
      %get3A_1848 = arith.constant 11 : i32
      %get3A_1849 = arith.index_cast %get3A_1847 : i32 to index
      %get3A_1850 = arith.index_cast %get3A_1848 : i32 to index
      %get3A_1851 = arith.constant 0 : index
      %get3A_1852 = tpu.vector_load %arg12[%get3A_1849, %get3A_1850, %get3A_1851] {strides = array<i32>} : memref<16x16x16xf32, #tpu.memory_space<vmem>>, vector<16xf32>,
      %add3A_1853 = arith.addf %add3A_1846, %get3A_1852 : vector<16xf32>
      %get3A_1854 = arith.constant 12 : i32
      %get3A_1855 = arith.constant 11 : i32
      %get3A_1856 = arith.index_cast %get3A_1854 : i32 to index
      %get3A_1857 = arith.index_cast %get3A_1855 : i32 to index
      %get3A_1858 = arith.constant 0 : index
      %get3A_1859 = tpu.vector_load %arg12[%get3A_1856, %get3A_1857, %get3A_1858] {strides = array<i32>} : memref<16x16x16xf32, #tpu.memory_space<vmem>>, vector<16xf32>,
      %add3A_1860 = arith.addf %add3A_1853, %get3A_1859 : vector<16xf32>
      %get3A_1861 = arith.constant 13 : i32
      %get3A_1862 = arith.constant 11 : i32
      %get3A_1863 = arith.index_cast %get3A_1861 : i32 to index
      %get3A_1864 = arith.index_cast %get3A_1862 : i32 to index
      %get3A_1865 = arith.constant 0 : index
      %get3A_1866 = tpu.vector_load %arg12[%get3A_1863, %get3A_1864, %get3A_1865] {strides = array<i32>} : memref<16x16x16xf32, #tpu.memory_space<vmem>>, vector<16xf32>,
      %add3A_1867 = arith.addf %add3A_1860, %get3A_1866 : vector<16xf32>
      %get3A_1868 = arith.constant 14 : i32
      %get3A_1869 = arith.constant 11 : i32
      %get3A_1870 = arith.index_cast %get3A_1868 : i32 to index
      %get3A_1871 = arith.index_cast %get3A_1869 : i32 to index
      %get3A_1872 = arith.constant 0 : index
      %get3A_1873 = tpu.vector_load %arg12[%get3A_1870, %get3A_1871, %get3A_1872] {strides = array<i32>} : memref<16x16x16xf32, #tpu.memory_space<vmem>>, vector<16xf32>,
      %add3A_1874 = arith.addf %add3A_1867, %get3A_1873 : vector<16xf32>
      %get3A_1875 = arith.constant 15 : i32
      %get3A_1876 = arith.constant 11 : i32
      %get3A_1877 = arith.index_cast %get3A_1875 : i32 to index
      %get3A_1878 = arith.index_cast %get3A_1876 : i32 to index
      %get3A_1879 = arith.constant 0 : index
      %get3A_1880 = tpu.vector_load %arg12[%get3A_1877, %get3A_1878, %get3A_1879] {strides = array<i32>} : memref<16x16x16xf32, #tpu.memory_space<vmem>>, vector<16xf32>,
      %add3A_1881 = arith.addf %add3A_1874, %get3A_1880 : vector<16xf32>
      %reduce_sum3A_1882 = arith.constant true
      %reduce_sum3A_1883 = vector.broadcast %reduce_sum3A_1882 : i1 to vector<16xi1>
      %reduce_sum3A_1884 = tpu.scan <sum>, %add3A_1881 masked %reduce_sum3A_1883 : vector<16xf32>, vector<16xi1> -> vector<16xf32>
      %reduce_sum3A_1885 = vector.extract %reduce_sum3A_1884[15] : f32 from vector<16xf32>
      %get3A_1886 = arith.constant 8 : i32
      %get3A_1887 = arith.constant 12 : i32
      %get3A_1888 = arith.index_cast %get3A_1886 : i32 to index
      %get3A_1889 = arith.index_cast %get3A_1887 : i32 to index
      %get3A_1890 = arith.constant 0 : index
      %get3A_1891 = tpu.vector_load %arg12[%get3A_1888, %get3A_1889, %get3A_1890] {strides = array<i32>} : memref<16x16x16xf32, #tpu.memory_space<vmem>>, vector<16xf32>,
      %get3A_1892 = arith.constant 9 : i32
      %get3A_1893 = arith.constant 12 : i32
      %get3A_1894 = arith.index_cast %get3A_1892 : i32 to index
      %get3A_1895 = arith.index_cast %get3A_1893 : i32 to index
      %get3A_1896 = arith.constant 0 : index
      %get3A_1897 = tpu.vector_load %arg12[%get3A_1894, %get3A_1895, %get3A_1896] {strides = array<i32>} : memref<16x16x16xf32, #tpu.memory_space<vmem>>, vector<16xf32>,
      %add3A_1898 = arith.addf %get3A_1891, %get3A_1897 : vector<16xf32>
      %get3A_1899 = arith.constant 10 : i32
      %get3A_1900 = arith.constant 12 : i32
      %get3A_1901 = arith.index_cast %get3A_1899 : i32 to index
      %get3A_1902 = arith.index_cast %get3A_1900 : i32 to index
      %get3A_1903 = arith.constant 0 : index
      %get3A_1904 = tpu.vector_load %arg12[%get3A_1901, %get3A_1902, %get3A_1903] {strides = array<i32>} : memref<16x16x16xf32, #tpu.memory_space<vmem>>, vector<16xf32>,
      %add3A_1905 = arith.addf %add3A_1898, %get3A_1904 : vector<16xf32>
      %get3A_1906 = arith.constant 11 : i32
      %get3A_1907 = arith.constant 12 : i32
      %get3A_1908 = arith.index_cast %get3A_1906 : i32 to index
      %get3A_1909 = arith.index_cast %get3A_1907 : i32 to index
      %get3A_1910 = arith.constant 0 : index
      %get3A_1911 = tpu.vector_load %arg12[%get3A_1908, %get3A_1909, %get3A_1910] {strides = array<i32>} : memref<16x16x16xf32, #tpu.memory_space<vmem>>, vector<16xf32>,
      %add3A_1912 = arith.addf %add3A_1905, %get3A_1911 : vector<16xf32>
      %get3A_1913 = arith.constant 12 : i32
      %get3A_1914 = arith.constant 12 : i32
      %get3A_1915 = arith.index_cast %get3A_1913 : i32 to index
      %get3A_1916 = arith.index_cast %get3A_1914 : i32 to index
      %get3A_1917 = arith.constant 0 : index
      %get3A_1918 = tpu.vector_load %arg12[%get3A_1915, %get3A_1916, %get3A_1917] {strides = array<i32>} : memref<16x16x16xf32, #tpu.memory_space<vmem>>, vector<16xf32>,
      %add3A_1919 = arith.addf %add3A_1912, %get3A_1918 : vector<16xf32>
      %get3A_1920 = arith.constant 13 : i32
      %get3A_1921 = arith.constant 12 : i32
      %get3A_1922 = arith.index_cast %get3A_1920 : i32 to index
      %get3A_1923 = arith.index_cast %get3A_1921 : i32 to index
      %get3A_1924 = arith.constant 0 : index
      %get3A_1925 = tpu.vector_load %arg12[%get3A_1922, %get3A_1923, %get3A_1924] {strides = array<i32>} : memref<16x16x16xf32, #tpu.memory_space<vmem>>, vector<16xf32>,
      %add3A_1926 = arith.addf %add3A_1919, %get3A_1925 : vector<16xf32>
      %get3A_1927 = arith.constant 14 : i32
      %get3A_1928 = arith.constant 12 : i32
      %get3A_1929 = arith.index_cast %get3A_1927 : i32 to index
      %get3A_1930 = arith.index_cast %get3A_1928 : i32 to index
      %get3A_1931 = arith.constant 0 : index
      %get3A_1932 = tpu.vector_load %arg12[%get3A_1929, %get3A_1930, %get3A_1931] {strides = array<i32>} : memref<16x16x16xf32, #tpu.memory_space<vmem>>, vector<16xf32>,
      %add3A_1933 = arith.addf %add3A_1926, %get3A_1932 : vector<16xf32>
      %get3A_1934 = arith.constant 15 : i32
      %get3A_1935 = arith.constant 12 : i32
      %get3A_1936 = arith.index_cast %get3A_1934 : i32 to index
      %get3A_1937 = arith.index_cast %get3A_1935 : i32 to index
      %get3A_1938 = arith.constant 0 : index
      %get3A_1939 = tpu.vector_load %arg12[%get3A_1936, %get3A_1937, %get3A_1938] {strides = array<i32>} : memref<16x16x16xf32, #tpu.memory_space<vmem>>, vector<16xf32>,
      %add3A_1940 = arith.addf %add3A_1933, %get3A_1939 : vector<16xf32>
      %reduce_sum3A_1941 = arith.constant true
      %reduce_sum3A_1942 = vector.broadcast %reduce_sum3A_1941 : i1 to vector<16xi1>
      %reduce_sum3A_1943 = tpu.scan <sum>, %add3A_1940 masked %reduce_sum3A_1942 : vector<16xf32>, vector<16xi1> -> vector<16xf32>
      %reduce_sum3A_1944 = vector.extract %reduce_sum3A_1943[15] : f32 from vector<16xf32>
      %get3A_1945 = arith.constant 8 : i32
      %get3A_1946 = arith.constant 13 : i32
      %get3A_1947 = arith.index_cast %get3A_1945 : i32 to index
      %get3A_1948 = arith.index_cast %get3A_1946 : i32 to index
      %get3A_1949 = arith.constant 0 : index
      %get3A_1950 = tpu.vector_load %arg12[%get3A_1947, %get3A_1948, %get3A_1949] {strides = array<i32>} : memref<16x16x16xf32, #tpu.memory_space<vmem>>, vector<16xf32>,
      %get3A_1951 = arith.constant 9 : i32
      %get3A_1952 = arith.constant 13 : i32
      %get3A_1953 = arith.index_cast %get3A_1951 : i32 to index
      %get3A_1954 = arith.index_cast %get3A_1952 : i32 to index
      %get3A_1955 = arith.constant 0 : index
      %get3A_1956 = tpu.vector_load %arg12[%get3A_1953, %get3A_1954, %get3A_1955] {strides = array<i32>} : memref<16x16x16xf32, #tpu.memory_space<vmem>>, vector<16xf32>,
      %add3A_1957 = arith.addf %get3A_1950, %get3A_1956 : vector<16xf32>
      %get3A_1958 = arith.constant 10 : i32
      %get3A_1959 = arith.constant 13 : i32
      %get3A_1960 = arith.index_cast %get3A_1958 : i32 to index
      %get3A_1961 = arith.index_cast %get3A_1959 : i32 to index
      %get3A_1962 = arith.constant 0 : index
      %get3A_1963 = tpu.vector_load %arg12[%get3A_1960, %get3A_1961, %get3A_1962] {strides = array<i32>} : memref<16x16x16xf32, #tpu.memory_space<vmem>>, vector<16xf32>,
      %add3A_1964 = arith.addf %add3A_1957, %get3A_1963 : vector<16xf32>
      %get3A_1965 = arith.constant 11 : i32
      %get3A_1966 = arith.constant 13 : i32
      %get3A_1967 = arith.index_cast %get3A_1965 : i32 to index
      %get3A_1968 = arith.index_cast %get3A_1966 : i32 to index
      %get3A_1969 = arith.constant 0 : index
      %get3A_1970 = tpu.vector_load %arg12[%get3A_1967, %get3A_1968, %get3A_1969] {strides = array<i32>} : memref<16x16x16xf32, #tpu.memory_space<vmem>>, vector<16xf32>,
      %add3A_1971 = arith.addf %add3A_1964, %get3A_1970 : vector<16xf32>
      %get3A_1972 = arith.constant 12 : i32
      %get3A_1973 = arith.constant 13 : i32
      %get3A_1974 = arith.index_cast %get3A_1972 : i32 to index
      %get3A_1975 = arith.index_cast %get3A_1973 : i32 to index
      %get3A_1976 = arith.constant 0 : index
      %get3A_1977 = tpu.vector_load %arg12[%get3A_1974, %get3A_1975, %get3A_1976] {strides = array<i32>} : memref<16x16x16xf32, #tpu.memory_space<vmem>>, vector<16xf32>,
      %add3A_1978 = arith.addf %add3A_1971, %get3A_1977 : vector<16xf32>
      %get3A_1979 = arith.constant 13 : i32
      %get3A_1980 = arith.constant 13 : i32
      %get3A_1981 = arith.index_cast %get3A_1979 : i32 to index
      %get3A_1982 = arith.index_cast %get3A_1980 : i32 to index
      %get3A_1983 = arith.constant 0 : index
      %get3A_1984 = tpu.vector_load %arg12[%get3A_1981, %get3A_1982, %get3A_1983] {strides = array<i32>} : memref<16x16x16xf32, #tpu.memory_space<vmem>>, vector<16xf32>,
      %add3A_1985 = arith.addf %add3A_1978, %get3A_1984 : vector<16xf32>
      %get3A_1986 = arith.constant 14 : i32
      %get3A_1987 = arith.constant 13 : i32
      %get3A_1988 = arith.index_cast %get3A_1986 : i32 to index
      %get3A_1989 = arith.index_cast %get3A_1987 : i32 to index
      %get3A_1990 = arith.constant 0 : index
      %get3A_1991 = tpu.vector_load %arg12[%get3A_1988, %get3A_1989, %get3A_1990] {strides = array<i32>} : memref<16x16x16xf32, #tpu.memory_space<vmem>>, vector<16xf32>,
      %add3A_1992 = arith.addf %add3A_1985, %get3A_1991 : vector<16xf32>
      %get3A_1993 = arith.constant 15 : i32
      %get3A_1994 = arith.constant 13 : i32
      %get3A_1995 = arith.index_cast %get3A_1993 : i32 to index
      %get3A_1996 = arith.index_cast %get3A_1994 : i32 to index
      %get3A_1997 = arith.constant 0 : index
      %get3A_1998 = tpu.vector_load %arg12[%get3A_1995, %get3A_1996, %get3A_1997] {strides = array<i32>} : memref<16x16x16xf32, #tpu.memory_space<vmem>>, vector<16xf32>,
      %add3A_1999 = arith.addf %add3A_1992, %get3A_1998 : vector<16xf32>
      %reduce_sum3A_2000 = arith.constant true
      %reduce_sum3A_2001 = vector.broadcast %reduce_sum3A_2000 : i1 to vector<16xi1>
      %reduce_sum3A_2002 = tpu.scan <sum>, %add3A_1999 masked %reduce_sum3A_2001 : vector<16xf32>, vector<16xi1> -> vector<16xf32>
      %reduce_sum3A_2003 = vector.extract %reduce_sum3A_2002[15] : f32 from vector<16xf32>
      %get3A_2004 = arith.constant 8 : i32
      %get3A_2005 = arith.constant 14 : i32
      %get3A_2006 = arith.index_cast %get3A_2004 : i32 to index
      %get3A_2007 = arith.index_cast %get3A_2005 : i32 to index
      %get3A_2008 = arith.constant 0 : index
      %get3A_2009 = tpu.vector_load %arg12[%get3A_2006, %get3A_2007, %get3A_2008] {strides = array<i32>} : memref<16x16x16xf32, #tpu.memory_space<vmem>>, vector<16xf32>,
      %get3A_2010 = arith.constant 9 : i32
      %get3A_2011 = arith.constant 14 : i32
      %get3A_2012 = arith.index_cast %get3A_2010 : i32 to index
      %get3A_2013 = arith.index_cast %get3A_2011 : i32 to index
      %get3A_2014 = arith.constant 0 : index
      %get3A_2015 = tpu.vector_load %arg12[%get3A_2012, %get3A_2013, %get3A_2014] {strides = array<i32>} : memref<16x16x16xf32, #tpu.memory_space<vmem>>, vector<16xf32>,
      %add3A_2016 = arith.addf %get3A_2009, %get3A_2015 : vector<16xf32>
      %get3A_2017 = arith.constant 10 : i32
      %get3A_2018 = arith.constant 14 : i32
      %get3A_2019 = arith.index_cast %get3A_2017 : i32 to index
      %get3A_2020 = arith.index_cast %get3A_2018 : i32 to index
      %get3A_2021 = arith.constant 0 : index
      %get3A_2022 = tpu.vector_load %arg12[%get3A_2019, %get3A_2020, %get3A_2021] {strides = array<i32>} : memref<16x16x16xf32, #tpu.memory_space<vmem>>, vector<16xf32>,
      %add3A_2023 = arith.addf %add3A_2016, %get3A_2022 : vector<16xf32>
      %get3A_2024 = arith.constant 11 : i32
      %get3A_2025 = arith.constant 14 : i32
      %get3A_2026 = arith.index_cast %get3A_2024 : i32 to index
      %get3A_2027 = arith.index_cast %get3A_2025 : i32 to index
      %get3A_2028 = arith.constant 0 : index
      %get3A_2029 = tpu.vector_load %arg12[%get3A_2026, %get3A_2027, %get3A_2028] {strides = array<i32>} : memref<16x16x16xf32, #tpu.memory_space<vmem>>, vector<16xf32>,
      %add3A_2030 = arith.addf %add3A_2023, %get3A_2029 : vector<16xf32>
      %get3A_2031 = arith.constant 12 : i32
      %get3A_2032 = arith.constant 14 : i32
      %get3A_2033 = arith.index_cast %get3A_2031 : i32 to index
      %get3A_2034 = arith.index_cast %get3A_2032 : i32 to index
      %get3A_2035 = arith.constant 0 : index
      %get3A_2036 = tpu.vector_load %arg12[%get3A_2033, %get3A_2034, %get3A_2035] {strides = array<i32>} : memref<16x16x16xf32, #tpu.memory_space<vmem>>, vector<16xf32>,
      %add3A_2037 = arith.addf %add3A_2030, %get3A_2036 : vector<16xf32>
      %get3A_2038 = arith.constant 13 : i32
      %get3A_2039 = arith.constant 14 : i32
      %get3A_2040 = arith.index_cast %get3A_2038 : i32 to index
      %get3A_2041 = arith.index_cast %get3A_2039 : i32 to index
      %get3A_2042 = arith.constant 0 : index
      %get3A_2043 = tpu.vector_load %arg12[%get3A_2040, %get3A_2041, %get3A_2042] {strides = array<i32>} : memref<16x16x16xf32, #tpu.memory_space<vmem>>, vector<16xf32>,
      %add3A_2044 = arith.addf %add3A_2037, %get3A_2043 : vector<16xf32>
      %get3A_2045 = arith.constant 14 : i32
      %get3A_2046 = arith.constant 14 : i32
      %get3A_2047 = arith.index_cast %get3A_2045 : i32 to index
      %get3A_2048 = arith.index_cast %get3A_2046 : i32 to index
      %get3A_2049 = arith.constant 0 : index
      %get3A_2050 = tpu.vector_load %arg12[%get3A_2047, %get3A_2048, %get3A_2049] {strides = array<i32>} : memref<16x16x16xf32, #tpu.memory_space<vmem>>, vector<16xf32>,
      %add3A_2051 = arith.addf %add3A_2044, %get3A_2050 : vector<16xf32>
      %get3A_2052 = arith.constant 15 : i32
      %get3A_2053 = arith.constant 14 : i32
      %get3A_2054 = arith.index_cast %get3A_2052 : i32 to index
      %get3A_2055 = arith.index_cast %get3A_2053 : i32 to index
      %get3A_2056 = arith.constant 0 : index
      %get3A_2057 = tpu.vector_load %arg12[%get3A_2054, %get3A_2055, %get3A_2056] {strides = array<i32>} : memref<16x16x16xf32, #tpu.memory_space<vmem>>, vector<16xf32>,
      %add3A_2058 = arith.addf %add3A_2051, %get3A_2057 : vector<16xf32>
      %reduce_sum3A_2059 = arith.constant true
      %reduce_sum3A_2060 = vector.broadcast %reduce_sum3A_2059 : i1 to vector<16xi1>
      %reduce_sum3A_2061 = tpu.scan <sum>, %add3A_2058 masked %reduce_sum3A_2060 : vector<16xf32>, vector<16xi1> -> vector<16xf32>
      %reduce_sum3A_2062 = vector.extract %reduce_sum3A_2061[15] : f32 from vector<16xf32>
      %get3A_2063 = arith.constant 8 : i32
      %get3A_2064 = arith.constant 15 : i32
      %get3A_2065 = arith.index_cast %get3A_2063 : i32 to index
      %get3A_2066 = arith.index_cast %get3A_2064 : i32 to index
      %get3A_2067 = arith.constant 0 : index
      %get3A_2068 = tpu.vector_load %arg12[%get3A_2065, %get3A_2066, %get3A_2067] {strides = array<i32>} : memref<16x16x16xf32, #tpu.memory_space<vmem>>, vector<16xf32>,
      %get3A_2069 = arith.constant 9 : i32
      %get3A_2070 = arith.constant 15 : i32
      %get3A_2071 = arith.index_cast %get3A_2069 : i32 to index
      %get3A_2072 = arith.index_cast %get3A_2070 : i32 to index
      %get3A_2073 = arith.constant 0 : index
      %get3A_2074 = tpu.vector_load %arg12[%get3A_2071, %get3A_2072, %get3A_2073] {strides = array<i32>} : memref<16x16x16xf32, #tpu.memory_space<vmem>>, vector<16xf32>,
      %add3A_2075 = arith.addf %get3A_2068, %get3A_2074 : vector<16xf32>
      %get3A_2076 = arith.constant 10 : i32
      %get3A_2077 = arith.constant 15 : i32
      %get3A_2078 = arith.index_cast %get3A_2076 : i32 to index
      %get3A_2079 = arith.index_cast %get3A_2077 : i32 to index
      %get3A_2080 = arith.constant 0 : index
      %get3A_2081 = tpu.vector_load %arg12[%get3A_2078, %get3A_2079, %get3A_2080] {strides = array<i32>} : memref<16x16x16xf32, #tpu.memory_space<vmem>>, vector<16xf32>,
      %add3A_2082 = arith.addf %add3A_2075, %get3A_2081 : vector<16xf32>
      %get3A_2083 = arith.constant 11 : i32
      %get3A_2084 = arith.constant 15 : i32
      %get3A_2085 = arith.index_cast %get3A_2083 : i32 to index
      %get3A_2086 = arith.index_cast %get3A_2084 : i32 to index
      %get3A_2087 = arith.constant 0 : index
      %get3A_2088 = tpu.vector_load %arg12[%get3A_2085, %get3A_2086, %get3A_2087] {strides = array<i32>} : memref<16x16x16xf32, #tpu.memory_space<vmem>>, vector<16xf32>,
      %add3A_2089 = arith.addf %add3A_2082, %get3A_2088 : vector<16xf32>
      %get3A_2090 = arith.constant 12 : i32
      %get3A_2091 = arith.constant 15 : i32
      %get3A_2092 = arith.index_cast %get3A_2090 : i32 to index
      %get3A_2093 = arith.index_cast %get3A_2091 : i32 to index
      %get3A_2094 = arith.constant 0 : index
      %get3A_2095 = tpu.vector_load %arg12[%get3A_2092, %get3A_2093, %get3A_2094] {strides = array<i32>} : memref<16x16x16xf32, #tpu.memory_space<vmem>>, vector<16xf32>,
      %add3A_2096 = arith.addf %add3A_2089, %get3A_2095 : vector<16xf32>
      %get3A_2097 = arith.constant 13 : i32
      %get3A_2098 = arith.constant 15 : i32
      %get3A_2099 = arith.index_cast %get3A_2097 : i32 to index
      %get3A_2100 = arith.index_cast %get3A_2098 : i32 to index
      %get3A_2101 = arith.constant 0 : index
      %get3A_2102 = tpu.vector_load %arg12[%get3A_2099, %get3A_2100, %get3A_2101] {strides = array<i32>} : memref<16x16x16xf32, #tpu.memory_space<vmem>>, vector<16xf32>,
      %add3A_2103 = arith.addf %add3A_2096, %get3A_2102 : vector<16xf32>
      %get3A_2104 = arith.constant 14 : i32
      %get3A_2105 = arith.constant 15 : i32
      %get3A_2106 = arith.index_cast %get3A_2104 : i32 to index
      %get3A_2107 = arith.index_cast %get3A_2105 : i32 to index
      %get3A_2108 = arith.constant 0 : index
      %get3A_2109 = tpu.vector_load %arg12[%get3A_2106, %get3A_2107, %get3A_2108] {strides = array<i32>} : memref<16x16x16xf32, #tpu.memory_space<vmem>>, vector<16xf32>,
      %add3A_2110 = arith.addf %add3A_2103, %get3A_2109 : vector<16xf32>
      %get3A_2111 = arith.constant 15 : i32
      %get3A_2112 = arith.constant 15 : i32
      %get3A_2113 = arith.index_cast %get3A_2111 : i32 to index
      %get3A_2114 = arith.index_cast %get3A_2112 : i32 to index
      %get3A_2115 = arith.constant 0 : index
      %get3A_2116 = tpu.vector_load %arg12[%get3A_2113, %get3A_2114, %get3A_2115] {strides = array<i32>} : memref<16x16x16xf32, #tpu.memory_space<vmem>>, vector<16xf32>,
      %add3A_2117 = arith.addf %add3A_2110, %get3A_2116 : vector<16xf32>
      %reduce_sum3A_2118 = arith.constant true
      %reduce_sum3A_2119 = vector.broadcast %reduce_sum3A_2118 : i1 to vector<16xi1>
      %reduce_sum3A_2120 = tpu.scan <sum>, %add3A_2117 masked %reduce_sum3A_2119 : vector<16xf32>, vector<16xi1> -> vector<16xf32>
      %reduce_sum3A_2121 = vector.extract %reduce_sum3A_2120[15] : f32 from vector<16xf32>
      %mul3A_2122 = arith.mulf %reduce_sum3A_1236, %reduce_sum3A_1708 : f32
      %mul3A_2123 = arith.mulf %reduce_sum3A_1295, %reduce_sum3A_1767 : f32
      %add3A_2124 = arith.addf %mul3A_2122, %mul3A_2123 : f32
      %mul3A_2125 = arith.mulf %reduce_sum3A_1354, %reduce_sum3A_1826 : f32
      %add3A_2126 = arith.addf %add3A_2124, %mul3A_2125 : f32
      %mul3A_2127 = arith.mulf %reduce_sum3A_1413, %reduce_sum3A_1885 : f32
      %add3A_2128 = arith.addf %add3A_2126, %mul3A_2127 : f32
      %mul3A_2129 = arith.mulf %reduce_sum3A_1472, %reduce_sum3A_1944 : f32
      %add3A_2130 = arith.addf %add3A_2128, %mul3A_2129 : f32
      %mul3A_2131 = arith.mulf %reduce_sum3A_1531, %reduce_sum3A_2003 : f32
      %add3A_2132 = arith.addf %add3A_2130, %mul3A_2131 : f32
      %mul3A_2133 = arith.mulf %reduce_sum3A_1590, %reduce_sum3A_2062 : f32
      %add3A_2134 = arith.addf %add3A_2132, %mul3A_2133 : f32
      %mul3A_2135 = arith.mulf %reduce_sum3A_1649, %reduce_sum3A_2121 : f32
      %add3A_2136 = arith.addf %add3A_2134, %mul3A_2135 : f32
      %add3A_2137 = arith.addf %add3A_1177, %add3A_2136 : f32
      %eq3A_2138 = arith.constant 0 : i32
      %eq3A_2139 = vector.broadcast %eq3A_2138 : i32 to vector<16xi32>
      %eq3A_2140 = arith.cmpi eq, %iota3A, %eq3A_2139 : vector<16xi32>
      %mul3A_2141 = arith.constant 1.49011619E-11 : f32
      %mul3A_2142 = arith.mulf %add3A_2137, %mul3A_2141 : f32
      %broadcast_in_dim3A_2143 = vector.broadcast %mul3A_2142 : f32 to vector<16xf32>
      %select_n3A = arith.select %eq3A_2140, %broadcast_in_dim3A_2143, %broadcast_in_dim3A_145 : vector<16xi1>, vector<16xf32>
      %swap3A_2144 = arith.constant 0 : index
      %swap3A_2145 = tpu.vector_load %arg13[%swap3A_2144] {strides = array<i32>} : memref<16xf32, #tpu.memory_space<vmem>>, vector<16xf32>,
      tpu.vector_store %arg13[%swap3A_2144], %select_n3A {strides = array<i32>} : memref<16xf32, #tpu.memory_space<vmem>>, vector<16xf32>,
      %mul3A_2146 = arith.constant 16 : i32
      %mul3A_2147 = arith.muli %arg0, %mul3A_2146 : i32
      "tpu.region"() ({
        %run_scoped3A_2148 = tpu.sem_alloc : memref<!tpu.dma_semaphore, #tpu.memory_space<semaphore_mem>>
        %dma_start3A_2149 = tpu.memref_slice %arg5[%mul3A_2147] : memref<32xf32, #tpu.memory_space<hbm>> -> memref<16xf32, #tpu.memory_space<hbm>>
        %dma_start3A_2150 = tpu.memref_slice %arg5[%mul3A_2147] : memref<32xf32, #tpu.memory_space<hbm>> -> memref<16xf32, #tpu.memory_space<hbm>>
        tpu.enqueue_dma source(%arg13 : memref<16xf32, #tpu.memory_space<vmem>>) target(%dma_start3A_2150 : memref<16xf32, #tpu.memory_space<hbm>>) target_semaphore(%run_scoped3A_2148 : memref<!tpu.dma_semaphore, #tpu.memory_space<semaphore_mem>>)
        %dma_wait3A_2151 = tpu.memref_slice %arg5[%mul3A_2147] : memref<32xf32, #tpu.memory_space<hbm>> -> memref<16xf32, #tpu.memory_space<hbm>>
        %dma_wait3A_2152 = tpu.memref_slice %arg5[%mul3A_2147] : memref<32xf32, #tpu.memory_space<hbm>> -> memref<16xf32, #tpu.memory_space<hbm>>
        tpu.wait_dma2 semaphore(%run_scoped3A_2148 : memref<!tpu.dma_semaphore, #tpu.memory_space<semaphore_mem>>) src(%arg13 : memref<16xf32, #tpu.memory_space<vmem>>) dst(%dma_wait3A_2152 : memref<16xf32, #tpu.memory_space<hbm>>)
        tpu.yield
      }) : () -> ()
    } else {
    }
    return
  }
}

module attributes {stable_mosaic.version = 14 : i64} {
  func.func @_scores_body(%arg0: i32, %arg1: memref<2048x768xf32, #tpu.memory_space<vmem>>, %arg2: memref<8x768xf32, #tpu.memory_space<vmem>>, %arg3: memref<8x2048xf32, #tpu.memory_space<vmem>>) attributes {dimension_semantics = [#tpu.dimension_semantics<arbitrary>], iteration_bounds = array<i64: 16>, scalar_prefetch = 0 : i64, scratch_operands = 0 : i64, tpu.core_type = #tpu.core_type<tc>, window_params = [{transform_indices = @transform_0, window_bounds = array<i64: 2048, 768>}, {pipeline_mode = #tpu.pipeline_mode<synchronous>, transform_indices = @transform_1, window_bounds = array<i64: 8, 768>}, {transform_indices = @transform_2, window_bounds = array<i64: 8, 2048>}]} {
    %get3A = arith.constant 0 : index
    %get3A_0 = arith.constant 0 : index
    %get3A_1 = vector.load %arg1[%get3A, %get3A_0] : memref<2048x768xf32, #tpu.memory_space<vmem>>, vector<2048x768xf32>
    %get3A_2 = arith.constant 0 : index
    %get3A_3 = arith.constant 0 : index
    %get3A_4 = vector.load %arg2[%get3A_2, %get3A_3] : memref<8x768xf32, #tpu.memory_space<vmem>>, vector<8x768xf32>
    %dot_general3A = arith.constant dense<0.000000e+00> : vector<8x2048xf32>
    %dot_general3A_5 = tpu.matmul %get3A_4, %get3A_1, %dot_general3A {dimension_numbers = #tpu.dot_dimension_numbers<[1], [1], [0], [0], [0, 0, 1, 0], [], []>, transpose_lhs_hint = false} : vector<8x768xf32>, vector<2048x768xf32>, vector<8x2048xf32> -> vector<8x2048xf32>
    %reduce_max3A = arith.constant dense<0xFF800000> : vector<2048xf32>
    %reduce_max3A_6 = vector.multi_reduction <maximumf>, %dot_general3A_5, %reduce_max3A [0] : vector<8x2048xf32> to vector<2048xf32>
    %broadcast_in_dim3A = vector.shape_cast %reduce_max3A_6 : vector<2048xf32> to vector<1x2048xf32>
    %sub3A = vector.broadcast %broadcast_in_dim3A : vector<1x2048xf32> to vector<8x2048xf32>
    %sub3A_7 = arith.subf %dot_general3A_5, %sub3A : vector<8x2048xf32>
    %exp3A = math.exp %sub3A_7 : vector<8x2048xf32>
    %reduce_sum3A = arith.constant dense<0.000000e+00> : vector<2048xf32>
    %reduce_sum3A_8 = vector.multi_reduction <add>, %exp3A, %reduce_sum3A [0] : vector<8x2048xf32> to vector<2048xf32>
    %broadcast_in_dim3A_9 = vector.shape_cast %reduce_sum3A_8 : vector<2048xf32> to vector<1x2048xf32>
    %div3A = vector.broadcast %broadcast_in_dim3A_9 : vector<1x2048xf32> to vector<8x2048xf32>
    %div3A_10 = arith.divf %exp3A, %div3A : vector<8x2048xf32>
    %swap3A = arith.constant 0 : index
    %swap3A_11 = arith.constant 0 : index
    %swap3A_12 = vector.load %arg3[%swap3A, %swap3A_11] : memref<8x2048xf32, #tpu.memory_space<vmem>>, vector<8x2048xf32>
    tpu.vector_store %arg3[%swap3A, %swap3A_11], %div3A_10 {strides = array<i32>} : memref<8x2048xf32, #tpu.memory_space<vmem>>, vector<8x2048xf32>,
    return
  }
  func.func @transform_0(%arg0: i32) -> (i32, i32) {
    %c0_i32 = arith.constant 0 : i32
    %c0_i32_0 = arith.constant 0 : i32
    return %arg0, %c0_i32 : i32, i32
  }
  func.func @transform_1(%arg0: i32) -> (i32, i32) {
    %c0_i32 = arith.constant 0 : i32
    %c0_i32_0 = arith.constant 0 : i32
    %c0_i32_1 = arith.constant 0 : i32
    return %c0_i32, %c0_i32_0 : i32, i32
  }
  func.func @transform_2(%arg0: i32) -> (i32, i32) {
    %c0_i32 = arith.constant 0 : i32
    %c0_i32_0 = arith.constant 0 : i32
    return %c0_i32, %arg0 : i32, i32
  }
}

module attributes {stable_mosaic.version = 14 : i64} {
  func.func @_format_body(%arg0: i32, %arg1: memref<2x8192xi32, #tpu.memory_space<vmem>>, %arg2: memref<2x8192xf32, #tpu.memory_space<vmem>>, %arg3: memref<1x32xf32, #tpu.memory_space<vmem>>, %arg4: memref<8192x2xi32, #tpu.memory_space<vmem>>, %arg5: memref<8192x2xf32, #tpu.memory_space<vmem>>, %arg6: memref<1x1xf32, #tpu.memory_space<vmem>>) attributes {dimension_semantics = [#tpu.dimension_semantics<arbitrary>], iteration_bounds = array<i64: 4>, scalar_prefetch = 0 : i64, scratch_operands = 0 : i64, tpu.core_type = #tpu.core_type<tc>, window_params = [{transform_indices = @transform_0, window_bounds = array<i64: 2, 8192>}, {transform_indices = @transform_1, window_bounds = array<i64: 2, 8192>}, {pipeline_mode = #tpu.pipeline_mode<synchronous>, transform_indices = @transform_2, window_bounds = array<i64: 1, 32>}, {transform_indices = @transform_3, window_bounds = array<i64: 8192, 2>}, {transform_indices = @transform_4, window_bounds = array<i64: 8192, 2>}, {pipeline_mode = #tpu.pipeline_mode<synchronous>, transform_indices = @transform_5, window_bounds = array<i64: 1, 1>}]} {
    %get3A = arith.constant 0 : index
    %get3A_0 = arith.constant 0 : index
    %get3A_1 = vector.load %arg1[%get3A, %get3A_0] : memref<2x8192xi32, #tpu.memory_space<vmem>>, vector<2x8192xi32>
    %transpose3A = tpu.transpose %get3A_1, [1, 0] : vector<2x8192xi32> -> vector<8192x2xi32>
    %swap3A = arith.constant 0 : index
    %swap3A_2 = arith.constant 0 : index
    %swap3A_3 = vector.load %arg4[%swap3A, %swap3A_2] : memref<8192x2xi32, #tpu.memory_space<vmem>>, vector<8192x2xi32>
    tpu.vector_store %arg4[%swap3A, %swap3A_2], %transpose3A {strides = array<i32>} : memref<8192x2xi32, #tpu.memory_space<vmem>>, vector<8192x2xi32>,
    %get3A_4 = arith.constant 0 : index
    %get3A_5 = arith.constant 0 : index
    %get3A_6 = vector.load %arg2[%get3A_4, %get3A_5] : memref<2x8192xf32, #tpu.memory_space<vmem>>, vector<2x8192xf32>
    %transpose3A_7 = tpu.transpose %get3A_6, [1, 0] : vector<2x8192xf32> -> vector<8192x2xf32>
    %swap3A_8 = arith.constant 0 : index
    %swap3A_9 = arith.constant 0 : index
    %swap3A_10 = vector.load %arg5[%swap3A_8, %swap3A_9] : memref<8192x2xf32, #tpu.memory_space<vmem>>, vector<8192x2xf32>
    tpu.vector_store %arg5[%swap3A_8, %swap3A_9], %transpose3A_7 {strides = array<i32>} : memref<8192x2xf32, #tpu.memory_space<vmem>>, vector<8192x2xf32>,
    %eq3A = arith.constant 0 : i32
    %eq3A_11 = arith.cmpi eq, %arg0, %eq3A : i32
    %convert_element_type3A = arith.extui %eq3A_11 : i1 to i32
    %cond3A = arith.constant 0 : i32
    %cond3A_12 = arith.cmpi ne, %convert_element_type3A, %cond3A : i32
    scf.if %cond3A_12 {
      %get3A_13 = arith.constant 0 : index
      %get3A_14 = arith.constant 0 : index
      %get3A_15 = vector.load %arg3[%get3A_13, %get3A_14] : memref<1x32xf32, #tpu.memory_space<vmem>>, vector<1x32xf32>
      %reduce_sum3A = arith.constant dense<0.000000e+00> : vector<1xf32>
      %reduce_sum3A_16 = vector.multi_reduction <add>, %get3A_15, %reduce_sum3A [1] : vector<1x32xf32> to vector<1xf32>
      %broadcast_in_dim3A = vector.shape_cast %reduce_sum3A_16 : vector<1xf32> to vector<1x1xf32>
      %swap3A_17 = arith.constant 0 : index
      %swap3A_18 = arith.constant 0 : index
      %swap3A_19 = vector.load %arg6[%swap3A_17, %swap3A_18] : memref<1x1xf32, #tpu.memory_space<vmem>>, vector<1x1xf32>
      tpu.vector_store %arg6[%swap3A_17, %swap3A_18], %broadcast_in_dim3A {strides = array<i32>} : memref<1x1xf32, #tpu.memory_space<vmem>>, vector<1x1xf32>,
    } else {
    }
    return
  }
  func.func @transform_0(%arg0: i32) -> (i32, i32) {
    %c0_i32 = arith.constant 0 : i32
    %c0_i32_0 = arith.constant 0 : i32
    return %c0_i32, %arg0 : i32, i32
  }
  func.func @transform_1(%arg0: i32) -> (i32, i32) {
    %c0_i32 = arith.constant 0 : i32
    %c0_i32_0 = arith.constant 0 : i32
    return %c0_i32, %arg0 : i32, i32
  }
  func.func @transform_2(%arg0: i32) -> (i32, i32) {
    %c0_i32 = arith.constant 0 : i32
    %c0_i32_0 = arith.constant 0 : i32
    %c0_i32_1 = arith.constant 0 : i32
    return %c0_i32, %c0_i32_0 : i32, i32
  }
  func.func @transform_3(%arg0: i32) -> (i32, i32) {
    %c0_i32 = arith.constant 0 : i32
    %c0_i32_0 = arith.constant 0 : i32
    return %arg0, %c0_i32 : i32, i32
  }
  func.func @transform_4(%arg0: i32) -> (i32, i32) {
    %c0_i32 = arith.constant 0 : i32
    %c0_i32_0 = arith.constant 0 : i32
    return %arg0, %c0_i32 : i32, i32
  }
  func.func @transform_5(%arg0: i32) -> (i32, i32) {
    %c0_i32 = arith.constant 0 : i32
    %c0_i32_0 = arith.constant 0 : i32
    %c0_i32_1 = arith.constant 0 : i32
    return %c0_i32, %c0_i32_0 : i32, i32
  }
}

</mosaic_0001>

<sc_bundles>
// kernel: kernel.5.cloned.1.call-start
scs
__scs_entry_jumppad:
0x0: {  	(pc) =	sbr.rel $0x88, $3  }
0x1: {  	(tag) =	ssettag $0x0;
	lr =	simm.s32 $0x1  }
0x2: {  	[smem:$0x3F9F] =	sst lr;
	_ =	strace $0xD0000000  }
0x3: {  	_ = 	snop  }
0x4: {  	_ = 	snop  }
0x5: {  	_ = 	snop  }
0x6: {  	_ = 	snop  }
0x7: {  	_ = 	snop  }
__scs_overlays_trampoline_lowered:
0x8: {  	[smem:$0x3FAE] =	sst s0  }
0x9: {  	[smem:$0x3FAF] =	sst s1  }
0xa: {  	[smem:$0x3FB0] =	sst s2  }
0xb: {  	[smem:$0x3FB1] =	sst s3  }
0xc: {  	[smem:$0x3FB2] =	sst s4  }
0xd: {  	[smem:$0x3FB3] =	sst s5  }
0xe: {  	[smem:$0x3FB4] =	sst s6  }
0xf: {  	[smem:$0x3FB5] =	sst s7  }
0x10: {  	[smem:$0x3FB6] =	sst s8  }
0x11: {  	[smem:$0x3FB7] =	sst s9;
	s0 =	simm.s32 @!p0 $0x0  }
0x12: {  	s1 =	sld [smem:$0x3F9D];
	s0 =	simm.s32 @p0 $0x1  }
0x13: {  	[smem:$0x3FB8] =	sst s0;
	s0 =	simm.s32 @!p1 $0x0  }
0x14: {  	s2 =	sld [smem:$0x3F9C];
	s0 =	simm.s32 @p1 $0x1  }
0x15: {  	[smem:$0x3FB9] =	sst s0;
	s0 =	simm.s32 @!p2 $0x0  }
0x16: {  	s3 =	sld [smem:$0x3FDB];
	s0 =	simm.s32 @p2 $0x1  }
0x17: {  	s4 =	simm.s32 $0x1BF5;
	[smem:$0x3FBB] =	sst s0  }
0x18: {  	s0 =	sld [smem:$0x3F9E];
	_ =	swait.ge [sflag:s4], $0x0  }
0x19: {  	s7 =	sld [smem:$0x3F9F]  }
0x1a: {  	s8 =	sadd.s32 $0xFFFFE003, lr  }
0x1b: {  	s9 =	sadd.s32 $0xFFFFFEF7, lr;
	s5 =	simm.s32 $0xFFFFFFFF;
	p2 =	slt.u32 s8, $0xFFFFF086  }
0x1c: {  	p1 =	slt.u32 s9, $0xF7A;
	s5 =	simm.s32 @!p2 $0x0  }
0x1d: {  	s5 =	simm.s32 @p1 $0x1;
	p0 =	seq.s32 s7, s2  }
0x1e: {  	s7 =	smul.u32 @!p0 $0xF7A, s2;
	p2 =	seq.s32 @!p0 s5, $0x0  }
0x1f: {  	s9 =	smul.u32 $0xF7A, s1;
	s8 =	simm.s32 @!p0 $0x1BF5;
	p2 =	por !p2, p0  }
0x20: {  	[sflag:s8] =	ssyncset.s32 @!p0 $0xFFFFF086;
	s6 =	sadd.s32 @!p0 s3, s7;
	s7 =	simm.s32 @!p0 $0x108  }
0x21: {  	s3 =	sadd.s32 s3, s9;
	s6 =	sadd.s32 @!p0 $0x88, s6;
	s7 =	simm.s32 @p2 $0x1082  }
0x22: {  	[simem:s7], [sflag:s8] =	dma.local @!p0 [hbm:s6], $0xF7A  }
0x23: {  	s9 =	sor.u32 $0xD0000000, s2;
	s6 =	simm.s32 $0x108;
	_ =	swait.ge @!p0 [sflag:s8], $0x0  }
0x24: {  	s3 =	sadd.s32 $0x88, s3;
	s6 =	simm.s32 @!p1 $0x1082;
	[sflag:s4] =	ssyncset.s32 $0xFFFFF086  }
0x25: {  	[simem:s6], [sflag:s4] =	dma.local [hbm:s3], $0xF7A  }
0x26: {  	[smem:$0x3F9F] =	sst s1;
	(tag) =	ssettag s2;
	_ =	strace s9  }
0x27: {  	s1 =	sld [smem:$0x3FAF]  }
0x28: {  	s2 =	sld [smem:$0x3FB0]  }
0x29: {  	s4 =	sld [smem:$0x3FB2]  }
0x2a: {  	p0 =	seq.s32 s5, $0x0;
	s5 =	sld [smem:$0x3FB3]  }
0x2b: {  	s6 =	sld [smem:$0x3FB4]  }
0x2c: {  	s7 =	sld [smem:$0x3FB5]  }
0x2d: {  	s3 =	simm.s32 $0x108;
	s8 =	sld [smem:$0x3FB6]  }
0x2e: {  	s3 =	simm.s32 @!p0 $0x1082;
	s9 =	sld [smem:$0x3FB7]  }
0x2f: {  	lr =	sadd.s32 s0, s3;
	s0 =	sld [smem:$0x3FAE]  }
0x30: {  	s3 =	sld [smem:$0x3FB1]  }
0x31: {  	[smem:$0x3FBA] =	sst s10  }
0x32: {  	s10 =	sld [smem:$0x3FB8];
	_ =	sdelay $0x3  }
0x33: {  	p0 =	seq.s32 s10, $0x1;
	s10 =	sld [smem:$0x3FBA];
	_ =	sdelay $0x3  }
0x34: {  	[smem:$0x3FBA] =	sst s10  }
0x35: {  	s10 =	sld [smem:$0x3FB9];
	_ =	sdelay $0x3  }
0x36: {  	p1 =	seq.s32 s10, $0x1;
	s10 =	sld [smem:$0x3FBA];
	_ =	sdelay $0x3  }
0x37: {  	[smem:$0x3FBA] =	sst s10  }
0x38: {  	s10 =	sld [smem:$0x3FBB]  }
0x39: {  	_ = 	snop;
	(pc) =	sbr.ind lr, $3  }
0x3a: {  	_ = 	snop  }
0x3b: {  	_ = 	snop  }
0x3c: {  	p2 =	seq.s32 s10, $0x1;
	s10 =	sld [smem:$0x3FBA]  }
0x3d: {  	_ =	shalt  }
0x3e: {  	_ =	shalt  }
0x3f: {  	_ =	shalt  }
0x40: {  	_ =	shalt  }
0x41: {  	_ =	shalt  }
0x42: {  	_ =	shalt  }
0x43: {  	_ =	shalt  }
0x44: {  	_ =	shalt  }
0x45: {  	_ =	shalt  }
0x46: {  	_ =	shalt  }
0x47: {  	_ =	shalt  }
0x48: {  	_ =	shalt  }
0x49: {  	_ =	shalt  }
0x4a: {  	_ =	shalt  }
0x4b: {  	_ =	shalt  }
0x4c: {  	_ =	shalt  }
0x4d: {  	_ =	shalt  }
0x4e: {  	_ =	shalt  }
0x4f: {  	_ =	shalt  }
0x50: {  	_ =	shalt  }
0x51: {  	_ =	shalt  }
0x52: {  	_ =	shalt  }
0x53: {  	_ =	shalt  }
0x54: {  	_ =	shalt  }
0x55: {  	_ =	shalt  }
0x56: {  	_ =	shalt  }
0x57: {  	_ =	shalt  }
0x58: {  	_ =	shalt  }
0x59: {  	_ =	shalt  }
0x5a: {  	_ =	shalt  }
0x5b: {  	_ =	shalt  }
0x5c: {  	_ =	shalt  }
0x5d: {  	_ =	shalt  }
0x5e: {  	_ =	shalt  }
0x5f: {  	_ =	shalt  }
0x60: {  	_ =	shalt  }
0x61: {  	_ =	shalt  }
0x62: {  	_ =	shalt  }
0x63: {  	_ =	shalt  }
0x64: {  	_ =	shalt  }
0x65: {  	_ =	shalt  }
0x66: {  	_ =	shalt  }
0x67: {  	_ =	shalt  }
0x68: {  	_ =	shalt  }
0x69: {  	_ =	shalt  }
0x6a: {  	_ =	shalt  }
0x6b: {  	_ =	shalt  }
0x6c: {  	_ =	shalt  }
0x6d: {  	_ =	shalt  }
0x6e: {  	_ =	shalt  }
0x6f: {  	_ =	shalt  }
0x70: {  	_ =	shalt  }
0x71: {  	_ =	shalt  }
0x72: {  	_ =	shalt  }
0x73: {  	_ =	shalt  }
0x74: {  	_ =	shalt  }
0x75: {  	_ =	shalt  }
0x76: {  	_ =	shalt  }
0x77: {  	_ =	shalt  }
0x78: {  	_ =	shalt  }
0x79: {  	_ =	shalt  }
0x7a: {  	_ =	shalt  }
0x7b: {  	_ =	shalt  }
0x7c: {  	_ =	shalt  }
0x7d: {  	_ =	shalt  }
0x7e: {  	_ =	shalt  }
0x7f: {  	_ =	shalt  }
0x80: {  	_ =	shalt  }
0x81: {  	_ =	shalt  }
0x82: {  	_ =	shalt  }
0x83: {  	_ =	shalt  }
0x84: {  	_ =	shalt  }
0x85: {  	_ =	shalt  }
0x86: {  	_ =	shalt  }
0x87: {  	_ =	shalt  }
.Lfunc_end0:
.L_simem_size_0:
called_computation_lowered:
.L_overlay_start_0:
0x88: {  	s2 =	sld [smem:$0x3FD9]  }
0x89: {  	s3 =	sld [smem:$0x3FFE];
	_ =	sdelay $0x1  }
0x8a: {  	s1 =	srdreg.scid  }
0x8b: {  	s0 =	sand.u32 $0x1, s1  }
0x8c: {  	s14 =	sshll.u32 s0, $0xA;
	s2 =	sadd.s32 s3, s2  }
0x8d: {  	s2 =	sadd.s32 s2, s14  }
0x8e: {  	[smem:$0x3FC6] =	sst s2  }
0x8f: {  	_ = 	snop  }
0x90: {  	s2 =	sld [smem:$0x3FD0];
	_ =	sdelay $0x2  }
0x91: {  	s15 =	simm.s32 $0xA;
	s4 =	simm.s32 $0x10  }
0x92: {  	[smem:s4], [sflag:s15] =	dma.local [hbm:s2], $0x1  }
0x93: {  	_ =	swait.eq [sflag:s15], $0x1  }
0x94: {  	s16 =	sld [smem:$0x10];
	[sflag:s15] =	ssyncset.done $0x0  }
0x95: {  	s17 =	sld [smem:$0x11];
	[sflag:s15] =	ssyncadd.s32 $0xFFFFFFFF  }
0x96: {  	s18 =	sld [smem:$0x12];
	(tm) =	ssettm $0x1  }
0x97: {  	s5 =	sld [smem:$0x3FFB];
	_ =	sdelay $0x3  }
0x98: {  	_ =	strace s5  }
0x99: {  	s5 =	sld [smem:$0x3FFC];
	_ =	sdelay $0x3  }
0x9a: {  	_ =	strace s5  }
0x9b: {  	s5 =	sld [smem:$0x3FFD];
	_ =	sdelay $0x3  }
0x9c: {  	_ =	strace s5  }
0x9d: {  	_ =	strace $0x8FFFFFFF  }
0x9e: {  	s19 =	sld [smem:$0x3FDB];
	_ =	sdelay $0x1  }
0x9f: {  	s6 =	simm.s32 $_scs_section_size  }
0xa0: {  	s7 =	simm.s32 $_size__tile_overlayer_lowered;
	s8 =	simm.s32 $_tile_overlayer_lowered  }
0xa1: {  	s22 =	simm.s32 $0x1BFF;
	s21 =	sshll.u32 s8, $0x1;
	s5 =	sadd.s32 s6, s19  }
0xa2: {  	s9 =	simm.s32 $0x0;
	s20 =	sshll.u32 s7, $0x1;
	s7 =	sadd.s32 s21, s5  }
0xa3: {  	[timem:s9], [sflag:s22] =	dma.local [hbm:s7], s20  }
0xa4: {  	_ =	swait.ge [sflag:s22], s20  }
0xa5: {  	s6 =	ssub.s32 $0x0, s20;
	[sflag:s22] =	ssyncset.done $0x0  }
0xa6: {  	[sflag:s22] =	ssyncadd.s32 s6;
	_ =	sdelay $0x1  }
0xa7: {  	s23 =	simm.s32 $0x1B8B  }
0xa8: {  	_ =	swait.ge [sflag:s23], $0x1  }
0xa9: {  	[sflag:s23] =	ssyncset.done $0x0  }
0xaa: {  	s25 =	simm.s32 $0x1B8E;
	s24 =	sld [smem:$0x3FFE];
	[sflag:s23] =	ssyncadd.s32 $0xFFFFFFFF  }
0xab: {  	s26 =	simm.s32 $execute0_lowered;
	[smem:$0x3FD2] =	sst s25  }
0xac: {  	s7 =	sshll.u32 s26, $0x1;
	_ =	strace $0x80000046;
	[dreg:$0x1] =	wrdreg $0xFFFFFFFF  }
0xad: {  	s28 =	simm.s32 $_size_execute0_lowered;
	s5 =	sadd.s32 s5, s7;
	[dreg:$0x0] =	wrdreg $0x0  }
0xae: {  	s7 =	sshll.u32 s28, $0x1;
	[dreg:$0x2] =	wrdreg s5  }
0xaf: {  	[dreg:$0x3] =	wrdreg s7  }
0xb0: {  	[dreg:$0x4] =	wrdreg $0xC0  }
0xb1: {  	_ =	task [dreg:s9], $0x5FFFF  }
0xb2: {  	[dreg:$0x1] =	wrdreg $0xFFFFFFFF  }
0xb3: {  	[dreg:$0x0] =	wrdreg $0x60  }
0xb4: {  	[dreg:$0x2] =	wrdreg s24  }
0xb5: {  	[dreg:$0x3] =	wrdreg s17  }
0xb6: {  	[dreg:$0x4] =	wrdreg s16  }
0xb7: {  	[dreg:$0x5] =	wrdreg s18  }
0xb8: {  	[dreg:$0x6] =	wrdreg $0xB8800  }
0xb9: {  	[dreg:$0x7] =	wrdreg $0x9  }
0xba: {  	_ =	task.clear_ibuf [dreg:s9], $0x8FFFF;
	_ =	strace $0x90000046  }
0xbb: {  	s29 =	simm.s32 $0x9;
	_ =	strace $0x80000048  }
0xbc: {  	_ =	swait.ge [sflag:s29], $0x1  }
0xbd: {  	[sflag:s29] =	ssyncadd.s32 $0xFFFFFFFF  }
0xbe: {  	_ =	strace $0x90000048  }
0xbf: {  	_ =	sfence  }
0xc0: {  	s30 =	sld [smem:$0x0];
	_ =	sdelay $0x2  }
0xc1: {  	s31 =	sshll.u32 s1, $0xD;
	s1 =	sshrl.u32 s1, $0x2  }
0xc2: {  	s3 =	sand.u32 $0x4000, s31;
	s1 =	sadd.s32 s1, s30  }
0xc3: {  	s0 =	sor.u32 s3, s0;
	s1 =	sshll.u32 s1, $0x11  }
0xc4: {  	s0 =	sor.u32 s1, s0  }
0xc5: {  	s0 =	sadd.s32 $0x8F2B, s0  }
0xc6: {  	[sflag:s0] =	ssyncadd.remote.s32 $0x1  }
0xc7: {  	_ =	sfence.sel $0xFFFF  }
0xc8: {  	[dreg:$0x0] =	wrdreg $0xFFFFFFFF;
	(pc) =	sbr.abs _section_cstart, $3  }
0xc9: {  	[dreg:$0x1] =	wrdreg $0xFFFFFFFF  }
0xca: {  	_ =	task.clear_ibuf [dreg:s9], $0x2FFFF;
	_ =	strace $0x9FFFFFFF  }
0xcb: {  	(tm) =	ssettm $0x7FFFFFFF  }
tec
execute0_lowered:
.L_overlay_start_1:
0x0: {  	(tag) =	ssettag $0x1  }
0x1: {  	s0 =	rddreg [dreg:$0x0]  }
0x2: {  	s1 =	rddreg [dreg:$0x1]  }
0x3: {  	s3 =	rddreg [dreg:$0x2]  }
0x4: {  	s16 =	rddreg [dreg:$0x3]  }
0x5: {  	s2 =	srdreg.scid;
	s7 =	rddreg [dreg:$0x4]  }
0x6: {  	s20 =	stileid.u32;
	s28 =	simm.s32 $0xC00;
	s29 =	simm.s32 $0x1000  }
0x7: {  	s30 =	simm.s32 $0x1400;
	s31 =	simm.s32 $0x1800;
	s14 =	sand.u32 $0x1, s2  }
0x8: {  	s2 =	simm.s32 $0x0;
	s25 =	sshll.u32 s20, $0xB;
	p0 =	sne.s32 s20, $0x0  }
0x9: {  	s4 =	sshll.u32 s14, $0x4;
	s23 =	ssub.s32 $0x2, s14;
	[smem:$0x7FF] =	sst s2  }
0xa: {  	s26 =	sshll.u32 s14, $0x1;
	s7 =	sadd.s32 s25, s7;
	s14 =	simm.s32 $0x400  }
0xb: {  	s8 =	sor.u32 s20, s4;
	s6 =	sshrl.u32 s23, $0x1;
	_ =	strace $0x80000047  }
0xc: {  	s20 =	simm.s32 $0x1C00;
	[dreg:$0x7] =	wrdreg s7;
	s5 =	sshll.u32 s8, $0xA  }
0xd: {  	s17 =	ssub.s32 s23, s6;
	s13 =	sshll.u32 s8, $0x8;
	s0 =	sadd.s32 s5, s0  }
0xe: {  	s15 =	sor.u32 $0x10, s13;
	s19 =	sadd.s32 s1, s13;
	s24 =	sadd.s32 s3, s13  }
0xf: {  	s13 =	simm.s32 $0x0;
	s4 =	sadd.s32 $0x1400, s0;
	s5 =	sadd.s32 $0x1410, s0  }
0x10: {  	s6 =	sadd.s32 $0x1420, s0;
	s9 =	sadd.s32 $0x1430, s0;
	s10 =	sadd.s32 $0x1440, s0  }
.Ltmp0:
0x11: {  	s8 =	sadd.s32 $0x1450, s0;
	s11 =	sadd.s32 $0x1460, s0;
	(pc) =	sbr.rel .LBB2_1-.Ltmp0, $4  }
0x12: {  	s18 =	sadd.s32 s1, s15;
	[dreg:$0xa] =	wrdreg s24;
	s1 =	sadd.s32 s16, s26  }
0x13: {  	s12 =	sadd.s32 $0x1470, s0;
	s15 =	sadd.s32 s3, s15;
	[dreg:$0x8] =	wrdreg s1  }
0x14: {  	s0 =	simm.s32 $0x80;
	s26 =	simm.s32 $0x1;
	[dreg:$0x6] =	wrdreg s4  }
0x15: {  	v0 =	vimm.s32 $0x0;
	v1 =	vimm.f32 $0.0e+00;
	v2 =	vimm.f32 $1.000000000e+00;
	s1 =	smax.u32 s17, $0x1;
	s17 =	simm.s32 $0x800;
	[dreg:$0x9] =	wrdreg s5  }
.LBB2_5:
0x16: {  	s13 =	sadd.s32 $0x1, s13  }
0x17: {  	p1 =	sne.s32 s13, s1  }
.Ltmp1:
0x18: {  	_ = 	snop;
	(pc) =	sbr.rel @!p1 .LBB2_6-.Ltmp1, $1  }
0x19: {  	_ =	sdelay $0x3  }
.LBB2_1:
0x1a: {  	[tilespmem:s2], [sflag:$0x1] =	stream.strided.gather [hbm4b:s4+s0], $0x400, s14, s0, $0x38;
	[tilespmem:$0xB980] =	vst v63  }
0x1b: {  	_ = 	snop  }
0x1c: {  	[tilespmem:s14], [sflag:$0x1] =	stream.strided.gather [hbm4b:s5+s0], $0x400, s14, s0, $0x38;
	[tilespmem:$0xB980] =	vst v63  }
0x1d: {  	_ = 	snop  }
0x1e: {  	[tilespmem:s17], [sflag:$0x1] =	stream.strided.gather [hbm4b:s6+s0], $0x400, s14, s0, $0x38;
	[tilespmem:$0xB980] =	vst v63  }
0x1f: {  	_ = 	snop  }
0x20: {  	[tilespmem:s28], [sflag:$0x1] =	stream.strided.gather [hbm4b:s9+s0], $0x400, s14, s0, $0x38;
	[tilespmem:$0xB980] =	vst v63  }
0x21: {  	_ = 	snop  }
0x22: {  	[tilespmem:s29], [sflag:$0x1] =	stream.strided.gather [hbm4b:s10+s0], $0x400, s14, s0, $0x38;
	[tilespmem:$0xB980] =	vst v63  }
0x23: {  	_ = 	snop  }
0x24: {  	[tilespmem:s30], [sflag:$0x1] =	stream.strided.gather [hbm4b:s8+s0], $0x400, s14, s0, $0x38;
	[tilespmem:$0xB980] =	vst v63  }
0x25: {  	_ = 	snop  }
0x26: {  	[tilespmem:s31], [sflag:$0x1] =	stream.strided.gather [hbm4b:s11+s0], $0x400, s14, s0, $0x38;
	[tilespmem:$0xB980] =	vst v63  }
0x27: {  	_ = 	snop  }
0x28: {  	[tilespmem:s20], [sflag:$0x1] =	stream.strided.gather [hbm4b:s12+s0], $0x400, s14, s0, $0x38;
	[tilespmem:$0xB980] =	vst v63  }
0x29: {  	_ =	swait.ge [sflag:s26], $0x400  }
0x2a: {  	[sflag:s26] =	ssyncset.done $0x0  }
0x2b: {  	[sflag:s26] =	ssyncadd.s32 $0xFFFFFC00  }
0x2c: {  	_ =	swait.ge [sflag:s26], $0x400  }
0x2d: {  	[sflag:s26] =	ssyncset.done $0x0  }
0x2e: {  	[sflag:s26] =	ssyncadd.s32 $0xFFFFFC00  }
0x2f: {  	_ =	swait.ge [sflag:s26], $0x400  }
0x30: {  	[sflag:s26] =	ssyncset.done $0x0  }
0x31: {  	[sflag:s26] =	ssyncadd.s32 $0xFFFFFC00  }
0x32: {  	_ =	swait.ge [sflag:s26], $0x400  }
0x33: {  	[sflag:s26] =	ssyncset.done $0x0  }
0x34: {  	[sflag:s26] =	ssyncadd.s32 $0xFFFFFC00  }
0x35: {  	_ =	swait.ge [sflag:s26], $0x400  }
0x36: {  	[sflag:s26] =	ssyncset.done $0x0  }
0x37: {  	[sflag:s26] =	ssyncadd.s32 $0xFFFFFC00  }
0x38: {  	_ =	swait.ge [sflag:s26], $0x400  }
0x39: {  	[sflag:s26] =	ssyncset.done $0x0  }
0x3a: {  	[sflag:s26] =	ssyncadd.s32 $0xFFFFFC00  }
0x3b: {  	_ =	swait.ge [sflag:s26], $0x400  }
0x3c: {  	[sflag:s26] =	ssyncset.done $0x0  }
0x3d: {  	[sflag:s26] =	ssyncadd.s32 $0xFFFFFC00  }
0x3e: {  	_ =	swait.ge [sflag:s26], $0x400  }
0x3f: {  	[sflag:s26] =	ssyncset.done $0x0  }
0x40: {  	s3 =	sand.u32 $0x3F0, s2;
	[sflag:s26] =	ssyncadd.s32 $0xFFFFFC00  }
0x41: {  	v3 =	vld [tilespmem:s3+$0x400]  }
0x42: {  	v10 =	vld [tilespmem:s2+$0x0];
	_ =	sdelay $0x2  }
0x43: {  	v4 =	vld [tilespmem:s3+$0x800]  }
0x44: {  	vm1 =	vlt.f32 v3, $-Inf;
	vm2 =	vgt.f32 v3, $-Inf  }
0x45: {  	vm9 =	vgt.f32 v3, v10;
	vm3 =	vmor vm2, vm1  }
0x46: {  	v5 =	vld [tilespmem:s3+$0xC00];
	vm8 =	vmneg vm9;
	v6 =	vnsel vm3, $0xFF800000, v3  }
0x47: {  	v6 =	vsel vm8, v6, v10  }
0x48: {  	v7 =	vsel vm8, v10, v3;
	vm4 =	vgt.f32 v4, v6  }
0x49: {  	v11 =	vld [tilespmem:s3+$0x1000];
	vm5 =	vgt.f32 v4, v7;
	v6 =	vsel vm4, v4, v6  }
0x4a: {  	v6 =	vsel vm5, v7, v6  }
0x4b: {  	v7 =	vsel vm5, v4, v7;
	vm6 =	vgt.f32 v5, v6  }
0x4c: {  	v12 =	vld [tilespmem:s3+$0x1400];
	vm1 =	vgt.f32 v5, v7;
	v6 =	vsel vm6, v5, v6  }
0x4d: {  	v6 =	vsel vm1, v7, v6  }
0x4e: {  	v9 =	vsel vm1, v5, v7;
	vm7 =	vgt.f32 v11, v6  }
0x4f: {  	v13 =	vld [tilespmem:s3+$0x1800];
	vm2 =	vgt.f32 v11, v9;
	v6 =	vsel vm7, v11, v6  }
0x50: {  	v8 =	vadd.f32 v4, v1;
	v7 =	vadd.f32 v3, v1;
	v3 =	vsel vm2, v9, v6  }
0x51: {  	v14 =	vsel vm9, $0x1, v0;
	v4 =	vsel vm2, v11, v9;
	vm10 =	vgt.f32 v12, v3  }
0x52: {  	v15 =	vld [tilespmem:s3+$0x1C00];
	vm3 =	vmand vm8, vm3;
	vm9 =	vgt.f32 v12, v4;
	v3 =	vsel vm10, v12, v3  }
0x53: {  	v10 =	vadd.f32 v10, v1;
	v9 =	vadd.f32 v5, v1;
	v3 =	vsel vm9, v4, v3  }
0x54: {  	v5 =	vadd.f32 v12, v1;
	v12 =	vsel vm9, v12, v4;
	vm12 =	vgt.f32 v13, v3  }
0x55: {  	v6 =	vadd.f32 v11, v1;
	vm11 =	vgt.f32 v13, v12;
	v16 =	vsel vm12, v13, v3  }
0x56: {  	v11 =	vsel vm5, $0x2, v14;
	v16 =	vsel vm11, v12, v16;
	v12 =	vsel vm11, v13, v12  }
0x57: {  	v4 =	vadd.f32 v13, v1;
	vm13 =	vgt.f32 v15, v12;
	vm14 =	vgt.f32 v15, v16  }
0x58: {  	v3 =	vadd.f32 v15, v1;
	vm13 =	vmneg vm13;
	v16 =	vsel vm14, v15, v16  }
0x59: {  	v13 =	vsel vm1, $0x3, v11;
	v20 =	vsel vm13, v16, v12;
	v12 =	vsel vm13, v12, v15  }
0x5a: {  	v17 =	vsel vm2, $0x4, v13;
	v16 =	vsel vm13, $0x0, v2;
	v15 =	vadd.f32 v20, v12  }
0x5b: {  	v18 =	vsel vm9, $0x5, v17;
	v21 =	vadd.f32 v16, v1;
	v16 =	vsel vm3, $0x1, v0  }
0x5c: {  	v19 =	vsel vm11, $0x6, v18;
	v16 =	vsel vm4, $0x2, v16;
	v15 =	vadd.f32 $9.999999680e-21, v15  }
0x5d: {  	vm15 =	vmand vm11, vm13;
	v22 =	vnsel vm13, $0x7, v19;
	v14 =	vsel vm5, v14, v16  }
0x5e: {  	v23 =	vsel vm15, $0x3F800000, v1;
	v14 =	vsel vm6, $0x3, v14;
	(erf) = vrcp.f32 v15  }
0x5f: {  	v23 =	vadd.f32 v23, v1;
	vm3 =	veq.s32 v22, $0x4;
	v11 =	vsel vm1, v11, v14  }
0x60: {  	vm4 =	veq.s32 v22, $0x5;
	v16 =	vsel vm3, $0x3F800000, v1;
	v11 =	vsel vm7, $0x4, v11  }
0x61: {  	vm3 =	veq.s32 v22, $0x2;
	v15 =	vsel vm4, $0x3F800000, v1;
	v11 =	vsel vm2, v13, v11  }
0x62: {  	vm1 =	veq.s32 v22, $0x3;
	v14 =	vadd.f32 v16, v1;
	v11 =	vsel vm10, $0x5, v11  }
0x63: {  	v13 =	vsel vm1, $0x3F800000, v1;
	vm1 =	veq.s32 v22, $0x1;
	v11 =	vsel vm9, v17, v11  }
0x64: {  	v16 =	vadd.f32 v13, v1;
	v13 =	vsel vm1, $0x3F800000, v1;
	v11 =	vsel vm12, $0x6, v11  }
0x65: {  	v24 =	vadd.f32 v15, v1;
	v15 =	vsel vm3, $0x3F800000, v1;
	v11 =	vsel vm11, v18, v11  }
0x66: {  	v15 =	vadd.f32 v15, v1;
	vm2 =	veq.s32 v22, $0x0;
	v11 =	vsel vm14, $0x7, v11  }
0x67: {  	s22 =	simm.s32 $0x2000;
	v17 =	vsel vm2, $0x3F800000, v1;
	v18 =	vadd.f32 v13, v1;
	v19 =	vsel vm13, v11, v19;
	v13 =	vpop (erf)  }
0x68: {  	s23 =	simm.s32 $0x2400;
	[tilespmem:s22+$0x0] =	vst v22;
	v17 =	vadd.f32 v17, v1;
	vm1 =	veq.s32 v19, $0x5;
	v11 =	vmul.f32 v13, v12  }
0x69: {  	s24 =	simm.s32 $0x2800;
	[tilespmem:s23+$0x0] =	vst v19;
	vm2 =	veq.s32 v19, $0x6;
	vm3 =	veq.s32 v19, $0x7;
	v12 =	vmul.f32 v13, v20  }
0x6a: {  	s25 =	simm.s32 $0x10;
	s16 =	simm.s32 $0x2C00;
	v13 =	vsel vm1, $0x3F800000, v1;
	v20 =	vsel vm3, $0x3F800000, v1;
	vm1 =	veq.s32 v19, $0x4;
	[tilespmem:s24+$0x0] =	vst v11  }
0x6b: {  	s21 =	simm.s32 $0x2C00;
	s3 =	sand.u32 $0x3F0, s25;
	s22 =	simm.s32 $0x2800;
	vm3 =	veq.s32 v19, $0x3;
	v13 =	vadd.f32 v13, v24;
	v11 =	vsel vm2, $0x3F800000, v1;
	[tilespmem:s16+$0x0] =	vst v12  }
0x6c: {  	s23 =	simm.s32 $0x2400;
	v25 =	vsel vm1, $0x3F800000, v1;
	s24 =	simm.s32 $0x2000;
	v11 =	vadd.f32 v11, v23;
	v12 =	vadd.f32 v20, v21;
	s16 =	simm.s32 $0x20;
	v20 =	vld [tilespmem:s3+$0x400]  }
.LBB2_2:
0x6d: {  	p1 =	sne.s32 s16, $0x3F0;
	v21 =	vld [tilespmem:s25+$0x0];
	vm1 =	veq.s32 v19, $0x2;
	v22 =	vsel vm3, $0x3F800000, v1;
	v14 =	vadd.f32 v25, v14  }
0x6e: {  	vm2 =	veq.s32 v19, $0x1;
	v23 =	vld [tilespmem:s3+$0x800];
	v24 =	vsel vm1, $0x3F800000, v1;
	v16 =	vadd.f32 v22, v16  }
0x6f: {  	vm1 =	veq.s32 v19, $0x0;
	v19 =	vsel vm2, $0x3F800000, v1;
	v22 =	vld [tilespmem:s3+$0xC00];
	v15 =	vadd.f32 v24, v15  }
0x70: {  	v25 =	vsel vm1, $0x3F800000, v1;
	v18 =	vadd.f32 v19, v18;
	v24 =	vld [tilespmem:s3+$0x1000]  }
0x71: {  	v17 =	vadd.f32 v25, v17;
	v19 =	vld [tilespmem:s3+$0x1400];
	vm1 =	vlt.f32 v20, $-Inf;
	vm2 =	vgt.f32 v20, $-Inf  }
0x72: {  	v7 =	vadd.f32 v20, v7;
	v25 =	vld [tilespmem:s3+$0x1800];
	vm3 =	vgt.f32 v20, v21;
	vm1 =	vmor vm2, vm1  }
0x73: {  	v26 =	vld [tilespmem:s3+$0x1C00];
	vm4 =	vmneg vm3;
	v27 =	vnsel vm1, $0xFF800000, v20;
	v28 =	vsel vm3, $0x1, v0  }
0x74: {  	v8 =	vadd.f32 v23, v8;
	v27 =	vsel vm4, v27, v21;
	v9 =	vadd.f32 v22, v9  }
0x75: {  	v20 =	vsel vm4, v21, v20;
	vm3 =	vgt.f32 v23, v27;
	v6 =	vadd.f32 v24, v6  }
0x76: {  	vm2 =	vgt.f32 v23, v20;
	v27 =	vsel vm3, v23, v27;
	v5 =	vadd.f32 v19, v5  }
0x77: {  	v29 =	vsel vm2, $0x2, v28;
	v27 =	vsel vm2, v20, v27;
	v4 =	vadd.f32 v25, v4  }
0x78: {  	v20 =	vsel vm2, v23, v20;
	vm6 =	vgt.f32 v22, v27;
	v3 =	vadd.f32 v26, v3  }
0x79: {  	v10 =	vadd.f32 v21, v10;
	vm5 =	vgt.f32 v22, v20;
	v23 =	vsel vm6, v22, v27  }
0x7a: {  	v21 =	vsel vm5, v20, v23;
	v23 =	vsel vm5, $0x3, v29  }
0x7b: {  	v20 =	vsel vm5, v22, v20;
	vm9 =	vgt.f32 v24, v21  }
0x7c: {  	vm7 =	vgt.f32 v24, v20;
	v21 =	vsel vm9, v24, v21  }
0x7d: {  	v22 =	vsel vm7, $0x4, v23;
	v21 =	vsel vm7, v20, v21  }
0x7e: {  	v20 =	vsel vm7, v24, v20;
	vm11 =	vgt.f32 v19, v21  }
0x7f: {  	vm8 =	vgt.f32 v19, v20;
	v21 =	vsel vm11, v19, v21  }
0x80: {  	v24 =	vsel vm8, $0x5, v22;
	v21 =	vsel vm8, v20, v21  }
0x81: {  	v19 =	vsel vm8, v19, v20;
	vm12 =	vgt.f32 v25, v21  }
0x82: {  	vm10 =	vgt.f32 v25, v19;
	v20 =	vsel vm12, v25, v21  }
0x83: {  	v21 =	vsel vm10, $0x6, v24;
	v20 =	vsel vm10, v19, v20;
	v19 =	vsel vm10, v25, v19  }
0x84: {  	vm13 =	vgt.f32 v26, v19;
	vm14 =	vgt.f32 v26, v20  }
0x85: {  	vm13 =	vmneg vm13;
	v20 =	vsel vm14, v26, v20  }
0x86: {  	v20 =	vsel vm13, v20, v19;
	v25 =	vsel vm13, v19, v26;
	v19 =	vsel vm13, $0x0, v2  }
0x87: {  	vm15 =	vmand vm10, vm13;
	v26 =	vadd.f32 v20, v25;
	v12 =	vadd.f32 v19, v12  }
0x88: {  	s24 =	sadd.s32 $0x10, s24;
	vm1 =	vmand vm4, vm1;
	v19 =	vnsel vm13, $0x7, v21;
	v27 =	vsel vm15, $0x3F800000, v1  }
0x89: {  	v30 =	vsel vm1, $0x1, v0;
	v11 =	vadd.f32 v27, v11;
	v26 =	vadd.f32 $9.999999680e-21, v26;
	[tilespmem:s24+$0x0] =	vst v19  }
0x8a: {  	v27 =	vsel vm3, $0x2, v30;
	vm1 =	veq.s32 v19, $0x4;
	vm3 =	veq.s32 v19, $0x5  }
0x8b: {  	v27 =	vsel vm2, v28, v27;
	v28 =	vsel vm3, $0x3F800000, v1;
	(erf) = vrcp.f32 v26  }
0x8c: {  	v13 =	vadd.f32 v28, v13;
	v26 =	vsel vm6, $0x3, v27;
	v27 =	vsel vm1, $0x3F800000, v1  }
0x8d: {  	vm1 =	veq.s32 v19, $0x3;
	v26 =	vsel vm5, v29, v26;
	v14 =	vadd.f32 v27, v14  }
0x8e: {  	vm2 =	veq.s32 v19, $0x2;
	v27 =	vsel vm1, $0x3F800000, v1;
	v26 =	vsel vm9, $0x4, v26  }
0x8f: {  	v16 =	vadd.f32 v27, v16;
	v23 =	vsel vm7, v23, v26;
	v26 =	vsel vm2, $0x3F800000, v1  }
0x90: {  	vm1 =	veq.s32 v19, $0x1;
	v23 =	vsel vm11, $0x5, v23;
	v15 =	vadd.f32 v26, v15  }
0x91: {  	vm2 =	veq.s32 v19, $0x0;
	v19 =	vsel vm1, $0x3F800000, v1;
	v22 =	vsel vm8, v22, v23  }
0x92: {  	v18 =	vadd.f32 v19, v18;
	v23 =	vsel vm2, $0x3F800000, v1;
	v26 =	vsel vm12, $0x6, v22  }
0x93: {  	v17 =	vadd.f32 v23, v17;
	v19 =	vsel vm10, v24, v26  }
0x94: {  	v19 =	vsel vm14, $0x7, v19;
	v22 =	vpop (erf)  }
.Ltmp2:
0x95: {  	s23 =	sadd.s32 $0x10, s23;
	v19 =	vsel vm13, v19, v21;
	v21 =	vmul.f32 v22, v25;
	v20 =	vmul.f32 v22, v20;
	(pc) =	sbr.rel @p1 .LBB2_2-.Ltmp2, $4  }
0x96: {  	s22 =	sadd.s32 $0x10, s22;
	vm1 =	veq.s32 v19, $0x5;
	vm2 =	veq.s32 v19, $0x6;
	vm3 =	veq.s32 v19, $0x7;
	[tilespmem:s23+$0x0] =	vst v19  }
0x97: {  	s21 =	sadd.s32 $0x10, s21;
	v22 =	vsel vm2, $0x3F800000, v1;
	v23 =	vsel vm3, $0x3F800000, v1;
	[tilespmem:s22+$0x0] =	vst v21;
	v21 =	vsel vm1, $0x3F800000, v1  }
0x98: {  	s3 =	sand.u32 $0x3F0, s16;
	vm1 =	veq.s32 v19, $0x4;
	v11 =	vadd.f32 v22, v11;
	v12 =	vadd.f32 v23, v12;
	[tilespmem:s21+$0x0] =	vst v20  }
0x99: {  	s25 =	sadd.s32 $0x10, s25;
	s16 =	sadd.s32 $0x10, s16;
	vm3 =	veq.s32 v19, $0x3;
	v25 =	vsel vm1, $0x3F800000, v1;
	v13 =	vadd.f32 v21, v13;
	v20 =	vld [tilespmem:s3+$0x400]  }
0x9a: {  	v26 =	vld [tilespmem:s25+$0x0];
	_ =	sdelay $0x2  }
0x9b: {  	v27 =	vld [tilespmem:s3+$0x800]  }
0x9c: {  	vm1 =	vlt.f32 v20, $-Inf;
	vm2 =	vgt.f32 v20, $-Inf  }
0x9d: {  	vm4 =	vgt.f32 v20, v26;
	vm5 =	vmor vm2, vm1  }
0x9e: {  	v28 =	vld [tilespmem:s3+$0xC00];
	vm7 =	vmneg vm4;
	v21 =	vnsel vm5, $0xFF800000, v20  }
0x9f: {  	v21 =	vsel vm7, v21, v26  }
0xa0: {  	v22 =	vsel vm7, v26, v20;
	vm8 =	vgt.f32 v27, v21  }
0xa1: {  	v24 =	vld [tilespmem:s3+$0x1000];
	vm6 =	vgt.f32 v27, v22;
	v21 =	vsel vm8, v27, v21  }
0xa2: {  	v21 =	vsel vm6, v22, v21  }
0xa3: {  	v22 =	vsel vm6, v27, v22;
	vm9 =	vgt.f32 v28, v21  }
0xa4: {  	v23 =	vld [tilespmem:s3+$0x1400];
	vm10 =	vgt.f32 v28, v22;
	v21 =	vsel vm9, v28, v21  }
0xa5: {  	v29 =	vsel vm10, v22, v21  }
0xa6: {  	v22 =	vsel vm10, v28, v22;
	vm11 =	vgt.f32 v24, v29  }
0xa7: {  	v21 =	vld [tilespmem:s3+$0x1800];
	vm12 =	vgt.f32 v24, v22;
	v29 =	vsel vm11, v24, v29  }
0xa8: {  	v29 =	vsel vm12, v22, v29  }
0xa9: {  	v30 =	vsel vm12, v24, v22;
	vm13 =	vgt.f32 v23, v29  }
0xaa: {  	v22 =	vld [tilespmem:s3+$0x1C00];
	vm14 =	vgt.f32 v23, v30;
	v29 =	vsel vm13, v23, v29  }
0xab: {  	v29 =	vsel vm14, v30, v29  }
0xac: {  	v30 =	vsel vm14, v23, v30;
	vm15 =	vgt.f32 v21, v29  }
0xad: {  	vm2 =	vgt.f32 v21, v30;
	v29 =	vsel vm15, v21, v29  }
0xae: {  	v29 =	vsel vm2, v30, v29;
	v30 =	vsel vm2, v21, v30  }
0xaf: {  	vm1 =	vgt.f32 v22, v30;
	vm0 =	vgt.f32 v22, v29  }
0xb0: {  	vm1 =	vmneg vm1;
	v29 =	vsel vm0, v22, v29  }
0xb1: {  	v29 =	vsel vm1, v29, v30;
	v30 =	vsel vm1, v30, v22  }
0xb2: {  	v31 =	vadd.f32 v29, v30  }
0xb3: {  	vm5 =	vmand vm7, vm5  }
0xb4: {  	v32 =	vsel vm5, $0x1, v0;
	v31 =	vadd.f32 $9.999999680e-21, v31  }
0xb5: {  	v33 =	vsel vm4, $0x1, v0;
	v32 =	vsel vm8, $0x2, v32  }
0xb6: {  	v61 =	vsel vm6, v33, v32;
	(erf) = vrcp.f32 v31  }
0xb7: {  	v62 =	vsel vm6, $0x2, v33;
	v31 =	vsel vm9, $0x3, v61  }
0xb8: {  	v31 =	vsel vm10, v62, v31  }
0xb9: {  	v32 =	vsel vm10, $0x3, v62;
	v31 =	vsel vm11, $0x4, v31  }
0xba: {  	v31 =	vsel vm12, v32, v31  }
0xbb: {  	v32 =	vsel vm12, $0x4, v32;
	v31 =	vsel vm13, $0x5, v31  }
0xbc: {  	v31 =	vsel vm14, v32, v31  }
0xbd: {  	v32 =	vsel vm14, $0x5, v32;
	v31 =	vsel vm15, $0x6, v31  }
0xbe: {  	v63 =	vsel vm2, $0x6, v32;
	v31 =	vsel vm2, v32, v31  }
0xbf: {  	s25 =	sadd.s32 $0x10, s24;
	v36 =	vnsel vm1, $0x7, v63;
	v31 =	vsel vm0, $0x7, v31;
	v34 =	vpop (erf)  }
0xc0: {  	s16 =	sadd.s32 $0x10, s23;
	[tilespmem:s25+$0x0] =	vst v36;
	v31 =	vsel vm1, v31, v63;
	v30 =	vmul.f32 v34, v30  }
0xc1: {  	s23 =	sadd.s32 $0x10, s22;
	v29 =	vmul.f32 v34, v29;
	[tilespmem:s16+$0x0] =	vst v31  }
0xc2: {  	s24 =	sadd.s32 $0x10, s21;
	[tilespmem:s23+$0x0] =	vst v30  }
0xc3: {  	s3 =	simm.s32 $0x100;
	s16 =	simm.s32 $0x2000;
	[tilespmem:s24+$0x0] =	vst v29  }
0xc4: {  	[hbm4b:s19+s0] =	stream.strided.scatter [tilespmem:s16], [sflag:$0x2], $0x400, s3, s0, $0x38;
	[tilespmem:$0xB980] =	vst v63  }
0xc5: {  	s16 =	simm.s32 $0x2  }
0xc6: {  	_ =	swait.ge [sflag:s16], $0x400  }
0xc7: {  	[sflag:s16] =	ssyncset.done $0x0  }
0xc8: {  	s25 =	simm.s32 $0x2400;
	[sflag:s16] =	ssyncadd.s32 $0xFFFFFC00  }
0xc9: {  	[hbm4b:s18+s0] =	stream.strided.scatter [tilespmem:s25], [sflag:$0x2], $0x400, s3, s0, $0x38;
	[tilespmem:$0xB980] =	vst v63  }
0xca: {  	v37 =	vsel vm3, $0x3F800000, v1;
	_ =	swait.ge [sflag:s16], $0x400  }
0xcb: {  	v14 =	vadd.f32 v25, v14;
	v16 =	vadd.f32 v37, v16;
	[sflag:s16] =	ssyncset.done $0x0  }
0xcc: {  	s22 =	simm.s32 $0x2800;
	v7 =	vadd.f32 v20, v7;
	v8 =	vadd.f32 v27, v8;
	s23 =	rddreg [dreg:$0xa];
	[sflag:s16] =	ssyncadd.s32 $0xFFFFFC00  }
0xcd: {  	v9 =	vadd.f32 v28, v9;
	vm7 =	veq.s32 v19, $0x2;
	vm9 =	veq.s32 v19, $0x0;
	[hbm4b:s23+s0] =	stream.strided.scatter [tilespmem:s22], [sflag:$0x2], $0x400, s3, s0, $0x38;
	[tilespmem:$0xB980] =	vst v63  }
0xce: {  	v38 =	vsel vm7, $0x3F800000, v1;
	vm8 =	veq.s32 v19, $0x1;
	v40 =	vsel vm9, $0x3F800000, v1;
	_ =	swait.ge [sflag:s16], $0x400  }
0xcf: {  	v39 =	vsel vm8, $0x3F800000, v1;
	v17 =	vadd.f32 v40, v17;
	vm10 =	veq.s32 v36, $0x0;
	[sflag:s16] =	ssyncset.done $0x0  }
0xd0: {  	v15 =	vadd.f32 v38, v15;
	v18 =	vadd.f32 v39, v18;
	v41 =	vsel vm10, $0x3F800000, v1;
	s24 =	simm.s32 $0x2C00;
	[sflag:s16] =	ssyncadd.s32 $0xFFFFFC00  }
0xd1: {  	vm11 =	veq.s32 v36, $0x1;
	v17 =	vadd.f32 v41, v17;
	vm12 =	veq.s32 v31, $0x0;
	[hbm4b:s15+s0] =	stream.strided.scatter [tilespmem:s24], [sflag:$0x2], $0x400, s3, s0, $0x38;
	[tilespmem:$0xB980] =	vst v63  }
0xd2: {  	vm13 =	veq.s32 v36, $0x2;
	v42 =	vsel vm11, $0x3F800000, v1;
	v43 =	vsel vm12, $0x3F800000, v1;
	_ =	swait.ge [sflag:s16], $0x400  }
0xd3: {  	v18 =	vadd.f32 v42, v18;
	vm14 =	veq.s32 v31, $0x1;
	v17 =	vadd.f32 v43, v17;
	[sflag:s16] =	ssyncset.done $0x0  }
0xd4: {  	v10 =	vadd.f32 v26, v10;
	v44 =	vsel vm13, $0x3F800000, v1;
	v45 =	vsel vm14, $0x3F800000, v1;
	[sflag:s16] =	ssyncadd.s32 $0xFFFFFC00  }
0xd5: {  	v15 =	vadd.f32 v44, v15;
	vm8 =	veq.s32 v31, $0x2;
	v18 =	vadd.f32 v45, v18;
	[tilespmem:$0x3000] =	vst v17  }
0xd6: {  	v6 =	vadd.f32 v24, v6;
	v5 =	vadd.f32 v23, v5;
	v47 =	vsel vm8, $0x3F800000, v1;
	[tilespmem:$0x3400] =	vst v10  }
0xd7: {  	v4 =	vadd.f32 v21, v4;
	v15 =	vadd.f32 v47, v15;
	[tilespmem:$0x3080] =	vst v18  }
0xd8: {  	v3 =	vadd.f32 v22, v3;
	v58 =	vsel vm1, $0x0, v2;
	vm2 =	vmand vm2, vm1;
	[tilespmem:$0x3480] =	vst v7  }
0xd9: {  	v60 =	vadd.f32 v58, v12;
	vm15 =	veq.s32 v36, $0x3;
	v55 =	vsel vm2, $0x3F800000, v1;
	[tilespmem:$0x3100] =	vst v15  }
0xda: {  	vm9 =	veq.s32 v36, $0x4;
	v57 =	vadd.f32 v55, v11;
	vm14 =	veq.s32 v31, $0x6;
	[tilespmem:$0x3500] =	vst v8  }
0xdb: {  	v46 =	vsel vm15, $0x3F800000, v1;
	vm11 =	veq.s32 v36, $0x5;
	v59 =	vsel vm14, $0x3F800000, v1;
	[tilespmem:$0x3580] =	vst v9  }
0xdc: {  	v49 =	vsel vm9, $0x3F800000, v1;
	vm15 =	veq.s32 v31, $0x7;
	v61 =	vadd.f32 v59, v57;
	[tilespmem:$0x3600] =	vst v6  }
0xdd: {  	v48 =	vadd.f32 v46, v16;
	vm10 =	veq.s32 v31, $0x3;
	v62 =	vsel vm15, $0x3F800000, v1;
	[tilespmem:$0x3680] =	vst v5  }
0xde: {  	v51 =	vadd.f32 v49, v14;
	v52 =	vsel vm11, $0x3F800000, v1;
	v63 =	vadd.f32 v62, v60;
	[tilespmem:$0x3300] =	vst v61  }
0xdf: {  	vm13 =	veq.s32 v31, $0x5;
	v50 =	vsel vm10, $0x3F800000, v1;
	vm12 =	veq.s32 v31, $0x4;
	[tilespmem:$0x3700] =	vst v4  }
0xe0: {  	v54 =	vadd.f32 v52, v13;
	v53 =	vsel vm12, $0x3F800000, v1;
	v10 =	vadd.f32 v50, v48;
	[tilespmem:$0x3380] =	vst v63  }
0xe1: {  	v56 =	vsel vm13, $0x3F800000, v1;
	v7 =	vadd.f32 v53, v51;
	[tilespmem:$0x3780] =	vst v3  }
0xe2: {  	v8 =	vadd.f32 v56, v54;
	[tilespmem:$0x3180] =	vst v10  }
0xe3: {  	[tilespmem:$0x3200] =	vst v7  }
0xe4: {  	s25 =	simm.s32 $0x3000;
	[tilespmem:$0x3280] =	vst v8  }
0xe5: {  	[spmem:s7] =	stream.linear.scatter [tilespmem:s25], [sflag:$0x2], $0x800, $0x38;
	[tilespmem:$0xB980] =	vst v63  }
.Ltmp3:
0xe6: {  	_ =	swait.ge [sflag:s16], $0x800;
	(pc) =	sbr.rel @p0 .LBB2_5-.Ltmp3, $3  }
0xe7: {  	[sflag:s16] =	ssyncset.done $0x0  }
0xe8: {  	[sflag:s16] =	ssyncadd.s32 $0xFFFFF800  }
0xe9: {  	[bflag:$0x0] =	sbarrier.arrive $0xFFFF;
	_ =	sdelay $0x1  }
0xea: {  	s3 =	rddreg [dreg:$0x4];
	s0 =	simm.s32 $0x3800;
	s7 =	simm.s32 $0x2  }
0xeb: {  	[tilespmem:s0], [sflag:$0x2] =	stream.linear.gather [spmem:s3], $0x8000, $0x38;
	[tilespmem:$0xB980] =	vst v63  }
0xec: {  	_ =	swait.ge [sflag:s7], $0x8000  }
0xed: {  	[sflag:s7] =	ssyncset.done $0x0  }
0xee: {  	[sflag:s7] =	ssyncadd.s32 $0xFFFF8000  }
0xef: {  	v13 =	vld [tilespmem:$0x3800]  }
0xf0: {  	v12 =	vld [tilespmem:$0x4000]  }
0xf1: {  	v14 =	vld [tilespmem:$0x4800]  }
0xf2: {  	v18 =	vld [tilespmem:$0x5000]  }
0xf3: {  	v22 =	vld [tilespmem:$0x5800]  }
0xf4: {  	v29 =	vld [tilespmem:$0x6000]  }
0xf5: {  	v36 =	vld [tilespmem:$0x6800]  }
0xf6: {  	v42 =	vld [tilespmem:$0x7000]  }
0xf7: {  	v8 =	vld [tilespmem:$0x3880]  }
0xf8: {  	v7 =	vld [tilespmem:$0x4080]  }
0xf9: {  	v11 =	vld [tilespmem:$0x4880]  }
0xfa: {  	v16 =	vld [tilespmem:$0x5080]  }
0xfb: {  	v21 =	vld [tilespmem:$0x5880]  }
0xfc: {  	v27 =	vld [tilespmem:$0x6080]  }
0xfd: {  	v33 =	vld [tilespmem:$0x6880]  }
0xfe: {  	v39 =	vld [tilespmem:$0x7080]  }
0xff: {  	v6 =	vld [tilespmem:$0x3900]  }
0x100: {  	v5 =	vld [tilespmem:$0x4100]  }
0x101: {  	v10 =	vld [tilespmem:$0x4900]  }
0x102: {  	v17 =	vld [tilespmem:$0x5100]  }
0x103: {  	v20 =	vld [tilespmem:$0x5900]  }
0x104: {  	v26 =	vld [tilespmem:$0x6100]  }
0x105: {  	v48 =	vld [tilespmem:$0x6900]  }
0x106: {  	v51 =	vld [tilespmem:$0x7100]  }
0x107: {  	v4 =	vld [tilespmem:$0x3980]  }
0x108: {  	v3 =	vld [tilespmem:$0x4180]  }
0x109: {  	v9 =	vld [tilespmem:$0x4980]  }
0x10a: {  	v15 =	vld [tilespmem:$0x5180]  }
0x10b: {  	v19 =	vld [tilespmem:$0x5980]  }
0x10c: {  	v25 =	vld [tilespmem:$0x6180]  }
0x10d: {  	v32 =	vld [tilespmem:$0x6980]  }
0x10e: {  	v34 =	vld [tilespmem:$0x7180]  }
0x10f: {  	v40 =	vld [tilespmem:$0x3A00]  }
0x110: {  	v38 =	vld [tilespmem:$0x4200]  }
0x111: {  	v43 =	vld [tilespmem:$0x4A00]  }
0x112: {  	v49 =	vld [tilespmem:$0x5200]  }
0x113: {  	v60 =	vld [tilespmem:$0x5A00]  }
0x114: {  	v23 =	vld [tilespmem:$0x6200]  }
0x115: {  	v52 =	vld [tilespmem:$0x6A00]  }
0x116: {  	v53 =	vld [tilespmem:$0x7200]  }
0x117: {  	v31 =	vld [tilespmem:$0x3A80]  }
0x118: {  	v30 =	vld [tilespmem:$0x4280]  }
0x119: {  	v35 =	vld [tilespmem:$0x4A80]  }
0x11a: {  	v45 =	vld [tilespmem:$0x5280]  }
0x11b: {  	v63 =	vld [tilespmem:$0x6280]  }
0x11c: {  	v54 =	vld [tilespmem:$0x6A80]  }
0x11d: {  	v55 =	vld [tilespmem:$0x7280]  }
0x11e: {  	v24 =	vld [tilespmem:$0x3B00]  }
0x11f: {  	v28 =	vld [tilespmem:$0x4B00];
	[tilespmem:$0x1FAD0] =	vst v23  }
0x120: {  	v37 =	vld [tilespmem:$0x5300];
	[tilespmem:$0x1FAE0] =	vst v52  }
0x121: {  	v46 =	vld [tilespmem:$0x5B00];
	[tilespmem:$0x1FB00] =	vst v53  }
0x122: {  	v53 =	vld [tilespmem:$0x5A80];
	[tilespmem:$0x1FAF0] =	vst v54  }
0x123: {  	[tilespmem:$0x1FB20] =	vst v55;
	v23 =	vld [tilespmem:$0x4300]  }
0x124: {  	v54 =	vld [tilespmem:$0x6300]  }
0x125: {  	v62 =	vld [tilespmem:$0x5B80];
	_ =	sdelay $0x4  }
0x126: {  	[tilespmem:$0x1FBA0] =	vst v62;
	v62 =	vld [tilespmem:$0x7400]  }
0x127: {  	v41 =	vld [tilespmem:$0x6B00]  }
0x128: {  	v56 =	vld [tilespmem:$0x7300]  }
0x129: {  	v57 =	vld [tilespmem:$0x3B80]  }
0x12a: {  	v58 =	vld [tilespmem:$0x4380]  }
0x12b: {  	[tilespmem:$0x1FC70] =	vst v62;
	v62 =	vld [tilespmem:$0x6500]  }
0x12c: {  	v59 =	vld [tilespmem:$0x4B80]  }
0x12d: {  	v61 =	vld [tilespmem:$0x5380]  }
0x12e: {  	v44 =	vld [tilespmem:$0x6380]  }
0x12f: {  	v47 =	vld [tilespmem:$0x6B80]  }
0x130: {  	[tilespmem:$0x1FC40] =	vst v62;
	v62 =	vld [tilespmem:$0x6D00]  }
0x131: {  	v50 =	vld [tilespmem:$0x7380]  }
0x132: {  	v52 =	vld [tilespmem:$0x4C00]  }
0x133: {  	v55 =	vld [tilespmem:$0x5400]  }
0x134: {  	v12 =	vadd.f32 v12, v13;
	v7 =	vadd.f32 v7, v8;
	v8 =	vld [tilespmem:$0x8080]  }
0x135: {  	[tilespmem:$0x1FC80] =	vst v62;
	v62 =	vld [tilespmem:$0x7500]  }
0x136: {  	v12 =	vadd.f32 v14, v12;
	v14 =	vld [tilespmem:$0x6F80]  }
0x137: {  	v7 =	vadd.f32 v11, v7;
	v11 =	vld [tilespmem:$0x7880]  }
0x138: {  	v5 =	vadd.f32 v5, v6;
	v13 =	vadd.f32 v18, v12;
	v18 =	vld [tilespmem:$0x8000]  }
0x139: {  	v12 =	vld [tilespmem:$0x9000]  }
0x13a: {  	v5 =	vadd.f32 v10, v5;
	[tilespmem:$0x1FCC0] =	vst v62;
	v62 =	vld [tilespmem:$0x3D80]  }
0x13b: {  	v7 =	vadd.f32 v16, v7;
	v16 =	vld [tilespmem:$0x9800]  }
0x13c: {  	v5 =	vadd.f32 v17, v5;
	v17 =	vld [tilespmem:$0x9200]  }
0x13d: {  	[tilespmem:$0x1FB80] =	vst v61;
	v61 =	vld [tilespmem:$0x3C00]  }
0x13e: {  	[tilespmem:$0x1FB40] =	vst v58;
	v58 =	vld [tilespmem:$0x4400]  }
0x13f: {  	[tilespmem:$0x1FCA0] =	vst v62;
	v62 =	vld [tilespmem:$0x4580]  }
0x140: {  	[tilespmem:$0x1FB50] =	vst v56;
	v56 =	vld [tilespmem:$0x5C00]  }
0x141: {  	[tilespmem:$0x1FB30] =	vst v57;
	v57 =	vld [tilespmem:$0x6400]  }
0x142: {  	[tilespmem:$0x1FB60] =	vst v59;
	v59 =	vld [tilespmem:$0x6C00]  }
0x143: {  	[tilespmem:$0x1FB70] =	vst v52;
	v52 =	vld [tilespmem:$0x3C80]  }
0x144: {  	[tilespmem:$0x1FCB0] =	vst v62;
	v62 =	vld [tilespmem:$0x4D80]  }
0x145: {  	v3 =	vadd.f32 v3, v4;
	[tilespmem:$0x1FC50] =	vst v50;
	v50 =	vld [tilespmem:$0x4480]  }
0x146: {  	[tilespmem:$0x1FB90] =	vst v55;
	v55 =	vld [tilespmem:$0x4C80]  }
0x147: {  	v3 =	vadd.f32 v9, v3;
	[tilespmem:$0x1FBD0] =	vst v44;
	v44 =	vld [tilespmem:$0x5480]  }
0x148: {  	[tilespmem:$0x1FC10] =	vst v47;
	v47 =	vld [tilespmem:$0x5C80]  }
0x149: {  	v3 =	vadd.f32 v15, v3;
	[tilespmem:$0x1FCF0] =	vst v62;
	v62 =	vld [tilespmem:$0x5580]  }
0x14a: {  	[tilespmem:$0x1FB10] =	vst v41;
	v41 =	vld [tilespmem:$0x4500]  }
0x14b: {  	v3 =	vadd.f32 v19, v3;
	v19 =	vld [tilespmem:$0x1FAF0]  }
0x14c: {  	v5 =	vadd.f32 v20, v5;
	v20 =	vld [tilespmem:$0x9980]  }
0x14d: {  	[tilespmem:$0x1FF50] =	vst v14;
	v14 =	vld [tilespmem:$0x7800]  }
0x14e: {  	v22 =	vadd.f32 v22, v13;
	[tilespmem:$0x1FD30] =	vst v62;
	v62 =	vld [tilespmem:$0x5D80]  }
0x14f: {  	v11 =	vadd.f32 v8, v11;
	v8 =	vld [tilespmem:$0xA380]  }
0x150: {  	v13 =	vadd.f32 v29, v22;
	v22 =	vld [tilespmem:$0xB000]  }
0x151: {  	v29 =	vld [tilespmem:$0xA880]  }
0x152: {  	v5 =	vadd.f32 v26, v5;
	v26 =	vld [tilespmem:$0xA900]  }
0x153: {  	[tilespmem:$0x1FD70] =	vst v62;
	v62 =	vld [tilespmem:$0x6580]  }
0x154: {  	v3 =	vadd.f32 v25, v3;
	v25 =	vld [tilespmem:$0x1FB20]  }
0x155: {  	[tilespmem:$0x1FEC0] =	vst v18;
	v18 =	vld [tilespmem:$0xA000]  }
0x156: {  	[tilespmem:$0x1FF20] =	vst v16;
	v16 =	vld [tilespmem:$0xB100]  }
0x157: {  	v4 =	vadd.f32 v36, v13;
	v13 =	vld [tilespmem:$0x8100]  }
0x158: {  	[tilespmem:$0x1FDB0] =	vst v62;
	v62 =	vld [tilespmem:$0x6D80]  }
0x159: {  	v36 =	vadd.f32 v23, v24;
	v24 =	vld [tilespmem:$0xA180]  }
0x15a: {  	[tilespmem:$0x1FBC0] =	vst v56;
	v56 =	vld [tilespmem:$0x6480]  }
0x15b: {  	[tilespmem:$0x1FBF0] =	vst v57;
	v57 =	vld [tilespmem:$0x6C80]  }
0x15c: {  	[tilespmem:$0x1FC30] =	vst v59;
	v59 =	vld [tilespmem:$0x7480]  }
0x15d: {  	[tilespmem:$0x1FDF0] =	vst v62;
	v62 =	vld [tilespmem:$0x7580]  }
0x15e: {  	[tilespmem:$0x1FBB0] =	vst v44;
	v44 =	vld [tilespmem:$0x3D00]  }
0x15f: {  	[tilespmem:$0x1FBE0] =	vst v47;
	v47 =	vld [tilespmem:$0x4D00]  }
0x160: {  	[tilespmem:$0x1FEB0] =	vst v14;
	v14 =	vadd.f32 v21, v7;
	v21 =	vld [tilespmem:$0xA800]  }
0x161: {  	v3 =	vadd.f32 v32, v3;
	v7 =	vld [tilespmem:$0x8880]  }
0x162: {  	[tilespmem:$0x1FE30] =	vst v62;
	v62 =	vld [tilespmem:$0x3E00]  }
0x163: {  	v32 =	vadd.f32 v34, v3;
	v3 =	vld [tilespmem:$0xB080]  }
0x164: {  	v9 =	vadd.f32 v28, v36;
	v28 =	vld [tilespmem:$0x1FB30]  }
0x165: {  	v34 =	vadd.f32 v30, v31;
	v30 =	vld [tilespmem:$0x1FB50]  }
0x166: {  	v31 =	vadd.f32 v58, v61;
	v58 =	vld [tilespmem:$0x1FC10]  }
0x167: {  	[tilespmem:$0x1FCD0] =	vst v62;
	v62 =	vld [tilespmem:$0x4600]  }
0x168: {  	[tilespmem:$0x1FF90] =	vst v22;
	v22 =	vld [tilespmem:$0x1FB10]  }
0x169: {  	[tilespmem:$0x1FF80] =	vst v29;
	v29 =	vld [tilespmem:$0x1FB40]  }
0x16a: {  	[tilespmem:$0x1FF40] =	vst v18;
	v18 =	vld [tilespmem:$0x9080]  }
0x16b: {  	v6 =	vadd.f32 v27, v14;
	v27 =	vadd.f32 v48, v5;
	v48 =	vld [tilespmem:$0x9880]  }
0x16c: {  	[tilespmem:$0x1FCE0] =	vst v62;
	v62 =	vld [tilespmem:$0x4E00]  }
0x16d: {  	v5 =	vld [tilespmem:$0x9100]  }
0x16e: {  	[tilespmem:$0x1FFF0] =	vst v24;
	v24 =	vld [tilespmem:$0x1FC70]  }
0x16f: {  	[tilespmem:$0x1FC60] =	vst v57;
	v57 =	vld [tilespmem:$0x5500]  }
0x170: {  	[tilespmem:$0x1FC20] =	vst v56;
	v56 =	vld [tilespmem:$0x5D00]  }
0x171: {  	v4 =	vadd.f32 v42, v4;
	[tilespmem:$0x1FD20] =	vst v62;
	v62 =	vld [tilespmem:$0x5600]  }
0x172: {  	[tilespmem:$0x1FC90] =	vst v59;
	v59 =	vld [tilespmem:$0x3F00]  }
0x173: {  	(xrf2) =	vadd.scan.msk.f32 $0xffff, v4;
	v9 =	vadd.f32 v37, v9;
	v4 =	vadd.f32 v51, v27;
	v51 =	vld [tilespmem:$0xA080]  }
0x174: {  	v27 =	vld [tilespmem:$0x8900]  }
0x175: {  	v9 =	vadd.f32 v46, v9;
	v46 =	vld [tilespmem:$0x8180]  }
0x176: {  	v6 =	vadd.f32 v33, v6;
	[tilespmem:$0x1FD50] =	vst v62;
	v62 =	vld [tilespmem:$0x5E00]  }
0x177: {  	v33 =	vadd.f32 v38, v40;
	v38 =	vadd.f32 v35, v34;
	v34 =	vld [tilespmem:$0x1FB70]  }
0x178: {  	v35 =	vadd.f32 v41, v44;
	v44 =	vld [tilespmem:$0x1FB90]  }
0x179: {  	v41 =	vld [tilespmem:$0x9A00]  }
0x17a: {  	[tilespmem:$0x1FFA0] =	vst v3;
	v3 =	vld [tilespmem:$0x7900]  }
0x17b: {  	[tilespmem:$0x1FD90] =	vst v62;
	v62 =	vld [tilespmem:$0x6600]  }
0x17c: {  	[tilespmem:$0x1FF60] =	vst v21;
	v21 =	vld [tilespmem:$0x1FB00]  }
0x17d: {  	v61 =	vld [tilespmem:$0x1FC20]  }
0x17e: {  	[tilespmem:$0x1FFE0] =	vst v20;
	v20 =	vld [tilespmem:$0x1FC40]  }
0x17f: {  	v7 =	vadd.f32 v7, v11;
	v11 =	vld [tilespmem:$0xAB80]  }
0x180: {  	[tilespmem:$0x1FDD0] =	vst v62;
	v62 =	vld [tilespmem:$0x6E00]  }
0x181: {  	v14 =	vadd.f32 v47, v35;
	v47 =	vld [tilespmem:$0x1FBA0]  }
0x182: {  	v10 =	vadd.f32 v45, v38;
	v38 =	vld [tilespmem:$0xA200]  }
0x183: {  	v9 =	vadd.f32 v54, v9;
	v54 =	vld [tilespmem:$0x1FBE0]  }
0x184: {  	v35 =	vld [tilespmem:$0x8280]  }
0x185: {  	v6 =	vadd.f32 v39, v6;
	[tilespmem:$0x1FE10] =	vst v62;
	v62 =	vld [tilespmem:$0x7600]  }
0x186: {  	v7 =	vadd.f32 v18, v7;
	v18 =	vld [tilespmem:$0x7C00]  }
0x187: {  	(xrf2) =	vadd.scan.msk.f32 $0xffff, v6;
	v6 =	vld [tilespmem:$0x9900]  }
0x188: {  	v10 =	vadd.f32 v53, v10;
	v53 =	vld [tilespmem:$0x1FAE0]  }
0x189: {  	v9 =	vadd.f32 v22, v9;
	v22 =	vld [tilespmem:$0x1FC60]  }
0x18a: {  	[tilespmem:$0x1FE50] =	vst v62;
	v62 =	vld [tilespmem:$0x3E80]  }
0x18b: {  	[tilespmem:$0x1FC00] =	vst v56;
	v56 =	vld [tilespmem:$0x4700]  }
0x18c: {  	(xrf2) =	vadd.scan.msk.f32 $0xffff, v4;
	v4 =	vadd.f32 v43, v33;
	v43 =	vld [tilespmem:$0x1FAD0]  }
0x18d: {  	v33 =	vadd.f32 v50, v52;
	v50 =	vld [tilespmem:$0x1FBB0]  }
0x18e: {  	v52 =	vld [tilespmem:$0x1FBC0]  }
0x18f: {  	[tilespmem:$0x1FD00] =	vst v62;
	v62 =	vld [tilespmem:$0x4680]  }
0x190: {  	v7 =	vadd.f32 v48, v7;
	v48 =	vld [tilespmem:$0xA480]  }
0x191: {  	v10 =	vadd.f32 v63, v10;
	v63 =	vld [tilespmem:$0x9180]  }
0x192: {  	(xrf2) =	vadd.scan.msk.f32 $0xffff, v32;
	v32 =	vld [tilespmem:$0x1FB60]  }
0x193: {  	v14 =	vadd.f32 v57, v14;
	v57 =	vld [tilespmem:$0x1FC00]  }
0x194: {  	[tilespmem:$0x1FD10] =	vst v62;
	v62 =	vld [tilespmem:$0x4E80]  }
0x195: {  	v3 =	vadd.f32 v13, v3;
	v13 =	vld [tilespmem:$0xB380]  }
0x196: {  	v39 =	vadd.f32 v49, v4;
	v4 =	vld [tilespmem:$0xA100]  }
0x197: {  	v49 =	vld [tilespmem:$0x8980]  }
0x198: {  	v7 =	vadd.f32 v51, v7;
	v51 =	vld [tilespmem:$0x1FF60]  }
0x199: {  	[tilespmem:$0x1FD40] =	vst v62;
	v62 =	vld [tilespmem:$0x5680]  }
0x19a: {  	v10 =	vadd.f32 v19, v10;
	v19 =	vld [tilespmem:$0x1FC30]  }
0x19b: {  	[tilespmem:$0x1FF00] =	vst v12;
	v40, _, _ =	vpop (xrf2);
	v12 =	vadd.f32 v60, v39;
	v39 =	vld [tilespmem:$0x8200]  }
0x19c: {  	(v2sf) =	vpush v40, $0xF;
	v40 =	vld [tilespmem:$0x7A80]  }
0x19d: {  	[tilespmem:$0x1FFB0] =	vst v46;
	v46 =	vadd.f32 v25, v10;
	v10 =	vadd.f32 v29, v28;
	v29 =	vld [tilespmem:$0xAA00]  }
0x19e: {  	[tilespmem:$0x1FD80] =	vst v62;
	v62 =	vld [tilespmem:$0x5E80]  }
0x19f: {  	v3 =	vadd.f32 v27, v3;
	v28 =	vld [tilespmem:$0xB200]  }
0x1a0: {  	v25 =	vld [tilespmem:$0x1FC80]  }
0x1a1: {  	v3 =	vadd.f32 v5, v3;
	v5 =	vld [tilespmem:$0x8400]  }
0x1a2: {  	[tilespmem:$0x1FFD0] =	vst v63;
	v63 =	vld [tilespmem:$0xA980]  }
0x1a3: {  	[tilespmem:$0x1FDC0] =	vst v62;
	v62 =	vld [tilespmem:$0x6680]  }
0x1a4: {  	v12 =	vadd.f32 v43, v12;
	v43 =	vld [tilespmem:$0x1FB80]  }
0x1a5: {  	[tilespmem:$0x1FFC0] =	vst v49;
	v49 =	vadd.f32 v30, v9;
	v30 =	vld [tilespmem:$0x1FC90]  }
0x1a6: {  	v3 =	vadd.f32 v6, v3;
	v6 =	vld [tilespmem:$0x9400]  }
0x1a7: {  	v12 =	vadd.f32 v53, v12;
	v53 =	vld [tilespmem:$0x1FBD0]  }
0x1a8: {  	[tilespmem:$0x1FE00] =	vst v62;
	v62 =	vld [tilespmem:$0x6E80]  }
0x1a9: {  	v3 =	vadd.f32 v4, v3;
	v4 =	vld [tilespmem:$0xAC00]  }
0x1aa: {  	v35 =	vadd.f32 v35, v40;
	v40 =	vld [tilespmem:$0xB500]  }
0x1ab: {  	v23 =	vadd.f32 v21, v12;
	v12 =	vadd.f32 v55, v33;
	v55 =	vld [tilespmem:$0x1FBF0]  }
0x1ac: {  	v21 =	vld [tilespmem:$0x1FC50]  }
0x1ad: {  	v42, _, _ =	vpop (xrf2);
	[tilespmem:$0x1FE40] =	vst v62;
	v62 =	vld [tilespmem:$0x7680]  }
0x1ae: {  	(v2sf) =	vpush v42, $0xF;
	v42 =	vld [tilespmem:$0x9A80]  }
0x1af: {  	v10 =	vadd.f32 v32, v10;
	v45, _, _ =	vpop (xrf2);
	v33 =	vld [tilespmem:$0x1FCC0]  }
0x1b0: {  	(v2sf) =	vpush v45, $0xF;
	v45 =	vld [tilespmem:$0x7A00]  }
0x1b1: {  	v10 =	vadd.f32 v43, v10;
	v43 =	vld [tilespmem:$0x8A00]  }
0x1b2: {  	[tilespmem:$0x1FE70] =	vst v62;
	v62 =	vld [tilespmem:$0x4F00]  }
0x1b3: {  	v9 =	vadd.f32 v34, v31;
	v31 =	vld [tilespmem:$0x1FCA0]  }
0x1b4: {  	v60, _, _ =	vpop (xrf2);
	v26 =	vadd.f32 v26, v3;
	v3 =	vld [tilespmem:$0xB400]  }
0x1b5: {  	(v2sf) =	vpush v60, $0xF;
	v60 =	vld [tilespmem:$0xB180];
	(xrf2) =	vadd.scan.msk.f32 $0xffff, v23  }
0x1b6: {  	(xrf2) =	vadd.scan.msk.f32 $0xffff, v46;
	v46 =	vld [tilespmem:$0x9C00]  }
0x1b7: {  	v9 =	vadd.f32 v44, v9;
	v12 =	vadd.f32 v50, v12;
	[tilespmem:$0x1FD60] =	vst v62;
	v62 =	vld [tilespmem:$0x5700]  }
0x1b8: {  	v10 =	vadd.f32 v47, v10;
	v16 =	vadd.f32 v16, v26;
	v26 =	vld [tilespmem:$0x9C80]  }
0x1b9: {  	v14 =	vadd.f32 v57, v14;
	v9 =	vadd.f32 v52, v9;
	(xrf2) =	vadd.scan.msk.f32 $0xffff, v49;
	v49 =	vld [tilespmem:$0x1FF40]  }
0x1ba: {  	v12 =	vadd.f32 v54, v12;
	v10 =	vadd.f32 v53, v10;
	v32 =	vld [tilespmem:$0x1FCB0]  }
0x1bb: {  	v9 =	vadd.f32 v55, v9;
	v39 =	vadd.f32 v39, v45;
	v45 =	vld [tilespmem:$0xAD00]  }
0x1bc: {  	v12 =	vadd.f32 v61, v12;
	v10 =	vadd.f32 v58, v10;
	[tilespmem:$0x1FDA0] =	vst v62;
	v62 =	vld [tilespmem:$0x5F00]  }
0x1bd: {  	v14 =	vadd.f32 v20, v14;
	v9 =	vadd.f32 v19, v9;
	v19 =	vld [tilespmem:$0x9280]  }
0x1be: {  	v44 =	vadd.f32 v21, v10;
	v10 =	vadd.f32 v22, v12;
	v12 =	vld [tilespmem:$0x8A80]  }
0x1bf: {  	v21 =	vld [tilespmem:$0xA280]  }
0x1c0: {  	v47 =	vadd.f32 v24, v9;
	v9 =	vadd.f32 v25, v14;
	v25 =	vld [tilespmem:$0x7B00]  }
0x1c1: {  	[tilespmem:$0x1FDE0] =	vst v62;
	v62 =	vld [tilespmem:$0x6700]  }
0x1c2: {  	v22 =	vld [tilespmem:$0x9300]  }
0x1c3: {  	v37 =	vld [tilespmem:$0x1FCF0]  }
0x1c4: {  	v50 =	vadd.f32 v30, v10;
	v10 =	vadd.f32 v32, v31;
	v31 =	vld [tilespmem:$0xAA80]  }
0x1c5: {  	v39 =	vadd.f32 v43, v39;
	v30 =	vld [tilespmem:$0x8300]  }
0x1c6: {  	[tilespmem:$0x1FE20] =	vst v62;
	v62 =	vld [tilespmem:$0x6F00]  }
0x1c7: {  	v17 =	vadd.f32 v17, v39;
	(xrf2) =	vadd.scan.msk.f32 $0xffff, v44;
	v44 =	vld [tilespmem:$0x8C00]  }
0x1c8: {  	(xrf2) =	vadd.scan.msk.f32 $0xffff, v47;
	v47 =	vld [tilespmem:$0xA400]  }
0x1c9: {  	v17 =	vadd.f32 v41, v17;
	v41 =	vld [tilespmem:$0xA580]  }
0x1ca: {  	(xrf2) =	vadd.scan.msk.f32 $0xffff, v50;
	v50 =	vld [tilespmem:$0x1FF50]  }
0x1cb: {  	[tilespmem:$0x1FE60] =	vst v62;
	v62 =	vld [tilespmem:$0x7700]  }
0x1cc: {  	v12 =	vadd.f32 v12, v35;
	v35 =	vld [tilespmem:$0x8580]  }
0x1cd: {  	v57 =	vld [tilespmem:$0x1FD30]  }
0x1ce: {  	v24 =	vld [tilespmem:$0x1FD70]  }
0x1cf: {  	v10 =	vadd.f32 v37, v10;
	v37 =	vld [tilespmem:$0x1FDB0]  }
0x1d0: {  	[tilespmem:$0x1FEA0] =	vst v62;
	v62 =	vld [tilespmem:$0x3F80]  }
0x1d1: {  	v34 =	vld [tilespmem:$0x1FCD0]  }
0x1d2: {  	v36 =	vld [tilespmem:$0x1FCE0]  }
0x1d3: {  	v55 =	vld [tilespmem:$0x1FD20]  }
0x1d4: {  	v56 =	vadd.f32 v56, v59;
	v59 =	vld [tilespmem:$0x1FD50]  }
0x1d5: {  	[tilespmem:$0x1FE80] =	vst v62;
	v62 =	vld [tilespmem:$0x4780]  }
0x1d6: {  	v52 =	vadd.f32 v33, v9;
	v33 =	vld [tilespmem:$0x1FD90]  }
0x1d7: {  	v9 =	vadd.f32 v36, v34;
	v53 =	vld [tilespmem:$0x1FD00]  }
0x1d8: {  	v54 =	vld [tilespmem:$0x1FD10]  }
0x1d9: {  	v15 =	vadd.f32 v55, v9;
	v58 =	vld [tilespmem:$0x1FD40]  }
0x1da: {  	[tilespmem:$0x1FE90] =	vst v62;
	v62 =	vld [tilespmem:$0x4F80]  }
0x1db: {  	v15 =	vadd.f32 v59, v15;
	v59 =	vld [tilespmem:$0x1FE10]  }
0x1dc: {  	v32 =	vld [tilespmem:$0x1FD80]  }
0x1dd: {  	v14 =	vadd.f32 v54, v53;
	v61 =	vld [tilespmem:$0x1FD60]  }
0x1de: {  	v53 =	vld [tilespmem:$0x1FDC0]  }
0x1df: {  	v14 =	vadd.f32 v58, v14;
	[tilespmem:$0x1FED0] =	vst v62;
	v62 =	vld [tilespmem:$0x5780]  }
0x1e0: {  	v10 =	vadd.f32 v57, v10;
	v57 =	vld [tilespmem:$0x1FE00]  }
0x1e1: {  	v14 =	vadd.f32 v32, v14;
	v34 =	vld [tilespmem:$0x1FDA0]  }
0x1e2: {  	v20 =	vadd.f32 v61, v56;
	v56 =	vld [tilespmem:$0x1FDF0]  }
0x1e3: {  	v10 =	vadd.f32 v24, v10;
	v54 =	vld [tilespmem:$0x1FDD0];
	v14 =	vadd.f32 v53, v14  }
0x1e4: {  	[tilespmem:$0x1FEF0] =	vst v62;
	v62 =	vld [tilespmem:$0x5F80]  }
0x1e5: {  	v10 =	vadd.f32 v37, v10;
	v58 =	vadd.f32 v57, v14;
	v57 =	vld [tilespmem:$0x1FE50]  }
0x1e6: {  	v15 =	vadd.f32 v33, v15;
	v55 =	vld [tilespmem:$0x1FDE0]  }
0x1e7: {  	v36 =	vadd.f32 v34, v20;
	v34 =	vadd.f32 v56, v10;
	v56 =	vld [tilespmem:$0x1FE40]  }
0x1e8: {  	v33 =	vadd.f32 v54, v15;
	v54 =	vld [tilespmem:$0x1FE20]  }
0x1e9: {  	[tilespmem:$0x1FF10] =	vst v62;
	v62 =	vld [tilespmem:$0x6780]  }
0x1ea: {  	v61 =	vadd.f32 v59, v33;
	v59 =	vld [tilespmem:$0x1FE70]  }
0x1eb: {  	v24 =	vadd.f32 v55, v36;
	v55 =	vld [tilespmem:$0x1FE30]  }
0x1ec: {  	v36 =	vadd.f32 v56, v58;
	v58 =	vld [tilespmem:$0x1FE60]  }
0x1ed: {  	v24 =	vadd.f32 v54, v24;
	v54 =	vadd.f32 v57, v61;
	v61 =	vld [tilespmem:$0x1FE80]  }
0x1ee: {  	[tilespmem:$0x1FF30] =	vst v62;
	v62 =	vld [tilespmem:$0x7780]  }
0x1ef: {  	v56 =	vld [tilespmem:$0x1FE90]  }
0x1f0: {  	v53 =	vadd.f32 v55, v34;
	v55 =	vadd.f32 v59, v36;
	v59 =	vld [tilespmem:$0x1FEC0]  }
0x1f1: {  	v24 =	vadd.f32 v58, v24;
	v58 =	vld [tilespmem:$0x1FEB0]  }
0x1f2: {  	v25 =	vadd.f32 v30, v25;
	v30 =	vld [tilespmem:$0x7D80]  }
0x1f3: {  	[tilespmem:$0x1FF70] =	vst v62;
	v62 =	vld [tilespmem:$0x8800]  }
0x1f4: {  	v56 =	vadd.f32 v56, v61;
	v61 =	vld [tilespmem:$0x1FED0]  }
0x1f5: {  	v5 =	vadd.f32 v5, v18;
	v12 =	vadd.f32 v19, v12;
	v19 =	vld [tilespmem:$0x9580]  }
0x1f6: {  	v58 =	vadd.f32 v59, v58;
	v59 =	vld [tilespmem:$0x1FEF0]  }
0x1f7: {  	v5 =	vadd.f32 v44, v5;
	v44 =	vld [tilespmem:$0x7E80]  }
0x1f8: {  	v32 =	vld [tilespmem:$0x8B00];
	[tilespmem:$0x1FEE0] =	vst v62  }
0x1f9: {  	v56 =	vadd.f32 v61, v56;
	v23 =	vld [tilespmem:$0x1FEE0]  }
0x1fa: {  	v37 =	vld [tilespmem:$0x8B80]  }
0x1fb: {  	v61 =	vadd.f32 v59, v56;
	v56 =	vld [tilespmem:$0x1FF00]  }
0x1fc: {  	v9 =	vld [tilespmem:$0xB280]  }
0x1fd: {  	v15 =	vld [tilespmem:$0xA300];
	v25 =	vadd.f32 v32, v25  }
0x1fe: {  	v32 =	vld [tilespmem:$0x9700];
	v58 =	vadd.f32 v23, v58  }
0x1ff: {  	v22 =	vadd.f32 v22, v25;
	v25 =	vld [tilespmem:$0x9D80]  }
0x200: {  	v23 =	vadd.f32 v56, v58;
	v58 =	vld [tilespmem:$0x1FF10]  }
0x201: {  	v14 =	vld [tilespmem:$0xAB00]  }
0x202: {  	v20 =	vld [tilespmem:$0x9B00]  }
0x203: {  	v57 =	vld [tilespmem:$0x1FEA0]  }
0x204: {  	v59 =	vld [tilespmem:$0x1FF20]  }
0x205: {  	v27 =	vadd.f32 v58, v61;
	v61 =	vld [tilespmem:$0x1FF30]  }
0x206: {  	v33 =	vld [tilespmem:$0x7B80]  }
0x207: {  	(xrf2) =	vadd.scan.msk.f32 $0xffff, v52;
	v10 =	vld [tilespmem:$0xB300]  }
0x208: {  	v20 =	vadd.f32 v20, v22;
	(xrf2) =	vadd.scan.msk.f32 $0xffff, v53;
	v53 =	vld [tilespmem:$0x1FF80]  }
0x209: {  	(xrf2) =	vadd.scan.msk.f32 $0xffff, v54;
	v57 =	vadd.f32 v57, v24;
	v52 =	vld [tilespmem:$0x1FF70];
	v23 =	vadd.f32 v59, v23  }
0x20a: {  	(xrf2) =	vadd.scan.msk.f32 $0xffff, v55;
	v55 =	vld [tilespmem:$0x1FF90];
	v27 =	vadd.f32 v61, v27  }
0x20b: {  	v15 =	vadd.f32 v15, v20;
	v54, _, _ =	vpop (xrf2);
	(xrf2) =	vadd.scan.msk.f32 $0xffff, v57;
	v57 =	vld [tilespmem:$0x1FFA0];
	v23 =	vadd.f32 v49, v23  }
0x20c: {  	v22 =	vld [tilespmem:$0xAD80];
	v27 =	vadd.f32 v50, v27  }
0x20d: {  	v20 =	vld [tilespmem:$0x7E00];
	v14 =	vadd.f32 v14, v15;
	v23 =	vadd.f32 v51, v23  }
0x20e: {  	v34 =	vld [tilespmem:$0x8380];
	v7 =	vadd.f32 v53, v7;
	v27 =	vadd.f32 v52, v27  }
0x20f: {  	v36 =	vld [tilespmem:$0x9380];
	v10 =	vadd.f32 v10, v14;
	v23 =	vadd.f32 v55, v23  }
0x210: {  	v14 =	vld [tilespmem:$0x9E00];
	(v2sf) =	vpush v54, $0xF;
	v7 =	vadd.f32 v57, v7;
	v56, _, _ =	vpop (xrf2);
	(xrf2) =	vadd.scan.msk.f32 $0xffff, v27  }
0x211: {  	v24 =	vld [tilespmem:$0x9B80];
	(v2sf) =	vpush v56, $0xF;
	v58, _, _ =	vpop (xrf2);
	(xrf2) =	vadd.scan.msk.f32 $0xffff, v23  }
0x212: {  	v62 =	vld [tilespmem:$0x7980];
	(v2sf) =	vpush v58, $0xF;
	v59, _, _ =	vpop (xrf2);
	(xrf2) =	vadd.scan.msk.f32 $0xffff, v7  }
0x213: {  	v58 =	vld [tilespmem:$0x1FFB0];
	(v2sf) =	vpush v59, $0xF;
	v61, _, _ =	vpop (xrf2)  }
0x214: {  	v51 =	vld [tilespmem:$0xB480];
	(v2sf) =	vpush v61, $0xF;
	v52, _, _ =	vpop (xrf2);
	(xrf2) =	vadd.scan.msk.f32 $0xffff, v16  }
0x215: {  	v50 =	vld [tilespmem:$0xAC80];
	v53, _, _ =	vpop (xrf2);
	(v2sf) =	vpush v52, $0xF  }
0x216: {  	v52 =	vld [tilespmem:$0x7D00];
	(v2sf) =	vpush v53, $0xF;
	v54, _, _ =	vpop (xrf2)  }
0x217: {  	v27 =	vld [tilespmem:$0x7C80];
	(v2sf) =	vpush v54, $0xF;
	v55, _, _ =	vpop (xrf2)  }
0x218: {  	v53 =	vadd.f32 v58, v62;
	v62 =	vld [tilespmem:$0x1FFC0];
	(v2sf) =	vpush v55, $0xF;
	v56, _, _ =	vpop (xrf2)  }
0x219: {  	v58 =	vld [tilespmem:$0xA500];
	(v2sf) =	vpush v56, $0xF;
	v57, _, _ =	vpop (xrf2)  }
0x21a: {  	v23 =	vld [tilespmem:$0x8480];
	(v2sf) =	vpush v57, $0xF;
	v59, _, _ =	vpop (xrf2)  }
0x21b: {  	v54 =	vld [tilespmem:$0x8500];
	(v2sf) =	vpush v59, $0xF;
	v61, _, _ =	vpop (xrf2)  }
0x21c: {  	v7 =	vld [tilespmem:$0x8C80];
	(v2sf) =	vpush v61, $0xF;
	v61, _, _ =	vpop (xrf2)  }
0x21d: {  	(v2sf) =	vpush v61, $0xF;
	v61 =	vld [tilespmem:$0x1FFD0]  }
0x21e: {  	v17 =	vadd.f32 v38, v17;
	v55 =	vld [tilespmem:$0x8D00];
	v53 =	vadd.f32 v62, v53;
	v62, _, _ =	vpop (xrf2)  }
0x21f: {  	(v2sf) =	vpush v62, $0xF;
	v62 =	vld [tilespmem:$0x1FFE0]  }
0x220: {  	v17 =	vadd.f32 v29, v17;
	v16 =	vld [tilespmem:$0x9480]  }
0x221: {  	v12 =	vadd.f32 v42, v12;
	v5 =	vadd.f32 v6, v5;
	v56 =	vld [tilespmem:$0x9500]  }
0x222: {  	v17 =	vadd.f32 v28, v17;
	v57 =	vld [tilespmem:$0x9D00];
	v53 =	vadd.f32 v61, v53  }
0x223: {  	v5 =	vadd.f32 v46, v5;
	v38 =	vadd.f32 v23, v27;
	v23 =	vld [tilespmem:$0xA600]  }
0x224: {  	v12 =	vadd.f32 v21, v12;
	v49 =	vadd.f32 v62, v53;
	v53 =	vld [tilespmem:$0x1FFF0]  }
0x225: {  	v5 =	vadd.f32 v47, v5;
	v42 =	vadd.f32 v54, v52;
	v27 =	vld [tilespmem:$0xAE00]  }
0x226: {  	v52 =	vld [tilespmem:$0x8E80];
	v7 =	vadd.f32 v7, v38;
	v62 =	vadd.f32 v34, v33  }
0x227: {  	v12 =	vadd.f32 v31, v12;
	v4 =	vadd.f32 v4, v5;
	v54 =	vld [tilespmem:$0x9E80]  }
0x228: {  	v38 =	vld [tilespmem:$0xA700];
	v7 =	vadd.f32 v16, v7;
	v21 =	vadd.f32 v37, v62  }
0x229: {  	v3 =	vadd.f32 v3, v4;
	v59 =	vld [tilespmem:$0x8D80];
	v43 =	vadd.f32 v53, v49  }
0x22a: {  	v7 =	vadd.f32 v26, v7;
	v34 =	vld [tilespmem:$0x8E00];
	v36 =	vadd.f32 v36, v21  }
0x22b: {  	v37 =	vld [tilespmem:$0x9600];
	v61 =	vadd.f32 v63, v43;
	v43 =	vadd.f32 v55, v42  }
0x22c: {  	v9 =	vadd.f32 v9, v12;
	v7 =	vadd.f32 v48, v7;
	v49 =	vld [tilespmem:$0x8680]  }
0x22d: {  	v12 =	vadd.f32 v24, v36;
	v36 =	vld [tilespmem:$0x8780];
	v6 =	vadd.f32 v56, v43  }
0x22e: {  	v7 =	vadd.f32 v50, v7;
	v63 =	vld [tilespmem:$0x8600];
	v55 =	vadd.f32 v35, v30  }
0x22f: {  	v35 =	vld [tilespmem:$0x7F80];
	v8 =	vadd.f32 v8, v12;
	v6 =	vadd.f32 v57, v6  }
0x230: {  	v7 =	vadd.f32 v51, v7;
	v26 =	vadd.f32 v59, v55;
	v59 =	vld [tilespmem:$0x8700]  }
0x231: {  	v8 =	vadd.f32 v11, v8;
	v57 =	vadd.f32 v58, v6;
	v58 =	vld [tilespmem:$0x7F00]  }
0x232: {  	v53 =	vld [tilespmem:$0x9680];
	v39 =	vadd.f32 v60, v61;
	v11 =	vadd.f32 v49, v44  }
0x233: {  	v62 =	vld [tilespmem:$0x8F00];
	v19 =	vadd.f32 v19, v26;
	v8 =	vadd.f32 v13, v8  }
0x234: {  	v33 =	vld [tilespmem:$0xB580];
	v20 =	vadd.f32 v63, v20;
	v11 =	vadd.f32 v52, v11  }
0x235: {  	v12 =	vld [tilespmem:$0xB600];
	v46 =	vadd.f32 v36, v35;
	v19 =	vadd.f32 v25, v19  }
0x236: {  	v56 =	vld [tilespmem:$0xA680];
	v15 =	vadd.f32 v34, v20;
	v6 =	vadd.f32 v59, v58  }
0x237: {  	(xrf2) =	vadd.scan.msk.f32 $0xffff, v39;
	v34 =	vld [tilespmem:$0x9F00];
	v11 =	vadd.f32 v53, v11;
	v60 =	vadd.f32 v45, v57  }
0x238: {  	v61 =	vld [tilespmem:$0xAE80];
	(xrf2) =	vadd.scan.msk.f32 $0xffff, v17;
	v15 =	vadd.f32 v37, v15;
	v6 =	vadd.f32 v62, v6  }
0x239: {  	v43 =	vld [tilespmem:$0xAF00];
	(xrf2) =	vadd.scan.msk.f32 $0xffff, v9;
	v19 =	vadd.f32 v41, v19;
	v4 =	vadd.f32 v40, v60  }
0x23a: {  	(xrf2) =	vadd.scan.msk.f32 $0xffff, v10;
	v40 =	vld [tilespmem:$0x8F80];
	v39 =	vadd.f32 v14, v15;
	v6 =	vadd.f32 v32, v6  }
0x23b: {  	v44 =	vld [tilespmem:$0x9780];
	(xrf2) =	vadd.scan.msk.f32 $0xffff, v8;
	v42 =	vadd.f32 v54, v11;
	v37 =	vadd.f32 v22, v19  }
0x23c: {  	v63 =	vld [tilespmem:$0xB680];
	(xrf2) =	vadd.scan.msk.f32 $0xffff, v3;
	v3 =	vadd.f32 v23, v39;
	v6 =	vadd.f32 v34, v6  }
0x23d: {  	v47 =	vld [tilespmem:$0xB700];
	v45 =	vadd.f32 v56, v42;
	v41 =	vadd.f32 v33, v37  }
0x23e: {  	v48 =	vld [tilespmem:$0x9F80];
	(xrf2) =	vadd.scan.msk.f32 $0xffff, v7;
	v3 =	vadd.f32 v27, v3;
	v6 =	vadd.f32 v38, v6  }
0x23f: {  	s24 =	spop (v2sf);
	v5 =	vadd.f32 v61, v45;
	v49 =	vadd.f32 v40, v46  }
0x240: {  	s25 =	spop (v2sf);
	v51 =	vld [tilespmem:$0xA780];
	(xrf2) =	vadd.scan.msk.f32 $0xffff, v4;
	v3 =	vadd.f32 v12, v3;
	v50 =	vadd.f32 v43, v6  }
0x241: {  	s23 =	spop (v2sf);
	v52, _, _ =	vpop (xrf2);
	(xrf2) =	vadd.scan.msk.f32 $0xffff, v41;
	v5 =	vadd.f32 v63, v5;
	v7 =	vadd.f32 v44, v49  }
0x242: {  	s4 =	spop (v2sf);
	v54 =	vld [tilespmem:$0xAF80];
	v53, _, _ =	vpop (xrf2);
	(xrf2) =	vadd.scan.msk.f32 $0xffff, v3;
	v3 =	vadd.f32 v47, v50  }
0x243: {  	s21 =	spop (v2sf);
	(v2sf) =	vpush v52, $0xF;
	v55, _, _ =	vpop (xrf2);
	v56 =	vadd.f32 v48, v7;
	(xrf2) =	vadd.scan.msk.f32 $0xffff, v5  }
0x244: {  	s16 =	spop (v2sf);
	(v2sf) =	vpush v53, $0xF;
	v57, _, _ =	vpop (xrf2);
	(xrf2) =	vadd.scan.msk.f32 $0xffff, v3;
	v3 =	vld [tilespmem:$0xB780]  }
0x245: {  	s3 =	spop (v2sf);
	(v2sf) =	vpush v55, $0xF;
	v5 =	vadd.f32 v51, v56  }
0x246: {  	s22 =	spop (v2sf);
	v58, _, _ =	vpop (xrf2);
	(v2sf) =	vpush v57, $0xF  }
0x247: {  	s5 =	spop (v2sf);
	v59, _, _ =	vpop (xrf2);
	(v2sf) =	vpush v58, $0xF;
	v4 =	vadd.f32 v54, v5  }
0x248: {  	s14 =	smov.u32 s15;
	s15 =	smov.u32 s6;
	s6 =	spop (v2sf);
	v60, _, _ =	vpop (xrf2);
	(v2sf) =	vpush v59, $0xF  }
0x249: {  	s7 =	spop (v2sf);
	(v2sf) =	vpush v60, $0xF;
	v3 =	vadd.f32 v3, v4  }
0x24a: {  	s2 =	smov.u32 s8;
	s8 =	spop (v2sf);
	v61, _, _ =	vpop (xrf2)  }
0x24b: {  	s0 =	smov.u32 s1;
	s1 =	smov.u32 s9;
	s9 =	spop (v2sf);
	v62, _, _ =	vpop (xrf2);
	(xrf2) =	vadd.scan.msk.f32 $0xffff, v3  }
0x24c: {  	s17 =	smov.u32 s10;
	s10 =	spop (v2sf);
	(v2sf) =	vpush v61, $0xF  }
0x24d: {  	s28 =	smov.u32 s11;
	s11 =	spop (v2sf);
	(v2sf) =	vpush v62, $0xF  }
0x24e: {  	s20 =	smov.u32 s18;
	s29 =	spop (v2sf)  }
0x24f: {  	s18 =	smov.u32 s19;
	s19 =	smov.u32 s12;
	s12 =	spop (v2sf);
	v3, _, _ =	vpop (xrf2)  }
0x250: {  	s5 =	smul.f32 s5, s24;
	s24 =	spop (v2sf);
	(v2sf) =	vpush v3, $0xF  }
0x251: {  	s30 =	smov.u32 s13;
	s13 =	spop (v2sf);
	v63, _, _ =	vpop (xrf2)  }
0x252: {  	s6 =	smul.f32 s6, s25;
	s25 =	spop (v2sf);
	(v2sf) =	vpush v63, $0xF  }
0x253: {  	s7 =	smul.f32 s7, s23;
	s31 =	spop (v2sf);
	v3, _, _ =	vpop (xrf2)  }
0x254: {  	s5 =	sadd.f32 s6, s5;
	s6 =	spop (v2sf);
	(v2sf) =	vpush v3, $0xF  }
0x255: {  	s4 =	smul.f32 s8, s4;
	s23 =	spop (v2sf);
	v3, _, _ =	vpop (xrf2)  }
0x256: {  	s5 =	sadd.f32 s7, s5;
	s7 =	spop (v2sf);
	(v2sf) =	vpush v3, $0xF  }
0x257: {  	s9 =	smul.f32 s9, s21;
	s8 =	spop (v2sf)  }
0x258: {  	s8 =	smul.f32 s8, s12;
	s12 =	spop (v2sf)  }
0x259: {  	s12 =	smul.f32 s12, s24  }
0x25a: {  	s3 =	smul.f32 s11, s3;
	s4 =	sadd.f32 s4, s5  }
0x25b: {  	s5 =	sadd.f32 s12, s8;
	s12 =	spop (v2sf)  }
0x25c: {  	s8 =	smul.f32 s12, s13;
	s24 =	spop (v2sf)  }
0x25d: {  	s4 =	sadd.f32 s9, s4;
	s12 =	smul.f32 s24, s25  }
0x25e: {  	s24 =	smul.f32 s10, s16;
	s5 =	sadd.f32 s8, s5  }
0x25f: {  	s16 =	smul.f32 s29, s22;
	s13 =	spop (v2sf)  }
0x260: {  	s5 =	sadd.f32 s12, s5;
	s25 =	smul.f32 s13, s31  }
0x261: {  	s4 =	sadd.f32 s24, s4;
	s8 =	spop (v2sf)  }
0x262: {  	s6 =	smul.f32 s8, s6;
	s5 =	sadd.f32 s25, s5  }
0x263: {  	s3 =	sadd.f32 s3, s4;
	s21 =	spop (v2sf)  }
0x264: {  	s21 =	smul.f32 s21, s23;
	s5 =	sadd.f32 s6, s5  }
0x265: {  	s3 =	sadd.f32 s16, s3;
	s22 =	spop (v2sf)  }
0x266: {  	s5 =	sadd.f32 s21, s5;
	s4 =	smul.f32 s22, s7  }
0x267: {  	s3 =	sadd.f32 $0.0e+00, s3  }
0x268: {  	s4 =	sadd.f32 s4, s5  }
0x269: {  	s11 =	smov.u32 s28;
	s28 =	simm.s32 $0xC00  }
0x26a: {  	s9 =	smov.u32 s1;
	s1 =	smov.u32 s0;
	s3 =	sadd.f32 s4, s3  }
0x26b: {  	s0 =	simm.s32 $0x80;
	s10 =	smov.u32 s17;
	s17 =	simm.s32 $0x800  }
0x26c: {  	s29 =	simm.s32 $0x1000;
	s24 =	simm.s32 $0xB800;
	s3 =	smul.f32 $1.490116190e-11, s3  }
0x26d: {  	s12 =	smov.u32 s19;
	s19 =	smov.u32 s18;
	s18 =	smov.u32 s20  }
0x26e: {  	vm0 =	vcmask $0x300;
	s20 =	simm.s32 $0x1C00;
	s13 =	smov.u32 s30;
	s23 =	rddreg [dreg:$0x8];
	v3 =	vmov s3  }
0x26f: {  	s8 =	smov.u32 s2;
	s2 =	simm.s32 $0x0;
	s7 =	rddreg [dreg:$0x7];
	v3 =	vnsel vm0, $0x0, v3  }
.Ltmp4:
0x270: {  	s25 =	simm.s32 $0x2;
	s5 =	rddreg [dreg:$0x9];
	[tilespmem:$0xB800] =	vst v3;
	(pc) =	sbr.rel .LBB2_5-.Ltmp4, $4  }
0x271: {  	[hbm4b:s23+s2] =	stream.linear.scatter [tilespmem:s24], [sflag:$0x2], $0x10, $0x38;
	[tilespmem:$0xB980] =	vst v63  }
0x272: {  	s31 =	simm.s32 $0x1800;
	s4 =	rddreg [dreg:$0x6];
	_ =	swait.ge [sflag:s25], $0x10  }
0x273: {  	s30 =	simm.s32 $0x1400;
	s6 =	smov.u32 s15;
	[sflag:s25] =	ssyncset.done $0x0  }
0x274: {  	s15 =	smov.u32 s14;
	s14 =	simm.s32 $0x400;
	[sflag:s25] =	ssyncadd.s32 $0xFFFFFFF0  }
.LBB2_6:
0x275: {  	_ =	sfence.sel $0x180000  }
0x276: {  	[bflag:$0x0] =	sbarrier.arrive $0xFFFF  }
0x277: {  	_ =	strace $0x90000047  }
0x278: {  	[bflag:$0x2] =	sbarrier.arrive $0xFFFF  }
0x279: {  	s0 =	rddreg [dreg:$0x5]  }
0x27a: {  	s0 =	sadd.s32 @!p0 $0x100000, s0  }
0x27b: {  	[sflag:s0] =	ssyncadd.tile.s32 @!p0 $0x1;
	_ =	shalt  }
.Lfunc_end2:
_tile_overlayer_lowered:
.L_overlay_start_2:
0x27c: {  	(tag) =	ssettag $0x2  }
0x27d: {  	s0 =	rddreg [dreg:$0x0];
	s2 =	stileid.u32  }
0x27e: {  	s1 =	rddreg [dreg:$0x1];
	p0 =	sne.s32 s2, $0x0  }
0x27f: {  	s3 =	rddreg [dreg:$0x2];
	[bflag:$0x3] =	sbarrier.arrive $0xFFFF;
	s2 =	simm.s32 @!p0 $0x1C02  }
0x280: {  	[timem:s3], [sflag:s2] =	dma.local @!p0 [hbm:s0], s1  }
0x281: {  	s0 =	simm.s32 @!p0 $0x2  }
0x282: {  	_ =	swait.ge @!p0 [sflag:s0], s1  }
0x283: {  	s1 =	ssub.s32 @!p0 $0x0, s1;
	[sflag:s0] =	ssyncset.done @!p0 $0x0  }
0x284: {  	[sflag:s0] =	ssyncadd.s32 @!p0 s1  }
0x285: {  	[bflag:$0x3] =	sbarrier.arrive $0xFFFF  }
0x286: {  	_ =	shalt  }

</sc_bundles>
